<compile_context>
chip_gen: v7x
topology: tpu7x:2x2x1
jax: 0.10.2.dev20260603
libtpu: 0.0.44.dev20260713+nightly
codegen_flags: <defaults>
</compile_context>

<pallas_src>
import functools

import jax
import jax.numpy as jnp
from jax import lax
from jax.experimental import pallas as pl
from jax.experimental.pallas import tpu as pltpu
from jax.experimental.pallas import tpu_sc as plsc

N_NODES = 10000
D = 128
E = 320000
E_LABEL = 100000
NC = 2
NS = 16
NW = NC * NS
CHUNK = 128

TOT_CH = 2560
E_PAD = TOT_CH * CHUNK
CH_PER_W = TOT_CH // NS
QCH = 40
N_STAGES = CH_PER_W // QCH

L_CHUNKS = 26
L_PER_W = L_CHUNKS * CHUNK
L_PAD = L_PER_W * NW

ACC_ROWS = 10240
ZROWS = ACC_ROWS // NS

_MESH = plsc.VectorSubcoreMesh(core_axis_name="c", subcore_axis_name="s")


def _segsum_body(xa_hbm, xb_hbm, srcs_hbm, dsts_hbm, zacc_hbm,
                 acc_hbm, idx_s, idx_d, rows0, rows1, sem0, sem1, acc_sh):
    cid = lax.axis_index("c")
    sid = lax.axis_index("s")

    z0 = sid * ZROWS
    pltpu.sync_copy(zacc_hbm, rows0)

    @pl.loop(0, ZROWS // CHUNK)
    def _(i):
        pltpu.sync_copy(rows0, acc_sh.at[pl.ds(z0 + i * CHUNK, CHUNK)])

    r0 = sid * CH_PER_W
    plsc.subcore_barrier()

    rows = (rows0, rows1)
    sems = (sem0, sem1)

    def run(x_hbm):
        @pl.loop(0, N_STAGES)
        def _(h):
            pltpu.sync_copy(srcs_hbm.at[cid, pl.ds(r0 + h * QCH, QCH)], idx_s)
            pltpu.sync_copy(dsts_hbm.at[cid, pl.ds(r0 + h * QCH, QCH)], idx_d)
            pltpu.async_copy(x_hbm.at[idx_s.at[0]], rows0, sem0)
            pltpu.async_copy(x_hbm.at[idx_s.at[1]], rows1, sem1)

            @pl.loop(0, QCH, step=2)
            def _(k):
                for b in range(2):
                    pltpu.make_async_copy(x_hbm.at[idx_s.at[0]], rows[b], sems[b]).wait()
                    pltpu.sync_copy(rows[b], acc_sh.at[idx_d.at[k + b]], add=True)

                    @pl.when(k + b + 2 < QCH)
                    def _():
                        pltpu.async_copy(x_hbm.at[idx_s.at[k + b + 2]], rows[b], sems[b])

    @pl.when(cid == 0)
    def _():
        run(xa_hbm)

    @pl.when(cid == 1)
    def _():
        run(xb_hbm)

    plsc.subcore_barrier()
    pltpu.sync_copy(acc_sh.at[pl.ds(z0, ZROWS)],
                    acc_hbm.at[cid, pl.ds(z0, ZROWS)])


_SEGSUM = pl.kernel(
    _segsum_body,
    out_type=jax.ShapeDtypeStruct((NC, ACC_ROWS, D), jnp.float32),
    mesh=_MESH,
    scratch_types=[
        pltpu.VMEM((QCH, CHUNK), jnp.int32),
        pltpu.VMEM((QCH, CHUNK), jnp.int32),
        pltpu.VMEM((CHUNK, D), jnp.float32),
        pltpu.VMEM((CHUNK, D), jnp.float32),
        pltpu.SemaphoreType.DMA,
        pltpu.SemaphoreType.DMA,
        pltpu.VMEM_SHARED((ACC_ROWS, D), jnp.float32),
    ])


CW = 128


def _count_body(dsts_hbm, zcnt_hbm, ones_hbm,
                cnt_hbm, idx_d, ones_v, cnt_sh):
    cid = lax.axis_index("c")
    sid = lax.axis_index("s")

    z0 = sid * ZROWS
    pltpu.sync_copy(zcnt_hbm, ones_v)

    @pl.loop(0, ZROWS // CHUNK)
    def _(i):
        pltpu.sync_copy(ones_v, cnt_sh.at[pl.ds(z0 + i * CHUNK, CHUNK)])

    pltpu.sync_copy(ones_hbm, ones_v)
    r0 = sid * CH_PER_W
    pltpu.sync_copy(dsts_hbm.at[cid, pl.ds(r0, CH_PER_W)], idx_d)
    plsc.subcore_barrier()

    @pl.loop(0, CH_PER_W)
    def _(k):
        pltpu.sync_copy(ones_v, cnt_sh.at[idx_d.at[k]], add=True)

    plsc.subcore_barrier()
    pltpu.sync_copy(cnt_sh.at[pl.ds(z0, ZROWS)],
                    cnt_hbm.at[cid, pl.ds(z0, ZROWS)])


_COUNT = pl.kernel(
    _count_body,
    out_type=jax.ShapeDtypeStruct((NC, ACC_ROWS, CW), jnp.float32),
    mesh=_MESH,
    scratch_types=[
        pltpu.VMEM((CH_PER_W, CHUNK), jnp.int32),
        pltpu.VMEM((CHUNK, CW), jnp.float32),
        pltpu.VMEM_SHARED((ACC_ROWS, CW), jnp.float32),
    ])


def _gather_labels(xu, xm, lu, lm):
    out_type = (jax.ShapeDtypeStruct((L_PAD, D), jnp.float32),
                jax.ShapeDtypeStruct((L_PAD, D), jnp.float32))
    scratch = [
        pltpu.VMEM((L_PER_W,), jnp.int32),
        pltpu.VMEM((L_PER_W,), jnp.int32),
        pltpu.VMEM((CHUNK, D), jnp.float32),
        pltpu.VMEM((CHUNK, D), jnp.float32),
        pltpu.VMEM((CHUNK, D), jnp.float32),
        pltpu.VMEM((CHUNK, D), jnp.float32),
        pltpu.SemaphoreType.DMA,
        pltpu.SemaphoreType.DMA,
        pltpu.SemaphoreType.DMA,
        pltpu.SemaphoreType.DMA,
    ]

    def body(xu_hbm, xm_hbm, lu_hbm, lm_hbm, fu_hbm, fm_hbm,
             idx_u, idx_m, ru0, ru1, rm0, rm1, su0, su1, sm0, sm1):
        cid = lax.axis_index("c")
        sid = lax.axis_index("s")
        wid = sid * NC + cid
        base = wid * L_PER_W
        pltpu.sync_copy(lu_hbm.at[pl.ds(base, L_PER_W)], idx_u)
        pltpu.sync_copy(lm_hbm.at[pl.ds(base, L_PER_W)], idx_m)

        ru = (ru0, ru1)
        rm = (rm0, rm1)
        su = (su0, su1)
        sm = (sm0, sm1)
        for b in range(2):
            pltpu.async_copy(xu_hbm.at[idx_u.at[pl.ds(b * CHUNK, CHUNK)]], ru[b], su[b])
            pltpu.async_copy(xm_hbm.at[idx_m.at[pl.ds(b * CHUNK, CHUNK)]], rm[b], sm[b])

        @pl.loop(0, L_CHUNKS, step=2)
        def _(k):
            for b in range(2):
                off = base + (k + b) * CHUNK
                pltpu.make_async_copy(xu_hbm.at[idx_u.at[pl.ds(0, CHUNK)]], ru[b], su[b]).wait()
                pltpu.make_async_copy(xm_hbm.at[idx_m.at[pl.ds(0, CHUNK)]], rm[b], sm[b]).wait()
                pltpu.sync_copy(ru[b], fu_hbm.at[pl.ds(off, CHUNK)])
                pltpu.sync_copy(rm[b], fm_hbm.at[pl.ds(off, CHUNK)])

                @pl.when(k + b + 2 < L_CHUNKS)
                def _():
                    nxt = (k + b + 2) * CHUNK
                    pltpu.async_copy(xu_hbm.at[idx_u.at[pl.ds(nxt, CHUNK)]], ru[b], su[b])
                    pltpu.async_copy(xm_hbm.at[idx_m.at[pl.ds(nxt, CHUNK)]], rm[b], sm[b])

    f = pl.kernel(body, out_type=out_type, mesh=_MESH, scratch_types=scratch)
    return f(xu, xm, lu, lm)


_BLK = 400


def _combine_body(acc_ref, cnt_ref, x_ref, wl_ref, b_ref, wr_ref, o_ref):
    a = acc_ref[...]
    c = cnt_ref[...][:, :1]
    mean = a * (1.0 / jnp.maximum(c, 1.0))
    o = (jnp.dot(mean, wl_ref[...], preferred_element_type=jnp.float32)
         + jnp.dot(x_ref[...], wr_ref[...], preferred_element_type=jnp.float32)
         + b_ref[...])
    o_ref[...] = jnp.where(o >= 0.0, o, 0.01 * o)


def _combine(acc, cnt, x_dst, w_l, b_l, w_r):
    return pl.pallas_call(
        _combine_body,
        out_shape=jax.ShapeDtypeStruct((N_NODES, D), jnp.float32),
        grid=(N_NODES // _BLK,),
        in_specs=[
            pl.BlockSpec((_BLK, D), lambda i: (i, 0)),
            pl.BlockSpec((_BLK, CW), lambda i: (i, 0)),
            pl.BlockSpec((_BLK, D), lambda i: (i, 0)),
            pl.BlockSpec((D, D), lambda i: (0, 0)),
            pl.BlockSpec((1, D), lambda i: (0, 0)),
            pl.BlockSpec((D, D), lambda i: (0, 0)),
        ],
        out_specs=pl.BlockSpec((_BLK, D), lambda i: (i, 0)),
    )(acc, cnt, x_dst, w_l, b_l.reshape(1, D), w_r)


_DBLK = 1024


def _dot_body(u_ref, m_ref, o_ref):
    u = u_ref[...].astype(jnp.float32)
    m = m_ref[...].astype(jnp.float32)
    o_ref[...] = jnp.sum(u * m, axis=1)


def _dot(fu, fm):
    return pl.pallas_call(
        _dot_body,
        out_shape=jax.ShapeDtypeStruct((L_PAD,), jnp.float32),
        grid=(L_PAD // _DBLK,),
        in_specs=[pl.BlockSpec((_DBLK, D), lambda i: (i, 0)),
                  pl.BlockSpec((_DBLK, D), lambda i: (i, 0))],
        out_specs=pl.BlockSpec((_DBLK,), lambda i: (i,)),
    )(fu, fm)




def _pad_edges(ei):
    src = ei[0].astype(jnp.int32)
    dst = ei[1].astype(jnp.int32)
    pad = E_PAD - E
    src = jnp.concatenate([src, jnp.zeros((pad,), jnp.int32)])
    dst = jnp.concatenate([dst, jnp.full((pad,), N_NODES, jnp.int32)])
    return src.reshape(-1, CHUNK), dst.reshape(-1, CHUNK)


def kernel(x_user, x_movie, edge_index_rates, edge_index_rev, edge_label_index,
           W_l_rates_0, b_l_rates_0, W_r_rates_0, W_l_rev_0, b_l_rev_0, W_r_rev_0,
           W_l_rates_1, b_l_rates_1, W_r_rates_1, W_l_rev_1, b_l_rev_1, W_r_rev_1):
    src_r, dst_r = _pad_edges(edge_index_rates)
    src_v, dst_v = _pad_edges(edge_index_rev)
    srcs = jnp.stack([src_r, src_v])
    dsts = jnp.stack([dst_r, dst_v])
    lpad = L_PAD - E_LABEL
    lu = jnp.concatenate([edge_label_index[0].astype(jnp.int32),
                          jnp.zeros((lpad,), jnp.int32)])
    lm = jnp.concatenate([edge_label_index[1].astype(jnp.int32),
                          jnp.zeros((lpad,), jnp.int32)])

    zacc = jnp.zeros((CHUNK, D), jnp.float32)
    zcnt = jnp.zeros((CHUNK, CW), jnp.float32)
    ones = jnp.ones((CHUNK, CW), jnp.float32)

    cnt = _COUNT(dsts, zcnt, ones)

    acc = _SEGSUM(x_user, x_movie, srcs, dsts, zacc)
    xm1 = _combine(acc[0], cnt[0], x_movie, W_l_rates_0, b_l_rates_0, W_r_rates_0)
    xu1 = _combine(acc[1], cnt[1], x_user, W_l_rev_0, b_l_rev_0, W_r_rev_0)

    acc1 = _SEGSUM(xu1, xm1, srcs, dsts, zacc)
    xm2 = _combine(acc1[0], cnt[0], xm1, W_l_rates_1, b_l_rates_1, W_r_rates_1)
    xu2 = _combine(acc1[1], cnt[1], xu1, W_l_rev_1, b_l_rev_1, W_r_rev_1)

    fu, fm = _gather_labels(xu2, xm2, lu, lm)
    return _dot(fu, fm)[:E_LABEL]

# --- scband reference (transcript-rebuilt; emitter-appended) ---
"""Pipeline reference for scband-model-44641890074985 (READ-ONLY COPY).

The authoritative reference and input builder live on the scoring server;
editing this copy changes nothing except your own understanding.
"""

import jax, jax.numpy as jnp
import numpy as np

N_USER = 10000
N_MOVIE = 10000
E = 320000
E_LABEL = 100000
D = 128
HID = 128
NUM_LAYERS = 2


def setup_inputs(seed: int = 0) -> dict:
    key = jax.random.key(seed)
    ks = jax.random.split(key, 20)
    inp = {}
    inp["x_user"] = jax.random.normal(ks[0], (N_USER, D), dtype=jnp.float32)
    inp["x_movie"] = jax.random.normal(ks[1], (N_MOVIE, D), dtype=jnp.float32)
    inp["edge_index_rates"] = jax.random.randint(ks[2], (2, E), 0, N_MOVIE)
    inp["edge_index_rev"] = jax.random.randint(ks[3], (2, E), 0, N_USER)
    inp["edge_label_index"] = jax.random.randint(ks[4], (2, E_LABEL), 0, N_USER)
    i = 5
    for l in range(NUM_LAYERS):
        for et in ("rates", "rev"):
            inp[f"W_l_{et}_{l}"] = jax.random.normal(ks[i], (HID, HID), dtype=jnp.float32) * 0.05
            i += 1
            inp[f"b_l_{et}_{l}"] = jnp.zeros((HID,), dtype=jnp.float32)
            inp[f"W_r_{et}_{l}"] = jax.random.normal(ks[i], (HID, HID), dtype=jnp.float32) * 0.05
            i += 1
    return inp


def _sage(x_src, x_dst, edge_index, W_l, b_l, W_r, n_dst):
    # PyG SAGEConv (aggr='mean', root_weight=True):
    # out = lin_l(mean_{j in N(i)} x_j) + lin_r(x_i)
    src = edge_index[0]
    dst = edge_index[1]
    msgs = jnp.take(x_src, src, axis=0)
    s = jax.ops.segment_sum(msgs, dst, num_segments=n_dst)
    cnt = jax.ops.segment_sum(jnp.ones((msgs.shape[0], 1), msgs.dtype), dst, num_segments=n_dst)
    mean = s / jnp.clip(cnt, 1.0)
    return mean @ W_l + b_l + x_dst @ W_r


def reference(x_user, x_movie, edge_index_rates, edge_index_rev, edge_label_index,
              W_l_rates_0, b_l_rates_0, W_r_rates_0, W_l_rev_0, b_l_rev_0, W_r_rev_0,
              W_l_rates_1, b_l_rates_1, W_r_rates_1, W_l_rev_1, b_l_rev_1, W_r_rev_1):
    xu, xm = x_user, x_movie
    params = [
        ((W_l_rates_0, b_l_rates_0, W_r_rates_0), (W_l_rev_0, b_l_rev_0, W_r_rev_0)),
        ((W_l_rates_1, b_l_rates_1, W_r_rates_1), (W_l_rev_1, b_l_rev_1, W_r_rev_1)),
    ]
    for (p_rates, p_rev) in params:
        # HeteroConv: each dst node type aggregated (sum) over incoming edge types;
        # here each node type has exactly one incoming edge type.
        new_m = _sage(xu, xm, edge_index_rates, p_rates[0], p_rates[1], p_rates[2], N_MOVIE)
        new_u = _sage(xm, xu, edge_index_rev, p_rev[0], p_rev[1], p_rev[2], N_USER)
        xu = jax.nn.leaky_relu(new_u, negative_slope=0.01)
        xm = jax.nn.leaky_relu(new_m, negative_slope=0.01)
    # Classifier: dot product over label edges (user -> movie)
    feat_u = jnp.take(xu, edge_label_index[0], axis=0)
    feat_m = jnp.take(xm, edge_label_index[1], axis=0)
    return (feat_u * feat_m).sum(axis=-1)

if __name__ == "__main__":
    import jax
    _d = setup_inputs()
    print(jax.jit(kernel)(*tuple(_d.values())))

</pallas_src>

<mosaic_0001>
#map = affine_map<(d0, d1) -> (0, 0, 0)>
#map1 = affine_map<(d0, d1) -> (0, 0)>
module attributes {stable_mosaic.version = 14 : i64} {
  func.func @_count_body(%arg0: i32, %arg1: i32, %arg2: memref<2x2560x128xi32, #tpu.memory_space<hbm>>, %arg3: memref<128x128xf32, #tpu.memory_space<hbm>>, %arg4: memref<128x128xf32, #tpu.memory_space<hbm>>, %arg5: memref<2x10240x128xf32, #tpu.memory_space<hbm>>, %arg6: memref<160x128xi32, #tpu.memory_space<vmem>>, %arg7: memref<128x128xf32, #tpu.memory_space<vmem>>, %arg8: memref<10240x128xf32, #tpu.memory_space<vmem_shared>>) attributes {dimension_semantics = [#tpu.dimension_semantics<core_parallel>, #tpu.dimension_semantics<subcore_parallel>], iteration_bounds = array<i64: 2, 16>, scalar_prefetch = 0 : i64, scratch_operands = 3 : i64, tpu.core_type = #tpu.core_type<sc_vector_subcore>, window_params = [{transform_indices = #map}, {transform_indices = #map1}, {transform_indices = #map1}, {transform_indices = #map}]} {
    %mul3A = arith.constant 640 : i32
    %mul3A_0 = arith.muli %arg1, %mul3A : i32
    "tpu.region"() ({
      %run_scoped3A = tpu.sem_alloc : memref<!tpu.dma_semaphore, #tpu.memory_space<semaphore_mem>>
      tpu.enqueue_dma source(%arg3 : memref<128x128xf32, #tpu.memory_space<hbm>>) target(%arg7 : memref<128x128xf32, #tpu.memory_space<vmem>>) target_semaphore(%run_scoped3A : memref<!tpu.dma_semaphore, #tpu.memory_space<semaphore_mem>>)
      tpu.wait_dma2 semaphore(%run_scoped3A : memref<!tpu.dma_semaphore, #tpu.memory_space<semaphore_mem>>) src(%arg3 : memref<128x128xf32, #tpu.memory_space<hbm>>) dst(%arg7 : memref<128x128xf32, #tpu.memory_space<vmem>>)
      tpu.yield
    }) : () -> ()
    %scan3A = arith.constant 0 : i32
    %scan3A_1 = arith.constant 5 : i32
    %scan3A_2 = arith.addi %scan3A, %scan3A_1 : i32
    %scan3A_3 = arith.constant 1 : i32
    scf.for %scan3A_13 = %scan3A to %scan3A_2 step %scan3A_3  : i32 {
      %mul3A_14 = arith.constant 1 : i32
      %mul3A_15 = arith.muli %scan3A_13, %mul3A_14 : i32
      %add3A = arith.constant 0 : i32
      %add3A_16 = arith.addi %add3A, %mul3A_15 : i32
      %mul3A_17 = arith.constant 128 : i32
      %mul3A_18 = arith.muli %add3A_16, %mul3A_17 : i32
      %add3A_19 = arith.addi %mul3A_0, %mul3A_18 : i32
      "tpu.region"() ({
        %run_scoped3A = tpu.sem_alloc : memref<!tpu.dma_semaphore, #tpu.memory_space<semaphore_mem>>
        %dma_start3A = arith.constant 0 : i32
        %dma_start3A_20 = tpu.memref_slice %arg8[%add3A_19, %dma_start3A] : memref<10240x128xf32, #tpu.memory_space<vmem_shared>> -> memref<128x128xf32, #tpu.memory_space<vmem_shared>>
        %dma_start3A_21 = arith.constant 0 : i32
        %dma_start3A_22 = tpu.memref_slice %arg8[%add3A_19, %dma_start3A_21] : memref<10240x128xf32, #tpu.memory_space<vmem_shared>> -> memref<128x128xf32, #tpu.memory_space<vmem_shared>>
        tpu.enqueue_dma source(%arg7 : memref<128x128xf32, #tpu.memory_space<vmem>>) target(%dma_start3A_22 : memref<128x128xf32, #tpu.memory_space<vmem_shared>>) target_semaphore(%run_scoped3A : memref<!tpu.dma_semaphore, #tpu.memory_space<semaphore_mem>>)
        %dma_wait3A = arith.constant 0 : i32
        %dma_wait3A_23 = tpu.memref_slice %arg8[%add3A_19, %dma_wait3A] : memref<10240x128xf32, #tpu.memory_space<vmem_shared>> -> memref<128x128xf32, #tpu.memory_space<vmem_shared>>
        %dma_wait3A_24 = arith.constant 0 : i32
        %dma_wait3A_25 = tpu.memref_slice %arg8[%add3A_19, %dma_wait3A_24] : memref<10240x128xf32, #tpu.memory_space<vmem_shared>> -> memref<128x128xf32, #tpu.memory_space<vmem_shared>>
        tpu.wait_dma2 semaphore(%run_scoped3A : memref<!tpu.dma_semaphore, #tpu.memory_space<semaphore_mem>>) src(%arg7 : memref<128x128xf32, #tpu.memory_space<vmem>>) dst(%dma_wait3A_25 : memref<128x128xf32, #tpu.memory_space<vmem_shared>>)
        tpu.yield
      }) : () -> ()
    }
    %scan3A_4 = arith.constant 5 : i32
    "tpu.region"() ({
      %run_scoped3A = tpu.sem_alloc : memref<!tpu.dma_semaphore, #tpu.memory_space<semaphore_mem>>
      tpu.enqueue_dma source(%arg4 : memref<128x128xf32, #tpu.memory_space<hbm>>) target(%arg7 : memref<128x128xf32, #tpu.memory_space<vmem>>) target_semaphore(%run_scoped3A : memref<!tpu.dma_semaphore, #tpu.memory_space<semaphore_mem>>)
      tpu.wait_dma2 semaphore(%run_scoped3A : memref<!tpu.dma_semaphore, #tpu.memory_space<semaphore_mem>>) src(%arg4 : memref<128x128xf32, #tpu.memory_space<hbm>>) dst(%arg7 : memref<128x128xf32, #tpu.memory_space<vmem>>)
      tpu.yield
    }) : () -> ()
    %mul3A_5 = arith.constant 160 : i32
    %mul3A_6 = arith.muli %arg1, %mul3A_5 : i32
    "tpu.region"() ({
      %run_scoped3A = tpu.sem_alloc : memref<!tpu.dma_semaphore, #tpu.memory_space<semaphore_mem>>
      %dma_start3A = arith.constant 0 : i32
      %dma_start3A_13 = tpu.memref_slice %arg2[%arg0, %mul3A_6, %dma_start3A] : memref<2x2560x128xi32, #tpu.memory_space<hbm>> -> memref<1x160x128xi32, #tpu.memory_space<hbm>>
      %dma_start3A_14 = tpu.memref_squeeze %dma_start3A_13 : memref<1x160x128xi32, #tpu.memory_space<hbm>> -> memref<160x128xi32, #tpu.memory_space<hbm>>
      %dma_start3A_15 = arith.constant 0 : i32
      %dma_start3A_16 = tpu.memref_slice %arg2[%arg0, %mul3A_6, %dma_start3A_15] : memref<2x2560x128xi32, #tpu.memory_space<hbm>> -> memref<1x160x128xi32, #tpu.memory_space<hbm>>
      %dma_start3A_17 = tpu.memref_squeeze %dma_start3A_16 : memref<1x160x128xi32, #tpu.memory_space<hbm>> -> memref<160x128xi32, #tpu.memory_space<hbm>>
      tpu.enqueue_dma source(%dma_start3A_17 : memref<160x128xi32, #tpu.memory_space<hbm>>) target(%arg6 : memref<160x128xi32, #tpu.memory_space<vmem>>) target_semaphore(%run_scoped3A : memref<!tpu.dma_semaphore, #tpu.memory_space<semaphore_mem>>)
      %dma_wait3A = arith.constant 0 : i32
      %dma_wait3A_18 = tpu.memref_slice %arg2[%arg0, %mul3A_6, %dma_wait3A] : memref<2x2560x128xi32, #tpu.memory_space<hbm>> -> memref<1x160x128xi32, #tpu.memory_space<hbm>>
      %dma_wait3A_19 = tpu.memref_squeeze %dma_wait3A_18 : memref<1x160x128xi32, #tpu.memory_space<hbm>> -> memref<160x128xi32, #tpu.memory_space<hbm>>
      %dma_wait3A_20 = arith.constant 0 : i32
      %dma_wait3A_21 = tpu.memref_slice %arg2[%arg0, %mul3A_6, %dma_wait3A_20] : memref<2x2560x128xi32, #tpu.memory_space<hbm>> -> memref<1x160x128xi32, #tpu.memory_space<hbm>>
      %dma_wait3A_22 = tpu.memref_squeeze %dma_wait3A_21 : memref<1x160x128xi32, #tpu.memory_space<hbm>> -> memref<160x128xi32, #tpu.memory_space<hbm>>
      tpu.wait_dma2 semaphore(%run_scoped3A : memref<!tpu.dma_semaphore, #tpu.memory_space<semaphore_mem>>) src(%dma_wait3A_22 : memref<160x128xi32, #tpu.memory_space<hbm>>) dst(%arg6 : memref<160x128xi32, #tpu.memory_space<vmem>>)
      tpu.yield
    }) : () -> ()
    %barrier3A = arith.constant 0 : index
    tpu.barrier barrier_id(%barrier3A)
    %scan3A_7 = arith.constant 0 : i32
    %scan3A_8 = arith.constant 160 : i32
    %scan3A_9 = arith.addi %scan3A_7, %scan3A_8 : i32
    %scan3A_10 = arith.constant 1 : i32
    scf.for %scan3A_13 = %scan3A_7 to %scan3A_9 step %scan3A_10  : i32 {
      %mul3A_14 = arith.constant 1 : i32
      %mul3A_15 = arith.muli %scan3A_13, %mul3A_14 : i32
      %add3A = arith.constant 0 : i32
      %add3A_16 = arith.addi %add3A, %mul3A_15 : i32
      "tpu.region"() ({
        %run_scoped3A = tpu.sem_alloc : memref<!tpu.dma_semaphore, #tpu.memory_space<semaphore_mem>>
        %dma_start3A = arith.constant 0 : i32
        %dma_start3A_17 = tpu.memref_slice %arg6[%add3A_16, %dma_start3A] : memref<160x128xi32, #tpu.memory_space<vmem>> -> memref<1x128xi32, #tpu.memory_space<vmem>>
        %dma_start3A_18 = tpu.memref_squeeze %dma_start3A_17 : memref<1x128xi32, #tpu.memory_space<vmem>> -> memref<128xi32, #tpu.memory_space<vmem>>
        %dma_start3A_19 = arith.constant 0 : i32
        %dma_start3A_20 = arith.constant 0 : i32
        %dma_start3A_21 = tpu.memref_slice %arg8[%dma_start3A_19, %dma_start3A_20] : memref<10240x128xf32, #tpu.memory_space<vmem_shared>> -> memref<10240x128xf32, #tpu.memory_space<vmem_shared>>
        tpu.enqueue_indirect_dma source(%arg7 : memref<128x128xf32, #tpu.memory_space<vmem>>) target(%dma_start3A_21 : memref<10240x128xf32, #tpu.memory_space<vmem_shared>>) offsets(%dma_start3A_18 : memref<128xi32, #tpu.memory_space<vmem>>) semaphore(%run_scoped3A : memref<!tpu.dma_semaphore, #tpu.memory_space<semaphore_mem>>) {add = true}
        %dma_wait3A = arith.constant 0 : i32
        %dma_wait3A_22 = tpu.memref_slice %arg6[%add3A_16, %dma_wait3A] : memref<160x128xi32, #tpu.memory_space<vmem>> -> memref<1x128xi32, #tpu.memory_space<vmem>>
        %dma_wait3A_23 = tpu.memref_squeeze %dma_wait3A_22 : memref<1x128xi32, #tpu.memory_space<vmem>> -> memref<128xi32, #tpu.memory_space<vmem>>
        %dma_wait3A_24 = arith.constant 0 : i32
        %dma_wait3A_25 = arith.constant 0 : i32
        %dma_wait3A_26 = tpu.memref_slice %arg8[%dma_wait3A_24, %dma_wait3A_25] : memref<10240x128xf32, #tpu.memory_space<vmem_shared>> -> memref<10240x128xf32, #tpu.memory_space<vmem_shared>>
        tpu.wait_indirect_dma semaphore(%run_scoped3A : memref<!tpu.dma_semaphore, #tpu.memory_space<semaphore_mem>>) src(%arg7 : memref<128x128xf32, #tpu.memory_space<vmem>>) dst(%dma_wait3A_26 : memref<10240x128xf32, #tpu.memory_space<vmem_shared>>)
        tpu.yield
      }) : () -> ()
    }
    %scan3A_11 = arith.constant 160 : i32
    %barrier3A_12 = arith.constant 0 : index
    tpu.barrier barrier_id(%barrier3A_12)
    "tpu.region"() ({
      %run_scoped3A = tpu.sem_alloc : memref<!tpu.dma_semaphore, #tpu.memory_space<semaphore_mem>>
      %dma_start3A = arith.constant 0 : i32
      %dma_start3A_13 = tpu.memref_slice %arg5[%arg0, %mul3A_0, %dma_start3A] : memref<2x10240x128xf32, #tpu.memory_space<hbm>> -> memref<1x640x128xf32, #tpu.memory_space<hbm>>
      %dma_start3A_14 = tpu.memref_squeeze %dma_start3A_13 : memref<1x640x128xf32, #tpu.memory_space<hbm>> -> memref<640x128xf32, #tpu.memory_space<hbm>>
      %dma_start3A_15 = arith.constant 0 : i32
      %dma_start3A_16 = tpu.memref_slice %arg8[%mul3A_0, %dma_start3A_15] : memref<10240x128xf32, #tpu.memory_space<vmem_shared>> -> memref<640x128xf32, #tpu.memory_space<vmem_shared>>
      tpu.enqueue_dma source(%dma_start3A_16 : memref<640x128xf32, #tpu.memory_space<vmem_shared>>) target(%dma_start3A_14 : memref<640x128xf32, #tpu.memory_space<hbm>>) target_semaphore(%run_scoped3A : memref<!tpu.dma_semaphore, #tpu.memory_space<semaphore_mem>>)
      %dma_wait3A = arith.constant 0 : i32
      %dma_wait3A_17 = tpu.memref_slice %arg5[%arg0, %mul3A_0, %dma_wait3A] : memref<2x10240x128xf32, #tpu.memory_space<hbm>> -> memref<1x640x128xf32, #tpu.memory_space<hbm>>
      %dma_wait3A_18 = tpu.memref_squeeze %dma_wait3A_17 : memref<1x640x128xf32, #tpu.memory_space<hbm>> -> memref<640x128xf32, #tpu.memory_space<hbm>>
      %dma_wait3A_19 = arith.constant 0 : i32
      %dma_wait3A_20 = tpu.memref_slice %arg8[%mul3A_0, %dma_wait3A_19] : memref<10240x128xf32, #tpu.memory_space<vmem_shared>> -> memref<640x128xf32, #tpu.memory_space<vmem_shared>>
      tpu.wait_dma2 semaphore(%run_scoped3A : memref<!tpu.dma_semaphore, #tpu.memory_space<semaphore_mem>>) src(%dma_wait3A_20 : memref<640x128xf32, #tpu.memory_space<vmem_shared>>) dst(%dma_wait3A_18 : memref<640x128xf32, #tpu.memory_space<hbm>>)
      tpu.yield
    }) : () -> ()
    return
  }
}

#map = affine_map<(d0, d1) -> (0, 0)>
#map1 = affine_map<(d0, d1) -> (0, 0, 0)>
module attributes {stable_mosaic.version = 14 : i64} {
  func.func @_segsum_body(%arg0: i32, %arg1: i32, %arg2: memref<10000x128xf32, #tpu.memory_space<hbm>>, %arg3: memref<10000x128xf32, #tpu.memory_space<hbm>>, %arg4: memref<2x2560x128xi32, #tpu.memory_space<hbm>>, %arg5: memref<2x2560x128xi32, #tpu.memory_space<hbm>>, %arg6: memref<128x128xf32, #tpu.memory_space<hbm>>, %arg7: memref<2x10240x128xf32, #tpu.memory_space<hbm>>, %arg8: memref<40x128xi32, #tpu.memory_space<vmem>>, %arg9: memref<40x128xi32, #tpu.memory_space<vmem>>, %arg10: memref<128x128xf32, #tpu.memory_space<vmem>>, %arg11: memref<128x128xf32, #tpu.memory_space<vmem>>, %arg12: memref<!tpu.dma_semaphore, #tpu.memory_space<semaphore_mem>>, %arg13: memref<!tpu.dma_semaphore, #tpu.memory_space<semaphore_mem>>, %arg14: memref<10240x128xf32, #tpu.memory_space<vmem_shared>>) attributes {dimension_semantics = [#tpu.dimension_semantics<core_parallel>, #tpu.dimension_semantics<subcore_parallel>], iteration_bounds = array<i64: 2, 16>, scalar_prefetch = 0 : i64, scratch_operands = 7 : i64, tpu.core_type = #tpu.core_type<sc_vector_subcore>, window_params = [{transform_indices = #map}, {transform_indices = #map}, {transform_indices = #map1}, {transform_indices = #map1}, {transform_indices = #map}, {transform_indices = #map1}]} {
    %mul3A = arith.constant 640 : i32
    %mul3A_0 = arith.muli %arg1, %mul3A : i32
    "tpu.region"() ({
      %run_scoped3A = tpu.sem_alloc : memref<!tpu.dma_semaphore, #tpu.memory_space<semaphore_mem>>
      tpu.enqueue_dma source(%arg6 : memref<128x128xf32, #tpu.memory_space<hbm>>) target(%arg10 : memref<128x128xf32, #tpu.memory_space<vmem>>) target_semaphore(%run_scoped3A : memref<!tpu.dma_semaphore, #tpu.memory_space<semaphore_mem>>)
      tpu.wait_dma2 semaphore(%run_scoped3A : memref<!tpu.dma_semaphore, #tpu.memory_space<semaphore_mem>>) src(%arg6 : memref<128x128xf32, #tpu.memory_space<hbm>>) dst(%arg10 : memref<128x128xf32, #tpu.memory_space<vmem>>)
      tpu.yield
    }) : () -> ()
    %scan3A = arith.constant 0 : i32
    %scan3A_1 = arith.constant 5 : i32
    %scan3A_2 = arith.addi %scan3A, %scan3A_1 : i32
    %scan3A_3 = arith.constant 1 : i32
    scf.for %scan3A_15 = %scan3A to %scan3A_2 step %scan3A_3  : i32 {
      %mul3A_16 = arith.constant 1 : i32
      %mul3A_17 = arith.muli %scan3A_15, %mul3A_16 : i32
      %add3A = arith.constant 0 : i32
      %add3A_18 = arith.addi %add3A, %mul3A_17 : i32
      %mul3A_19 = arith.constant 128 : i32
      %mul3A_20 = arith.muli %add3A_18, %mul3A_19 : i32
      %add3A_21 = arith.addi %mul3A_0, %mul3A_20 : i32
      "tpu.region"() ({
        %run_scoped3A = tpu.sem_alloc : memref<!tpu.dma_semaphore, #tpu.memory_space<semaphore_mem>>
        %dma_start3A = arith.constant 0 : i32
        %dma_start3A_22 = tpu.memref_slice %arg14[%add3A_21, %dma_start3A] : memref<10240x128xf32, #tpu.memory_space<vmem_shared>> -> memref<128x128xf32, #tpu.memory_space<vmem_shared>>
        %dma_start3A_23 = arith.constant 0 : i32
        %dma_start3A_24 = tpu.memref_slice %arg14[%add3A_21, %dma_start3A_23] : memref<10240x128xf32, #tpu.memory_space<vmem_shared>> -> memref<128x128xf32, #tpu.memory_space<vmem_shared>>
        tpu.enqueue_dma source(%arg10 : memref<128x128xf32, #tpu.memory_space<vmem>>) target(%dma_start3A_24 : memref<128x128xf32, #tpu.memory_space<vmem_shared>>) target_semaphore(%run_scoped3A : memref<!tpu.dma_semaphore, #tpu.memory_space<semaphore_mem>>)
        %dma_wait3A = arith.constant 0 : i32
        %dma_wait3A_25 = tpu.memref_slice %arg14[%add3A_21, %dma_wait3A] : memref<10240x128xf32, #tpu.memory_space<vmem_shared>> -> memref<128x128xf32, #tpu.memory_space<vmem_shared>>
        %dma_wait3A_26 = arith.constant 0 : i32
        %dma_wait3A_27 = tpu.memref_slice %arg14[%add3A_21, %dma_wait3A_26] : memref<10240x128xf32, #tpu.memory_space<vmem_shared>> -> memref<128x128xf32, #tpu.memory_space<vmem_shared>>
        tpu.wait_dma2 semaphore(%run_scoped3A : memref<!tpu.dma_semaphore, #tpu.memory_space<semaphore_mem>>) src(%arg10 : memref<128x128xf32, #tpu.memory_space<vmem>>) dst(%dma_wait3A_27 : memref<128x128xf32, #tpu.memory_space<vmem_shared>>)
        tpu.yield
      }) : () -> ()
    }
    %scan3A_4 = arith.constant 5 : i32
    %mul3A_5 = arith.constant 160 : i32
    %mul3A_6 = arith.muli %arg1, %mul3A_5 : i32
    %barrier3A = arith.constant 0 : index
    tpu.barrier barrier_id(%barrier3A)
    %eq3A = arith.constant 0 : i32
    %eq3A_7 = arith.cmpi eq, %arg0, %eq3A : i32
    %convert_element_type3A = arith.extui %eq3A_7 : i1 to i32
    %cond3A = arith.constant 0 : i32
    %cond3A_8 = arith.cmpi ne, %convert_element_type3A, %cond3A : i32
    scf.if %cond3A_8 {
      %scan3A_15 = arith.constant 0 : i32
      %scan3A_16 = arith.constant 4 : i32
      %scan3A_17 = arith.addi %scan3A_15, %scan3A_16 : i32
      %scan3A_18 = arith.constant 1 : i32
      scf.for %scan3A_20 = %scan3A_15 to %scan3A_17 step %scan3A_18  : i32 {
        %mul3A_21 = arith.constant 1 : i32
        %mul3A_22 = arith.muli %scan3A_20, %mul3A_21 : i32
        %add3A = arith.constant 0 : i32
        %add3A_23 = arith.addi %add3A, %mul3A_22 : i32
        %mul3A_24 = arith.constant 40 : i32
        %mul3A_25 = arith.muli %add3A_23, %mul3A_24 : i32
        %add3A_26 = arith.addi %mul3A_6, %mul3A_25 : i32
        "tpu.region"() ({
          %run_scoped3A = tpu.sem_alloc : memref<!tpu.dma_semaphore, #tpu.memory_space<semaphore_mem>>
          %dma_start3A_48 = arith.constant 0 : i32
          %dma_start3A_49 = tpu.memref_slice %arg4[%arg0, %add3A_26, %dma_start3A_48] : memref<2x2560x128xi32, #tpu.memory_space<hbm>> -> memref<1x40x128xi32, #tpu.memory_space<hbm>>
          %dma_start3A_50 = tpu.memref_squeeze %dma_start3A_49 : memref<1x40x128xi32, #tpu.memory_space<hbm>> -> memref<40x128xi32, #tpu.memory_space<hbm>>
          %dma_start3A_51 = arith.constant 0 : i32
          %dma_start3A_52 = tpu.memref_slice %arg4[%arg0, %add3A_26, %dma_start3A_51] : memref<2x2560x128xi32, #tpu.memory_space<hbm>> -> memref<1x40x128xi32, #tpu.memory_space<hbm>>
          %dma_start3A_53 = tpu.memref_squeeze %dma_start3A_52 : memref<1x40x128xi32, #tpu.memory_space<hbm>> -> memref<40x128xi32, #tpu.memory_space<hbm>>
          tpu.enqueue_dma source(%dma_start3A_53 : memref<40x128xi32, #tpu.memory_space<hbm>>) target(%arg8 : memref<40x128xi32, #tpu.memory_space<vmem>>) target_semaphore(%run_scoped3A : memref<!tpu.dma_semaphore, #tpu.memory_space<semaphore_mem>>)
          %dma_wait3A = arith.constant 0 : i32
          %dma_wait3A_54 = tpu.memref_slice %arg4[%arg0, %add3A_26, %dma_wait3A] : memref<2x2560x128xi32, #tpu.memory_space<hbm>> -> memref<1x40x128xi32, #tpu.memory_space<hbm>>
          %dma_wait3A_55 = tpu.memref_squeeze %dma_wait3A_54 : memref<1x40x128xi32, #tpu.memory_space<hbm>> -> memref<40x128xi32, #tpu.memory_space<hbm>>
          %dma_wait3A_56 = arith.constant 0 : i32
          %dma_wait3A_57 = tpu.memref_slice %arg4[%arg0, %add3A_26, %dma_wait3A_56] : memref<2x2560x128xi32, #tpu.memory_space<hbm>> -> memref<1x40x128xi32, #tpu.memory_space<hbm>>
          %dma_wait3A_58 = tpu.memref_squeeze %dma_wait3A_57 : memref<1x40x128xi32, #tpu.memory_space<hbm>> -> memref<40x128xi32, #tpu.memory_space<hbm>>
          tpu.wait_dma2 semaphore(%run_scoped3A : memref<!tpu.dma_semaphore, #tpu.memory_space<semaphore_mem>>) src(%dma_wait3A_58 : memref<40x128xi32, #tpu.memory_space<hbm>>) dst(%arg8 : memref<40x128xi32, #tpu.memory_space<vmem>>)
          tpu.yield
        }) : () -> ()
        %mul3A_27 = arith.constant 40 : i32
        %mul3A_28 = arith.muli %add3A_23, %mul3A_27 : i32
        %add3A_29 = arith.addi %mul3A_6, %mul3A_28 : i32
        "tpu.region"() ({
          %run_scoped3A = tpu.sem_alloc : memref<!tpu.dma_semaphore, #tpu.memory_space<semaphore_mem>>
          %dma_start3A_48 = arith.constant 0 : i32
          %dma_start3A_49 = tpu.memref_slice %arg5[%arg0, %add3A_29, %dma_start3A_48] : memref<2x2560x128xi32, #tpu.memory_space<hbm>> -> memref<1x40x128xi32, #tpu.memory_space<hbm>>
          %dma_start3A_50 = tpu.memref_squeeze %dma_start3A_49 : memref<1x40x128xi32, #tpu.memory_space<hbm>> -> memref<40x128xi32, #tpu.memory_space<hbm>>
          %dma_start3A_51 = arith.constant 0 : i32
          %dma_start3A_52 = tpu.memref_slice %arg5[%arg0, %add3A_29, %dma_start3A_51] : memref<2x2560x128xi32, #tpu.memory_space<hbm>> -> memref<1x40x128xi32, #tpu.memory_space<hbm>>
          %dma_start3A_53 = tpu.memref_squeeze %dma_start3A_52 : memref<1x40x128xi32, #tpu.memory_space<hbm>> -> memref<40x128xi32, #tpu.memory_space<hbm>>
          tpu.enqueue_dma source(%dma_start3A_53 : memref<40x128xi32, #tpu.memory_space<hbm>>) target(%arg9 : memref<40x128xi32, #tpu.memory_space<vmem>>) target_semaphore(%run_scoped3A : memref<!tpu.dma_semaphore, #tpu.memory_space<semaphore_mem>>)
          %dma_wait3A = arith.constant 0 : i32
          %dma_wait3A_54 = tpu.memref_slice %arg5[%arg0, %add3A_29, %dma_wait3A] : memref<2x2560x128xi32, #tpu.memory_space<hbm>> -> memref<1x40x128xi32, #tpu.memory_space<hbm>>
          %dma_wait3A_55 = tpu.memref_squeeze %dma_wait3A_54 : memref<1x40x128xi32, #tpu.memory_space<hbm>> -> memref<40x128xi32, #tpu.memory_space<hbm>>
          %dma_wait3A_56 = arith.constant 0 : i32
          %dma_wait3A_57 = tpu.memref_slice %arg5[%arg0, %add3A_29, %dma_wait3A_56] : memref<2x2560x128xi32, #tpu.memory_space<hbm>> -> memref<1x40x128xi32, #tpu.memory_space<hbm>>
          %dma_wait3A_58 = tpu.memref_squeeze %dma_wait3A_57 : memref<1x40x128xi32, #tpu.memory_space<hbm>> -> memref<40x128xi32, #tpu.memory_space<hbm>>
          tpu.wait_dma2 semaphore(%run_scoped3A : memref<!tpu.dma_semaphore, #tpu.memory_space<semaphore_mem>>) src(%dma_wait3A_58 : memref<40x128xi32, #tpu.memory_space<hbm>>) dst(%arg9 : memref<40x128xi32, #tpu.memory_space<vmem>>)
          tpu.yield
        }) : () -> ()
        %dma_start3A = arith.constant 0 : i32
        %dma_start3A_30 = arith.constant 0 : i32
        %dma_start3A_31 = tpu.memref_slice %arg8[%dma_start3A, %dma_start3A_30] : memref<40x128xi32, #tpu.memory_space<vmem>> -> memref<1x128xi32, #tpu.memory_space<vmem>>
        %dma_start3A_32 = tpu.memref_squeeze %dma_start3A_31 : memref<1x128xi32, #tpu.memory_space<vmem>> -> memref<128xi32, #tpu.memory_space<vmem>>
        %dma_start3A_33 = arith.constant 0 : i32
        %dma_start3A_34 = arith.constant 0 : i32
        %dma_start3A_35 = tpu.memref_slice %arg2[%dma_start3A_33, %dma_start3A_34] : memref<10000x128xf32, #tpu.memory_space<hbm>> -> memref<10000x128xf32, #tpu.memory_space<hbm>>
        tpu.enqueue_indirect_dma source(%dma_start3A_35 : memref<10000x128xf32, #tpu.memory_space<hbm>>) target(%arg10 : memref<128x128xf32, #tpu.memory_space<vmem>>) offsets(%dma_start3A_32 : memref<128xi32, #tpu.memory_space<vmem>>) semaphore(%arg12 : memref<!tpu.dma_semaphore, #tpu.memory_space<semaphore_mem>>)
        %dma_start3A_36 = arith.constant 1 : i32
        %dma_start3A_37 = arith.constant 0 : i32
        %dma_start3A_38 = tpu.memref_slice %arg8[%dma_start3A_36, %dma_start3A_37] : memref<40x128xi32, #tpu.memory_space<vmem>> -> memref<1x128xi32, #tpu.memory_space<vmem>>
        %dma_start3A_39 = tpu.memref_squeeze %dma_start3A_38 : memref<1x128xi32, #tpu.memory_space<vmem>> -> memref<128xi32, #tpu.memory_space<vmem>>
        %dma_start3A_40 = arith.constant 0 : i32
        %dma_start3A_41 = arith.constant 0 : i32
        %dma_start3A_42 = tpu.memref_slice %arg2[%dma_start3A_40, %dma_start3A_41] : memref<10000x128xf32, #tpu.memory_space<hbm>> -> memref<10000x128xf32, #tpu.memory_space<hbm>>
        tpu.enqueue_indirect_dma source(%dma_start3A_42 : memref<10000x128xf32, #tpu.memory_space<hbm>>) target(%arg11 : memref<128x128xf32, #tpu.memory_space<vmem>>) offsets(%dma_start3A_39 : memref<128xi32, #tpu.memory_space<vmem>>) semaphore(%arg13 : memref<!tpu.dma_semaphore, #tpu.memory_space<semaphore_mem>>)
        %scan3A_43 = arith.constant 0 : i32
        %scan3A_44 = arith.constant 20 : i32
        %scan3A_45 = arith.addi %scan3A_43, %scan3A_44 : i32
        %scan3A_46 = arith.constant 1 : i32
        scf.for %scan3A_48 = %scan3A_43 to %scan3A_45 step %scan3A_46  : i32 {
          %mul3A_49 = arith.constant 2 : i32
          %mul3A_50 = arith.muli %scan3A_48, %mul3A_49 : i32
          %add3A_51 = arith.constant 0 : i32
          %add3A_52 = arith.addi %add3A_51, %mul3A_50 : i32
          %dma_wait3A = arith.constant 0 : i32
          %dma_wait3A_53 = arith.constant 0 : i32
          %dma_wait3A_54 = tpu.memref_slice %arg8[%dma_wait3A, %dma_wait3A_53] : memref<40x128xi32, #tpu.memory_space<vmem>> -> memref<1x128xi32, #tpu.memory_space<vmem>>
          %dma_wait3A_55 = tpu.memref_squeeze %dma_wait3A_54 : memref<1x128xi32, #tpu.memory_space<vmem>> -> memref<128xi32, #tpu.memory_space<vmem>>
          %dma_wait3A_56 = arith.constant 0 : i32
          %dma_wait3A_57 = arith.constant 0 : i32
          %dma_wait3A_58 = tpu.memref_slice %arg2[%dma_wait3A_56, %dma_wait3A_57] : memref<10000x128xf32, #tpu.memory_space<hbm>> -> memref<10000x128xf32, #tpu.memory_space<hbm>>
          tpu.wait_indirect_dma semaphore(%arg12 : memref<!tpu.dma_semaphore, #tpu.memory_space<semaphore_mem>>) src(%dma_wait3A_58 : memref<10000x128xf32, #tpu.memory_space<hbm>>) dst(%arg10 : memref<128x128xf32, #tpu.memory_space<vmem>>)
          %add3A_59 = arith.constant 0 : i32
          %add3A_60 = arith.addi %add3A_52, %add3A_59 : i32
          "tpu.region"() ({
            %run_scoped3A = tpu.sem_alloc : memref<!tpu.dma_semaphore, #tpu.memory_space<semaphore_mem>>
            %dma_start3A_87 = arith.constant 0 : i32
            %dma_start3A_88 = tpu.memref_slice %arg9[%add3A_60, %dma_start3A_87] : memref<40x128xi32, #tpu.memory_space<vmem>> -> memref<1x128xi32, #tpu.memory_space<vmem>>
            %dma_start3A_89 = tpu.memref_squeeze %dma_start3A_88 : memref<1x128xi32, #tpu.memory_space<vmem>> -> memref<128xi32, #tpu.memory_space<vmem>>
            %dma_start3A_90 = arith.constant 0 : i32
            %dma_start3A_91 = arith.constant 0 : i32
            %dma_start3A_92 = tpu.memref_slice %arg14[%dma_start3A_90, %dma_start3A_91] : memref<10240x128xf32, #tpu.memory_space<vmem_shared>> -> memref<10240x128xf32, #tpu.memory_space<vmem_shared>>
            tpu.enqueue_indirect_dma source(%arg10 : memref<128x128xf32, #tpu.memory_space<vmem>>) target(%dma_start3A_92 : memref<10240x128xf32, #tpu.memory_space<vmem_shared>>) offsets(%dma_start3A_89 : memref<128xi32, #tpu.memory_space<vmem>>) semaphore(%run_scoped3A : memref<!tpu.dma_semaphore, #tpu.memory_space<semaphore_mem>>) {add = true}
            %dma_wait3A_93 = arith.constant 0 : i32
            %dma_wait3A_94 = tpu.memref_slice %arg9[%add3A_60, %dma_wait3A_93] : memref<40x128xi32, #tpu.memory_space<vmem>> -> memref<1x128xi32, #tpu.memory_space<vmem>>
            %dma_wait3A_95 = tpu.memref_squeeze %dma_wait3A_94 : memref<1x128xi32, #tpu.memory_space<vmem>> -> memref<128xi32, #tpu.memory_space<vmem>>
            %dma_wait3A_96 = arith.constant 0 : i32
            %dma_wait3A_97 = arith.constant 0 : i32
            %dma_wait3A_98 = tpu.memref_slice %arg14[%dma_wait3A_96, %dma_wait3A_97] : memref<10240x128xf32, #tpu.memory_space<vmem_shared>> -> memref<10240x128xf32, #tpu.memory_space<vmem_shared>>
            tpu.wait_indirect_dma semaphore(%run_scoped3A : memref<!tpu.dma_semaphore, #tpu.memory_space<semaphore_mem>>) src(%arg10 : memref<128x128xf32, #tpu.memory_space<vmem>>) dst(%dma_wait3A_98 : memref<10240x128xf32, #tpu.memory_space<vmem_shared>>)
            tpu.yield
          }) : () -> ()
          %add3A_61 = arith.constant 0 : i32
          %add3A_62 = arith.addi %add3A_52, %add3A_61 : i32
          %add3A_63 = arith.constant 2 : i32
          %add3A_64 = arith.addi %add3A_62, %add3A_63 : i32
          %lt3A = arith.constant 40 : i32
          %lt3A_65 = arith.cmpi slt, %add3A_64, %lt3A : i32
          %convert_element_type3A_66 = arith.extui %lt3A_65 : i1 to i32
          %cond3A_67 = arith.constant 0 : i32
          %cond3A_68 = arith.cmpi ne, %convert_element_type3A_66, %cond3A_67 : i32
          scf.if %cond3A_68 {
            %add3A_87 = arith.constant 0 : i32
            %add3A_88 = arith.addi %add3A_52, %add3A_87 : i32
            %add3A_89 = arith.constant 2 : i32
            %add3A_90 = arith.addi %add3A_88, %add3A_89 : i32
            %dma_start3A_91 = arith.constant 0 : i32
            %dma_start3A_92 = tpu.memref_slice %arg8[%add3A_90, %dma_start3A_91] : memref<40x128xi32, #tpu.memory_space<vmem>> -> memref<1x128xi32, #tpu.memory_space<vmem>>
            %dma_start3A_93 = tpu.memref_squeeze %dma_start3A_92 : memref<1x128xi32, #tpu.memory_space<vmem>> -> memref<128xi32, #tpu.memory_space<vmem>>
            %dma_start3A_94 = arith.constant 0 : i32
            %dma_start3A_95 = arith.constant 0 : i32
            %dma_start3A_96 = tpu.memref_slice %arg2[%dma_start3A_94, %dma_start3A_95] : memref<10000x128xf32, #tpu.memory_space<hbm>> -> memref<10000x128xf32, #tpu.memory_space<hbm>>
            tpu.enqueue_indirect_dma source(%dma_start3A_96 : memref<10000x128xf32, #tpu.memory_space<hbm>>) target(%arg10 : memref<128x128xf32, #tpu.memory_space<vmem>>) offsets(%dma_start3A_93 : memref<128xi32, #tpu.memory_space<vmem>>) semaphore(%arg12 : memref<!tpu.dma_semaphore, #tpu.memory_space<semaphore_mem>>)
          } else {
          }
          %dma_wait3A_69 = arith.constant 0 : i32
          %dma_wait3A_70 = arith.constant 0 : i32
          %dma_wait3A_71 = tpu.memref_slice %arg8[%dma_wait3A_69, %dma_wait3A_70] : memref<40x128xi32, #tpu.memory_space<vmem>> -> memref<1x128xi32, #tpu.memory_space<vmem>>
          %dma_wait3A_72 = tpu.memref_squeeze %dma_wait3A_71 : memref<1x128xi32, #tpu.memory_space<vmem>> -> memref<128xi32, #tpu.memory_space<vmem>>
          %dma_wait3A_73 = arith.constant 0 : i32
          %dma_wait3A_74 = arith.constant 0 : i32
          %dma_wait3A_75 = tpu.memref_slice %arg2[%dma_wait3A_73, %dma_wait3A_74] : memref<10000x128xf32, #tpu.memory_space<hbm>> -> memref<10000x128xf32, #tpu.memory_space<hbm>>
          tpu.wait_indirect_dma semaphore(%arg13 : memref<!tpu.dma_semaphore, #tpu.memory_space<semaphore_mem>>) src(%dma_wait3A_75 : memref<10000x128xf32, #tpu.memory_space<hbm>>) dst(%arg11 : memref<128x128xf32, #tpu.memory_space<vmem>>)
          %add3A_76 = arith.constant 1 : i32
          %add3A_77 = arith.addi %add3A_52, %add3A_76 : i32
          "tpu.region"() ({
            %run_scoped3A = tpu.sem_alloc : memref<!tpu.dma_semaphore, #tpu.memory_space<semaphore_mem>>
            %dma_start3A_87 = arith.constant 0 : i32
            %dma_start3A_88 = tpu.memref_slice %arg9[%add3A_77, %dma_start3A_87] : memref<40x128xi32, #tpu.memory_space<vmem>> -> memref<1x128xi32, #tpu.memory_space<vmem>>
            %dma_start3A_89 = tpu.memref_squeeze %dma_start3A_88 : memref<1x128xi32, #tpu.memory_space<vmem>> -> memref<128xi32, #tpu.memory_space<vmem>>
            %dma_start3A_90 = arith.constant 0 : i32
            %dma_start3A_91 = arith.constant 0 : i32
            %dma_start3A_92 = tpu.memref_slice %arg14[%dma_start3A_90, %dma_start3A_91] : memref<10240x128xf32, #tpu.memory_space<vmem_shared>> -> memref<10240x128xf32, #tpu.memory_space<vmem_shared>>
            tpu.enqueue_indirect_dma source(%arg11 : memref<128x128xf32, #tpu.memory_space<vmem>>) target(%dma_start3A_92 : memref<10240x128xf32, #tpu.memory_space<vmem_shared>>) offsets(%dma_start3A_89 : memref<128xi32, #tpu.memory_space<vmem>>) semaphore(%run_scoped3A : memref<!tpu.dma_semaphore, #tpu.memory_space<semaphore_mem>>) {add = true}
            %dma_wait3A_93 = arith.constant 0 : i32
            %dma_wait3A_94 = tpu.memref_slice %arg9[%add3A_77, %dma_wait3A_93] : memref<40x128xi32, #tpu.memory_space<vmem>> -> memref<1x128xi32, #tpu.memory_space<vmem>>
            %dma_wait3A_95 = tpu.memref_squeeze %dma_wait3A_94 : memref<1x128xi32, #tpu.memory_space<vmem>> -> memref<128xi32, #tpu.memory_space<vmem>>
            %dma_wait3A_96 = arith.constant 0 : i32
            %dma_wait3A_97 = arith.constant 0 : i32
            %dma_wait3A_98 = tpu.memref_slice %arg14[%dma_wait3A_96, %dma_wait3A_97] : memref<10240x128xf32, #tpu.memory_space<vmem_shared>> -> memref<10240x128xf32, #tpu.memory_space<vmem_shared>>
            tpu.wait_indirect_dma semaphore(%run_scoped3A : memref<!tpu.dma_semaphore, #tpu.memory_space<semaphore_mem>>) src(%arg11 : memref<128x128xf32, #tpu.memory_space<vmem>>) dst(%dma_wait3A_98 : memref<10240x128xf32, #tpu.memory_space<vmem_shared>>)
            tpu.yield
          }) : () -> ()
          %add3A_78 = arith.constant 1 : i32
          %add3A_79 = arith.addi %add3A_52, %add3A_78 : i32
          %add3A_80 = arith.constant 2 : i32
          %add3A_81 = arith.addi %add3A_79, %add3A_80 : i32
          %lt3A_82 = arith.constant 40 : i32
          %lt3A_83 = arith.cmpi slt, %add3A_81, %lt3A_82 : i32
          %convert_element_type3A_84 = arith.extui %lt3A_83 : i1 to i32
          %cond3A_85 = arith.constant 0 : i32
          %cond3A_86 = arith.cmpi ne, %convert_element_type3A_84, %cond3A_85 : i32
          scf.if %cond3A_86 {
            %add3A_87 = arith.constant 1 : i32
            %add3A_88 = arith.addi %add3A_52, %add3A_87 : i32
            %add3A_89 = arith.constant 2 : i32
            %add3A_90 = arith.addi %add3A_88, %add3A_89 : i32
            %dma_start3A_91 = arith.constant 0 : i32
            %dma_start3A_92 = tpu.memref_slice %arg8[%add3A_90, %dma_start3A_91] : memref<40x128xi32, #tpu.memory_space<vmem>> -> memref<1x128xi32, #tpu.memory_space<vmem>>
            %dma_start3A_93 = tpu.memref_squeeze %dma_start3A_92 : memref<1x128xi32, #tpu.memory_space<vmem>> -> memref<128xi32, #tpu.memory_space<vmem>>
            %dma_start3A_94 = arith.constant 0 : i32
            %dma_start3A_95 = arith.constant 0 : i32
            %dma_start3A_96 = tpu.memref_slice %arg2[%dma_start3A_94, %dma_start3A_95] : memref<10000x128xf32, #tpu.memory_space<hbm>> -> memref<10000x128xf32, #tpu.memory_space<hbm>>
            tpu.enqueue_indirect_dma source(%dma_start3A_96 : memref<10000x128xf32, #tpu.memory_space<hbm>>) target(%arg11 : memref<128x128xf32, #tpu.memory_space<vmem>>) offsets(%dma_start3A_93 : memref<128xi32, #tpu.memory_space<vmem>>) semaphore(%arg13 : memref<!tpu.dma_semaphore, #tpu.memory_space<semaphore_mem>>)
          } else {
          }
        }
        %scan3A_47 = arith.constant 20 : i32
      }
      %scan3A_19 = arith.constant 4 : i32
    } else {
    }
    %eq3A_9 = arith.constant 1 : i32
    %eq3A_10 = arith.cmpi eq, %arg0, %eq3A_9 : i32
    %convert_element_type3A_11 = arith.extui %eq3A_10 : i1 to i32
    %cond3A_12 = arith.constant 0 : i32
    %cond3A_13 = arith.cmpi ne, %convert_element_type3A_11, %cond3A_12 : i32
    scf.if %cond3A_13 {
      %scan3A_15 = arith.constant 0 : i32
      %scan3A_16 = arith.constant 4 : i32
      %scan3A_17 = arith.addi %scan3A_15, %scan3A_16 : i32
      %scan3A_18 = arith.constant 1 : i32
      scf.for %scan3A_20 = %scan3A_15 to %scan3A_17 step %scan3A_18  : i32 {
        %mul3A_21 = arith.constant 1 : i32
        %mul3A_22 = arith.muli %scan3A_20, %mul3A_21 : i32
        %add3A = arith.constant 0 : i32
        %add3A_23 = arith.addi %add3A, %mul3A_22 : i32
        %mul3A_24 = arith.constant 40 : i32
        %mul3A_25 = arith.muli %add3A_23, %mul3A_24 : i32
        %add3A_26 = arith.addi %mul3A_6, %mul3A_25 : i32
        "tpu.region"() ({
          %run_scoped3A = tpu.sem_alloc : memref<!tpu.dma_semaphore, #tpu.memory_space<semaphore_mem>>
          %dma_start3A_48 = arith.constant 0 : i32
          %dma_start3A_49 = tpu.memref_slice %arg4[%arg0, %add3A_26, %dma_start3A_48] : memref<2x2560x128xi32, #tpu.memory_space<hbm>> -> memref<1x40x128xi32, #tpu.memory_space<hbm>>
          %dma_start3A_50 = tpu.memref_squeeze %dma_start3A_49 : memref<1x40x128xi32, #tpu.memory_space<hbm>> -> memref<40x128xi32, #tpu.memory_space<hbm>>
          %dma_start3A_51 = arith.constant 0 : i32
          %dma_start3A_52 = tpu.memref_slice %arg4[%arg0, %add3A_26, %dma_start3A_51] : memref<2x2560x128xi32, #tpu.memory_space<hbm>> -> memref<1x40x128xi32, #tpu.memory_space<hbm>>
          %dma_start3A_53 = tpu.memref_squeeze %dma_start3A_52 : memref<1x40x128xi32, #tpu.memory_space<hbm>> -> memref<40x128xi32, #tpu.memory_space<hbm>>
          tpu.enqueue_dma source(%dma_start3A_53 : memref<40x128xi32, #tpu.memory_space<hbm>>) target(%arg8 : memref<40x128xi32, #tpu.memory_space<vmem>>) target_semaphore(%run_scoped3A : memref<!tpu.dma_semaphore, #tpu.memory_space<semaphore_mem>>)
          %dma_wait3A = arith.constant 0 : i32
          %dma_wait3A_54 = tpu.memref_slice %arg4[%arg0, %add3A_26, %dma_wait3A] : memref<2x2560x128xi32, #tpu.memory_space<hbm>> -> memref<1x40x128xi32, #tpu.memory_space<hbm>>
          %dma_wait3A_55 = tpu.memref_squeeze %dma_wait3A_54 : memref<1x40x128xi32, #tpu.memory_space<hbm>> -> memref<40x128xi32, #tpu.memory_space<hbm>>
          %dma_wait3A_56 = arith.constant 0 : i32
          %dma_wait3A_57 = tpu.memref_slice %arg4[%arg0, %add3A_26, %dma_wait3A_56] : memref<2x2560x128xi32, #tpu.memory_space<hbm>> -> memref<1x40x128xi32, #tpu.memory_space<hbm>>
          %dma_wait3A_58 = tpu.memref_squeeze %dma_wait3A_57 : memref<1x40x128xi32, #tpu.memory_space<hbm>> -> memref<40x128xi32, #tpu.memory_space<hbm>>
          tpu.wait_dma2 semaphore(%run_scoped3A : memref<!tpu.dma_semaphore, #tpu.memory_space<semaphore_mem>>) src(%dma_wait3A_58 : memref<40x128xi32, #tpu.memory_space<hbm>>) dst(%arg8 : memref<40x128xi32, #tpu.memory_space<vmem>>)
          tpu.yield
        }) : () -> ()
        %mul3A_27 = arith.constant 40 : i32
        %mul3A_28 = arith.muli %add3A_23, %mul3A_27 : i32
        %add3A_29 = arith.addi %mul3A_6, %mul3A_28 : i32
        "tpu.region"() ({
          %run_scoped3A = tpu.sem_alloc : memref<!tpu.dma_semaphore, #tpu.memory_space<semaphore_mem>>
          %dma_start3A_48 = arith.constant 0 : i32
          %dma_start3A_49 = tpu.memref_slice %arg5[%arg0, %add3A_29, %dma_start3A_48] : memref<2x2560x128xi32, #tpu.memory_space<hbm>> -> memref<1x40x128xi32, #tpu.memory_space<hbm>>
          %dma_start3A_50 = tpu.memref_squeeze %dma_start3A_49 : memref<1x40x128xi32, #tpu.memory_space<hbm>> -> memref<40x128xi32, #tpu.memory_space<hbm>>
          %dma_start3A_51 = arith.constant 0 : i32
          %dma_start3A_52 = tpu.memref_slice %arg5[%arg0, %add3A_29, %dma_start3A_51] : memref<2x2560x128xi32, #tpu.memory_space<hbm>> -> memref<1x40x128xi32, #tpu.memory_space<hbm>>
          %dma_start3A_53 = tpu.memref_squeeze %dma_start3A_52 : memref<1x40x128xi32, #tpu.memory_space<hbm>> -> memref<40x128xi32, #tpu.memory_space<hbm>>
          tpu.enqueue_dma source(%dma_start3A_53 : memref<40x128xi32, #tpu.memory_space<hbm>>) target(%arg9 : memref<40x128xi32, #tpu.memory_space<vmem>>) target_semaphore(%run_scoped3A : memref<!tpu.dma_semaphore, #tpu.memory_space<semaphore_mem>>)
          %dma_wait3A = arith.constant 0 : i32
          %dma_wait3A_54 = tpu.memref_slice %arg5[%arg0, %add3A_29, %dma_wait3A] : memref<2x2560x128xi32, #tpu.memory_space<hbm>> -> memref<1x40x128xi32, #tpu.memory_space<hbm>>
          %dma_wait3A_55 = tpu.memref_squeeze %dma_wait3A_54 : memref<1x40x128xi32, #tpu.memory_space<hbm>> -> memref<40x128xi32, #tpu.memory_space<hbm>>
          %dma_wait3A_56 = arith.constant 0 : i32
          %dma_wait3A_57 = tpu.memref_slice %arg5[%arg0, %add3A_29, %dma_wait3A_56] : memref<2x2560x128xi32, #tpu.memory_space<hbm>> -> memref<1x40x128xi32, #tpu.memory_space<hbm>>
          %dma_wait3A_58 = tpu.memref_squeeze %dma_wait3A_57 : memref<1x40x128xi32, #tpu.memory_space<hbm>> -> memref<40x128xi32, #tpu.memory_space<hbm>>
          tpu.wait_dma2 semaphore(%run_scoped3A : memref<!tpu.dma_semaphore, #tpu.memory_space<semaphore_mem>>) src(%dma_wait3A_58 : memref<40x128xi32, #tpu.memory_space<hbm>>) dst(%arg9 : memref<40x128xi32, #tpu.memory_space<vmem>>)
          tpu.yield
        }) : () -> ()
        %dma_start3A = arith.constant 0 : i32
        %dma_start3A_30 = arith.constant 0 : i32
        %dma_start3A_31 = tpu.memref_slice %arg8[%dma_start3A, %dma_start3A_30] : memref<40x128xi32, #tpu.memory_space<vmem>> -> memref<1x128xi32, #tpu.memory_space<vmem>>
        %dma_start3A_32 = tpu.memref_squeeze %dma_start3A_31 : memref<1x128xi32, #tpu.memory_space<vmem>> -> memref<128xi32, #tpu.memory_space<vmem>>
        %dma_start3A_33 = arith.constant 0 : i32
        %dma_start3A_34 = arith.constant 0 : i32
        %dma_start3A_35 = tpu.memref_slice %arg3[%dma_start3A_33, %dma_start3A_34] : memref<10000x128xf32, #tpu.memory_space<hbm>> -> memref<10000x128xf32, #tpu.memory_space<hbm>>
        tpu.enqueue_indirect_dma source(%dma_start3A_35 : memref<10000x128xf32, #tpu.memory_space<hbm>>) target(%arg10 : memref<128x128xf32, #tpu.memory_space<vmem>>) offsets(%dma_start3A_32 : memref<128xi32, #tpu.memory_space<vmem>>) semaphore(%arg12 : memref<!tpu.dma_semaphore, #tpu.memory_space<semaphore_mem>>)
        %dma_start3A_36 = arith.constant 1 : i32
        %dma_start3A_37 = arith.constant 0 : i32
        %dma_start3A_38 = tpu.memref_slice %arg8[%dma_start3A_36, %dma_start3A_37] : memref<40x128xi32, #tpu.memory_space<vmem>> -> memref<1x128xi32, #tpu.memory_space<vmem>>
        %dma_start3A_39 = tpu.memref_squeeze %dma_start3A_38 : memref<1x128xi32, #tpu.memory_space<vmem>> -> memref<128xi32, #tpu.memory_space<vmem>>
        %dma_start3A_40 = arith.constant 0 : i32
        %dma_start3A_41 = arith.constant 0 : i32
        %dma_start3A_42 = tpu.memref_slice %arg3[%dma_start3A_40, %dma_start3A_41] : memref<10000x128xf32, #tpu.memory_space<hbm>> -> memref<10000x128xf32, #tpu.memory_space<hbm>>
        tpu.enqueue_indirect_dma source(%dma_start3A_42 : memref<10000x128xf32, #tpu.memory_space<hbm>>) target(%arg11 : memref<128x128xf32, #tpu.memory_space<vmem>>) offsets(%dma_start3A_39 : memref<128xi32, #tpu.memory_space<vmem>>) semaphore(%arg13 : memref<!tpu.dma_semaphore, #tpu.memory_space<semaphore_mem>>)
        %scan3A_43 = arith.constant 0 : i32
        %scan3A_44 = arith.constant 20 : i32
        %scan3A_45 = arith.addi %scan3A_43, %scan3A_44 : i32
        %scan3A_46 = arith.constant 1 : i32
        scf.for %scan3A_48 = %scan3A_43 to %scan3A_45 step %scan3A_46  : i32 {
          %mul3A_49 = arith.constant 2 : i32
          %mul3A_50 = arith.muli %scan3A_48, %mul3A_49 : i32
          %add3A_51 = arith.constant 0 : i32
          %add3A_52 = arith.addi %add3A_51, %mul3A_50 : i32
          %dma_wait3A = arith.constant 0 : i32
          %dma_wait3A_53 = arith.constant 0 : i32
          %dma_wait3A_54 = tpu.memref_slice %arg8[%dma_wait3A, %dma_wait3A_53] : memref<40x128xi32, #tpu.memory_space<vmem>> -> memref<1x128xi32, #tpu.memory_space<vmem>>
          %dma_wait3A_55 = tpu.memref_squeeze %dma_wait3A_54 : memref<1x128xi32, #tpu.memory_space<vmem>> -> memref<128xi32, #tpu.memory_space<vmem>>
          %dma_wait3A_56 = arith.constant 0 : i32
          %dma_wait3A_57 = arith.constant 0 : i32
          %dma_wait3A_58 = tpu.memref_slice %arg3[%dma_wait3A_56, %dma_wait3A_57] : memref<10000x128xf32, #tpu.memory_space<hbm>> -> memref<10000x128xf32, #tpu.memory_space<hbm>>
          tpu.wait_indirect_dma semaphore(%arg12 : memref<!tpu.dma_semaphore, #tpu.memory_space<semaphore_mem>>) src(%dma_wait3A_58 : memref<10000x128xf32, #tpu.memory_space<hbm>>) dst(%arg10 : memref<128x128xf32, #tpu.memory_space<vmem>>)
          %add3A_59 = arith.constant 0 : i32
          %add3A_60 = arith.addi %add3A_52, %add3A_59 : i32
          "tpu.region"() ({
            %run_scoped3A = tpu.sem_alloc : memref<!tpu.dma_semaphore, #tpu.memory_space<semaphore_mem>>
            %dma_start3A_87 = arith.constant 0 : i32
            %dma_start3A_88 = tpu.memref_slice %arg9[%add3A_60, %dma_start3A_87] : memref<40x128xi32, #tpu.memory_space<vmem>> -> memref<1x128xi32, #tpu.memory_space<vmem>>
            %dma_start3A_89 = tpu.memref_squeeze %dma_start3A_88 : memref<1x128xi32, #tpu.memory_space<vmem>> -> memref<128xi32, #tpu.memory_space<vmem>>
            %dma_start3A_90 = arith.constant 0 : i32
            %dma_start3A_91 = arith.constant 0 : i32
            %dma_start3A_92 = tpu.memref_slice %arg14[%dma_start3A_90, %dma_start3A_91] : memref<10240x128xf32, #tpu.memory_space<vmem_shared>> -> memref<10240x128xf32, #tpu.memory_space<vmem_shared>>
            tpu.enqueue_indirect_dma source(%arg10 : memref<128x128xf32, #tpu.memory_space<vmem>>) target(%dma_start3A_92 : memref<10240x128xf32, #tpu.memory_space<vmem_shared>>) offsets(%dma_start3A_89 : memref<128xi32, #tpu.memory_space<vmem>>) semaphore(%run_scoped3A : memref<!tpu.dma_semaphore, #tpu.memory_space<semaphore_mem>>) {add = true}
            %dma_wait3A_93 = arith.constant 0 : i32
            %dma_wait3A_94 = tpu.memref_slice %arg9[%add3A_60, %dma_wait3A_93] : memref<40x128xi32, #tpu.memory_space<vmem>> -> memref<1x128xi32, #tpu.memory_space<vmem>>
            %dma_wait3A_95 = tpu.memref_squeeze %dma_wait3A_94 : memref<1x128xi32, #tpu.memory_space<vmem>> -> memref<128xi32, #tpu.memory_space<vmem>>
            %dma_wait3A_96 = arith.constant 0 : i32
            %dma_wait3A_97 = arith.constant 0 : i32
            %dma_wait3A_98 = tpu.memref_slice %arg14[%dma_wait3A_96, %dma_wait3A_97] : memref<10240x128xf32, #tpu.memory_space<vmem_shared>> -> memref<10240x128xf32, #tpu.memory_space<vmem_shared>>
            tpu.wait_indirect_dma semaphore(%run_scoped3A : memref<!tpu.dma_semaphore, #tpu.memory_space<semaphore_mem>>) src(%arg10 : memref<128x128xf32, #tpu.memory_space<vmem>>) dst(%dma_wait3A_98 : memref<10240x128xf32, #tpu.memory_space<vmem_shared>>)
            tpu.yield
          }) : () -> ()
          %add3A_61 = arith.constant 0 : i32
          %add3A_62 = arith.addi %add3A_52, %add3A_61 : i32
          %add3A_63 = arith.constant 2 : i32
          %add3A_64 = arith.addi %add3A_62, %add3A_63 : i32
          %lt3A = arith.constant 40 : i32
          %lt3A_65 = arith.cmpi slt, %add3A_64, %lt3A : i32
          %convert_element_type3A_66 = arith.extui %lt3A_65 : i1 to i32
          %cond3A_67 = arith.constant 0 : i32
          %cond3A_68 = arith.cmpi ne, %convert_element_type3A_66, %cond3A_67 : i32
          scf.if %cond3A_68 {
            %add3A_87 = arith.constant 0 : i32
            %add3A_88 = arith.addi %add3A_52, %add3A_87 : i32
            %add3A_89 = arith.constant 2 : i32
            %add3A_90 = arith.addi %add3A_88, %add3A_89 : i32
            %dma_start3A_91 = arith.constant 0 : i32
            %dma_start3A_92 = tpu.memref_slice %arg8[%add3A_90, %dma_start3A_91] : memref<40x128xi32, #tpu.memory_space<vmem>> -> memref<1x128xi32, #tpu.memory_space<vmem>>
            %dma_start3A_93 = tpu.memref_squeeze %dma_start3A_92 : memref<1x128xi32, #tpu.memory_space<vmem>> -> memref<128xi32, #tpu.memory_space<vmem>>
            %dma_start3A_94 = arith.constant 0 : i32
            %dma_start3A_95 = arith.constant 0 : i32
            %dma_start3A_96 = tpu.memref_slice %arg3[%dma_start3A_94, %dma_start3A_95] : memref<10000x128xf32, #tpu.memory_space<hbm>> -> memref<10000x128xf32, #tpu.memory_space<hbm>>
            tpu.enqueue_indirect_dma source(%dma_start3A_96 : memref<10000x128xf32, #tpu.memory_space<hbm>>) target(%arg10 : memref<128x128xf32, #tpu.memory_space<vmem>>) offsets(%dma_start3A_93 : memref<128xi32, #tpu.memory_space<vmem>>) semaphore(%arg12 : memref<!tpu.dma_semaphore, #tpu.memory_space<semaphore_mem>>)
          } else {
          }
          %dma_wait3A_69 = arith.constant 0 : i32
          %dma_wait3A_70 = arith.constant 0 : i32
          %dma_wait3A_71 = tpu.memref_slice %arg8[%dma_wait3A_69, %dma_wait3A_70] : memref<40x128xi32, #tpu.memory_space<vmem>> -> memref<1x128xi32, #tpu.memory_space<vmem>>
          %dma_wait3A_72 = tpu.memref_squeeze %dma_wait3A_71 : memref<1x128xi32, #tpu.memory_space<vmem>> -> memref<128xi32, #tpu.memory_space<vmem>>
          %dma_wait3A_73 = arith.constant 0 : i32
          %dma_wait3A_74 = arith.constant 0 : i32
          %dma_wait3A_75 = tpu.memref_slice %arg3[%dma_wait3A_73, %dma_wait3A_74] : memref<10000x128xf32, #tpu.memory_space<hbm>> -> memref<10000x128xf32, #tpu.memory_space<hbm>>
          tpu.wait_indirect_dma semaphore(%arg13 : memref<!tpu.dma_semaphore, #tpu.memory_space<semaphore_mem>>) src(%dma_wait3A_75 : memref<10000x128xf32, #tpu.memory_space<hbm>>) dst(%arg11 : memref<128x128xf32, #tpu.memory_space<vmem>>)
          %add3A_76 = arith.constant 1 : i32
          %add3A_77 = arith.addi %add3A_52, %add3A_76 : i32
          "tpu.region"() ({
            %run_scoped3A = tpu.sem_alloc : memref<!tpu.dma_semaphore, #tpu.memory_space<semaphore_mem>>
            %dma_start3A_87 = arith.constant 0 : i32
            %dma_start3A_88 = tpu.memref_slice %arg9[%add3A_77, %dma_start3A_87] : memref<40x128xi32, #tpu.memory_space<vmem>> -> memref<1x128xi32, #tpu.memory_space<vmem>>
            %dma_start3A_89 = tpu.memref_squeeze %dma_start3A_88 : memref<1x128xi32, #tpu.memory_space<vmem>> -> memref<128xi32, #tpu.memory_space<vmem>>
            %dma_start3A_90 = arith.constant 0 : i32
            %dma_start3A_91 = arith.constant 0 : i32
            %dma_start3A_92 = tpu.memref_slice %arg14[%dma_start3A_90, %dma_start3A_91] : memref<10240x128xf32, #tpu.memory_space<vmem_shared>> -> memref<10240x128xf32, #tpu.memory_space<vmem_shared>>
            tpu.enqueue_indirect_dma source(%arg11 : memref<128x128xf32, #tpu.memory_space<vmem>>) target(%dma_start3A_92 : memref<10240x128xf32, #tpu.memory_space<vmem_shared>>) offsets(%dma_start3A_89 : memref<128xi32, #tpu.memory_space<vmem>>) semaphore(%run_scoped3A : memref<!tpu.dma_semaphore, #tpu.memory_space<semaphore_mem>>) {add = true}
            %dma_wait3A_93 = arith.constant 0 : i32
            %dma_wait3A_94 = tpu.memref_slice %arg9[%add3A_77, %dma_wait3A_93] : memref<40x128xi32, #tpu.memory_space<vmem>> -> memref<1x128xi32, #tpu.memory_space<vmem>>
            %dma_wait3A_95 = tpu.memref_squeeze %dma_wait3A_94 : memref<1x128xi32, #tpu.memory_space<vmem>> -> memref<128xi32, #tpu.memory_space<vmem>>
            %dma_wait3A_96 = arith.constant 0 : i32
            %dma_wait3A_97 = arith.constant 0 : i32
            %dma_wait3A_98 = tpu.memref_slice %arg14[%dma_wait3A_96, %dma_wait3A_97] : memref<10240x128xf32, #tpu.memory_space<vmem_shared>> -> memref<10240x128xf32, #tpu.memory_space<vmem_shared>>
            tpu.wait_indirect_dma semaphore(%run_scoped3A : memref<!tpu.dma_semaphore, #tpu.memory_space<semaphore_mem>>) src(%arg11 : memref<128x128xf32, #tpu.memory_space<vmem>>) dst(%dma_wait3A_98 : memref<10240x128xf32, #tpu.memory_space<vmem_shared>>)
            tpu.yield
          }) : () -> ()
          %add3A_78 = arith.constant 1 : i32
          %add3A_79 = arith.addi %add3A_52, %add3A_78 : i32
          %add3A_80 = arith.constant 2 : i32
          %add3A_81 = arith.addi %add3A_79, %add3A_80 : i32
          %lt3A_82 = arith.constant 40 : i32
          %lt3A_83 = arith.cmpi slt, %add3A_81, %lt3A_82 : i32
          %convert_element_type3A_84 = arith.extui %lt3A_83 : i1 to i32
          %cond3A_85 = arith.constant 0 : i32
          %cond3A_86 = arith.cmpi ne, %convert_element_type3A_84, %cond3A_85 : i32
          scf.if %cond3A_86 {
            %add3A_87 = arith.constant 1 : i32
            %add3A_88 = arith.addi %add3A_52, %add3A_87 : i32
            %add3A_89 = arith.constant 2 : i32
            %add3A_90 = arith.addi %add3A_88, %add3A_89 : i32
            %dma_start3A_91 = arith.constant 0 : i32
            %dma_start3A_92 = tpu.memref_slice %arg8[%add3A_90, %dma_start3A_91] : memref<40x128xi32, #tpu.memory_space<vmem>> -> memref<1x128xi32, #tpu.memory_space<vmem>>
            %dma_start3A_93 = tpu.memref_squeeze %dma_start3A_92 : memref<1x128xi32, #tpu.memory_space<vmem>> -> memref<128xi32, #tpu.memory_space<vmem>>
            %dma_start3A_94 = arith.constant 0 : i32
            %dma_start3A_95 = arith.constant 0 : i32
            %dma_start3A_96 = tpu.memref_slice %arg3[%dma_start3A_94, %dma_start3A_95] : memref<10000x128xf32, #tpu.memory_space<hbm>> -> memref<10000x128xf32, #tpu.memory_space<hbm>>
            tpu.enqueue_indirect_dma source(%dma_start3A_96 : memref<10000x128xf32, #tpu.memory_space<hbm>>) target(%arg11 : memref<128x128xf32, #tpu.memory_space<vmem>>) offsets(%dma_start3A_93 : memref<128xi32, #tpu.memory_space<vmem>>) semaphore(%arg13 : memref<!tpu.dma_semaphore, #tpu.memory_space<semaphore_mem>>)
          } else {
          }
        }
        %scan3A_47 = arith.constant 20 : i32
      }
      %scan3A_19 = arith.constant 4 : i32
    } else {
    }
    %barrier3A_14 = arith.constant 0 : index
    tpu.barrier barrier_id(%barrier3A_14)
    "tpu.region"() ({
      %run_scoped3A = tpu.sem_alloc : memref<!tpu.dma_semaphore, #tpu.memory_space<semaphore_mem>>
      %dma_start3A = arith.constant 0 : i32
      %dma_start3A_15 = tpu.memref_slice %arg7[%arg0, %mul3A_0, %dma_start3A] : memref<2x10240x128xf32, #tpu.memory_space<hbm>> -> memref<1x640x128xf32, #tpu.memory_space<hbm>>
      %dma_start3A_16 = tpu.memref_squeeze %dma_start3A_15 : memref<1x640x128xf32, #tpu.memory_space<hbm>> -> memref<640x128xf32, #tpu.memory_space<hbm>>
      %dma_start3A_17 = arith.constant 0 : i32
      %dma_start3A_18 = tpu.memref_slice %arg14[%mul3A_0, %dma_start3A_17] : memref<10240x128xf32, #tpu.memory_space<vmem_shared>> -> memref<640x128xf32, #tpu.memory_space<vmem_shared>>
      tpu.enqueue_dma source(%dma_start3A_18 : memref<640x128xf32, #tpu.memory_space<vmem_shared>>) target(%dma_start3A_16 : memref<640x128xf32, #tpu.memory_space<hbm>>) target_semaphore(%run_scoped3A : memref<!tpu.dma_semaphore, #tpu.memory_space<semaphore_mem>>)
      %dma_wait3A = arith.constant 0 : i32
      %dma_wait3A_19 = tpu.memref_slice %arg7[%arg0, %mul3A_0, %dma_wait3A] : memref<2x10240x128xf32, #tpu.memory_space<hbm>> -> memref<1x640x128xf32, #tpu.memory_space<hbm>>
      %dma_wait3A_20 = tpu.memref_squeeze %dma_wait3A_19 : memref<1x640x128xf32, #tpu.memory_space<hbm>> -> memref<640x128xf32, #tpu.memory_space<hbm>>
      %dma_wait3A_21 = arith.constant 0 : i32
      %dma_wait3A_22 = tpu.memref_slice %arg14[%mul3A_0, %dma_wait3A_21] : memref<10240x128xf32, #tpu.memory_space<vmem_shared>> -> memref<640x128xf32, #tpu.memory_space<vmem_shared>>
      tpu.wait_dma2 semaphore(%run_scoped3A : memref<!tpu.dma_semaphore, #tpu.memory_space<semaphore_mem>>) src(%dma_wait3A_22 : memref<640x128xf32, #tpu.memory_space<vmem_shared>>) dst(%dma_wait3A_20 : memref<640x128xf32, #tpu.memory_space<hbm>>)
      tpu.yield
    }) : () -> ()
    return
  }
}

#map = affine_map<(d0, d1) -> (0, 0)>
#map1 = affine_map<(d0, d1) -> (0, 0, 0)>
module attributes {stable_mosaic.version = 14 : i64} {
  func.func @_segsum_body(%arg0: i32, %arg1: i32, %arg2: memref<10000x128xf32, #tpu.memory_space<hbm>>, %arg3: memref<10000x128xf32, #tpu.memory_space<hbm>>, %arg4: memref<2x2560x128xi32, #tpu.memory_space<hbm>>, %arg5: memref<2x2560x128xi32, #tpu.memory_space<hbm>>, %arg6: memref<128x128xf32, #tpu.memory_space<hbm>>, %arg7: memref<2x10240x128xf32, #tpu.memory_space<hbm>>, %arg8: memref<40x128xi32, #tpu.memory_space<vmem>>, %arg9: memref<40x128xi32, #tpu.memory_space<vmem>>, %arg10: memref<128x128xf32, #tpu.memory_space<vmem>>, %arg11: memref<128x128xf32, #tpu.memory_space<vmem>>, %arg12: memref<!tpu.dma_semaphore, #tpu.memory_space<semaphore_mem>>, %arg13: memref<!tpu.dma_semaphore, #tpu.memory_space<semaphore_mem>>, %arg14: memref<10240x128xf32, #tpu.memory_space<vmem_shared>>) attributes {dimension_semantics = [#tpu.dimension_semantics<core_parallel>, #tpu.dimension_semantics<subcore_parallel>], iteration_bounds = array<i64: 2, 16>, scalar_prefetch = 0 : i64, scratch_operands = 7 : i64, tpu.core_type = #tpu.core_type<sc_vector_subcore>, window_params = [{transform_indices = #map}, {transform_indices = #map}, {transform_indices = #map1}, {transform_indices = #map1}, {transform_indices = #map}, {transform_indices = #map1}]} {
    %mul3A = arith.constant 640 : i32
    %mul3A_0 = arith.muli %arg1, %mul3A : i32
    "tpu.region"() ({
      %run_scoped3A = tpu.sem_alloc : memref<!tpu.dma_semaphore, #tpu.memory_space<semaphore_mem>>
      tpu.enqueue_dma source(%arg6 : memref<128x128xf32, #tpu.memory_space<hbm>>) target(%arg10 : memref<128x128xf32, #tpu.memory_space<vmem>>) target_semaphore(%run_scoped3A : memref<!tpu.dma_semaphore, #tpu.memory_space<semaphore_mem>>)
      tpu.wait_dma2 semaphore(%run_scoped3A : memref<!tpu.dma_semaphore, #tpu.memory_space<semaphore_mem>>) src(%arg6 : memref<128x128xf32, #tpu.memory_space<hbm>>) dst(%arg10 : memref<128x128xf32, #tpu.memory_space<vmem>>)
      tpu.yield
    }) : () -> ()
    %scan3A = arith.constant 0 : i32
    %scan3A_1 = arith.constant 5 : i32
    %scan3A_2 = arith.addi %scan3A, %scan3A_1 : i32
    %scan3A_3 = arith.constant 1 : i32
    scf.for %scan3A_15 = %scan3A to %scan3A_2 step %scan3A_3  : i32 {
      %mul3A_16 = arith.constant 1 : i32
      %mul3A_17 = arith.muli %scan3A_15, %mul3A_16 : i32
      %add3A = arith.constant 0 : i32
      %add3A_18 = arith.addi %add3A, %mul3A_17 : i32
      %mul3A_19 = arith.constant 128 : i32
      %mul3A_20 = arith.muli %add3A_18, %mul3A_19 : i32
      %add3A_21 = arith.addi %mul3A_0, %mul3A_20 : i32
      "tpu.region"() ({
        %run_scoped3A = tpu.sem_alloc : memref<!tpu.dma_semaphore, #tpu.memory_space<semaphore_mem>>
        %dma_start3A = arith.constant 0 : i32
        %dma_start3A_22 = tpu.memref_slice %arg14[%add3A_21, %dma_start3A] : memref<10240x128xf32, #tpu.memory_space<vmem_shared>> -> memref<128x128xf32, #tpu.memory_space<vmem_shared>>
        %dma_start3A_23 = arith.constant 0 : i32
        %dma_start3A_24 = tpu.memref_slice %arg14[%add3A_21, %dma_start3A_23] : memref<10240x128xf32, #tpu.memory_space<vmem_shared>> -> memref<128x128xf32, #tpu.memory_space<vmem_shared>>
        tpu.enqueue_dma source(%arg10 : memref<128x128xf32, #tpu.memory_space<vmem>>) target(%dma_start3A_24 : memref<128x128xf32, #tpu.memory_space<vmem_shared>>) target_semaphore(%run_scoped3A : memref<!tpu.dma_semaphore, #tpu.memory_space<semaphore_mem>>)
        %dma_wait3A = arith.constant 0 : i32
        %dma_wait3A_25 = tpu.memref_slice %arg14[%add3A_21, %dma_wait3A] : memref<10240x128xf32, #tpu.memory_space<vmem_shared>> -> memref<128x128xf32, #tpu.memory_space<vmem_shared>>
        %dma_wait3A_26 = arith.constant 0 : i32
        %dma_wait3A_27 = tpu.memref_slice %arg14[%add3A_21, %dma_wait3A_26] : memref<10240x128xf32, #tpu.memory_space<vmem_shared>> -> memref<128x128xf32, #tpu.memory_space<vmem_shared>>
        tpu.wait_dma2 semaphore(%run_scoped3A : memref<!tpu.dma_semaphore, #tpu.memory_space<semaphore_mem>>) src(%arg10 : memref<128x128xf32, #tpu.memory_space<vmem>>) dst(%dma_wait3A_27 : memref<128x128xf32, #tpu.memory_space<vmem_shared>>)
        tpu.yield
      }) : () -> ()
    }
    %scan3A_4 = arith.constant 5 : i32
    %mul3A_5 = arith.constant 160 : i32
    %mul3A_6 = arith.muli %arg1, %mul3A_5 : i32
    %barrier3A = arith.constant 0 : index
    tpu.barrier barrier_id(%barrier3A)
    %eq3A = arith.constant 0 : i32
    %eq3A_7 = arith.cmpi eq, %arg0, %eq3A : i32
    %convert_element_type3A = arith.extui %eq3A_7 : i1 to i32
    %cond3A = arith.constant 0 : i32
    %cond3A_8 = arith.cmpi ne, %convert_element_type3A, %cond3A : i32
    scf.if %cond3A_8 {
      %scan3A_15 = arith.constant 0 : i32
      %scan3A_16 = arith.constant 4 : i32
      %scan3A_17 = arith.addi %scan3A_15, %scan3A_16 : i32
      %scan3A_18 = arith.constant 1 : i32
      scf.for %scan3A_20 = %scan3A_15 to %scan3A_17 step %scan3A_18  : i32 {
        %mul3A_21 = arith.constant 1 : i32
        %mul3A_22 = arith.muli %scan3A_20, %mul3A_21 : i32
        %add3A = arith.constant 0 : i32
        %add3A_23 = arith.addi %add3A, %mul3A_22 : i32
        %mul3A_24 = arith.constant 40 : i32
        %mul3A_25 = arith.muli %add3A_23, %mul3A_24 : i32
        %add3A_26 = arith.addi %mul3A_6, %mul3A_25 : i32
        "tpu.region"() ({
          %run_scoped3A = tpu.sem_alloc : memref<!tpu.dma_semaphore, #tpu.memory_space<semaphore_mem>>
          %dma_start3A_48 = arith.constant 0 : i32
          %dma_start3A_49 = tpu.memref_slice %arg4[%arg0, %add3A_26, %dma_start3A_48] : memref<2x2560x128xi32, #tpu.memory_space<hbm>> -> memref<1x40x128xi32, #tpu.memory_space<hbm>>
          %dma_start3A_50 = tpu.memref_squeeze %dma_start3A_49 : memref<1x40x128xi32, #tpu.memory_space<hbm>> -> memref<40x128xi32, #tpu.memory_space<hbm>>
          %dma_start3A_51 = arith.constant 0 : i32
          %dma_start3A_52 = tpu.memref_slice %arg4[%arg0, %add3A_26, %dma_start3A_51] : memref<2x2560x128xi32, #tpu.memory_space<hbm>> -> memref<1x40x128xi32, #tpu.memory_space<hbm>>
          %dma_start3A_53 = tpu.memref_squeeze %dma_start3A_52 : memref<1x40x128xi32, #tpu.memory_space<hbm>> -> memref<40x128xi32, #tpu.memory_space<hbm>>
          tpu.enqueue_dma source(%dma_start3A_53 : memref<40x128xi32, #tpu.memory_space<hbm>>) target(%arg8 : memref<40x128xi32, #tpu.memory_space<vmem>>) target_semaphore(%run_scoped3A : memref<!tpu.dma_semaphore, #tpu.memory_space<semaphore_mem>>)
          %dma_wait3A = arith.constant 0 : i32
          %dma_wait3A_54 = tpu.memref_slice %arg4[%arg0, %add3A_26, %dma_wait3A] : memref<2x2560x128xi32, #tpu.memory_space<hbm>> -> memref<1x40x128xi32, #tpu.memory_space<hbm>>
          %dma_wait3A_55 = tpu.memref_squeeze %dma_wait3A_54 : memref<1x40x128xi32, #tpu.memory_space<hbm>> -> memref<40x128xi32, #tpu.memory_space<hbm>>
          %dma_wait3A_56 = arith.constant 0 : i32
          %dma_wait3A_57 = tpu.memref_slice %arg4[%arg0, %add3A_26, %dma_wait3A_56] : memref<2x2560x128xi32, #tpu.memory_space<hbm>> -> memref<1x40x128xi32, #tpu.memory_space<hbm>>
          %dma_wait3A_58 = tpu.memref_squeeze %dma_wait3A_57 : memref<1x40x128xi32, #tpu.memory_space<hbm>> -> memref<40x128xi32, #tpu.memory_space<hbm>>
          tpu.wait_dma2 semaphore(%run_scoped3A : memref<!tpu.dma_semaphore, #tpu.memory_space<semaphore_mem>>) src(%dma_wait3A_58 : memref<40x128xi32, #tpu.memory_space<hbm>>) dst(%arg8 : memref<40x128xi32, #tpu.memory_space<vmem>>)
          tpu.yield
        }) : () -> ()
        %mul3A_27 = arith.constant 40 : i32
        %mul3A_28 = arith.muli %add3A_23, %mul3A_27 : i32
        %add3A_29 = arith.addi %mul3A_6, %mul3A_28 : i32
        "tpu.region"() ({
          %run_scoped3A = tpu.sem_alloc : memref<!tpu.dma_semaphore, #tpu.memory_space<semaphore_mem>>
          %dma_start3A_48 = arith.constant 0 : i32
          %dma_start3A_49 = tpu.memref_slice %arg5[%arg0, %add3A_29, %dma_start3A_48] : memref<2x2560x128xi32, #tpu.memory_space<hbm>> -> memref<1x40x128xi32, #tpu.memory_space<hbm>>
          %dma_start3A_50 = tpu.memref_squeeze %dma_start3A_49 : memref<1x40x128xi32, #tpu.memory_space<hbm>> -> memref<40x128xi32, #tpu.memory_space<hbm>>
          %dma_start3A_51 = arith.constant 0 : i32
          %dma_start3A_52 = tpu.memref_slice %arg5[%arg0, %add3A_29, %dma_start3A_51] : memref<2x2560x128xi32, #tpu.memory_space<hbm>> -> memref<1x40x128xi32, #tpu.memory_space<hbm>>
          %dma_start3A_53 = tpu.memref_squeeze %dma_start3A_52 : memref<1x40x128xi32, #tpu.memory_space<hbm>> -> memref<40x128xi32, #tpu.memory_space<hbm>>
          tpu.enqueue_dma source(%dma_start3A_53 : memref<40x128xi32, #tpu.memory_space<hbm>>) target(%arg9 : memref<40x128xi32, #tpu.memory_space<vmem>>) target_semaphore(%run_scoped3A : memref<!tpu.dma_semaphore, #tpu.memory_space<semaphore_mem>>)
          %dma_wait3A = arith.constant 0 : i32
          %dma_wait3A_54 = tpu.memref_slice %arg5[%arg0, %add3A_29, %dma_wait3A] : memref<2x2560x128xi32, #tpu.memory_space<hbm>> -> memref<1x40x128xi32, #tpu.memory_space<hbm>>
          %dma_wait3A_55 = tpu.memref_squeeze %dma_wait3A_54 : memref<1x40x128xi32, #tpu.memory_space<hbm>> -> memref<40x128xi32, #tpu.memory_space<hbm>>
          %dma_wait3A_56 = arith.constant 0 : i32
          %dma_wait3A_57 = tpu.memref_slice %arg5[%arg0, %add3A_29, %dma_wait3A_56] : memref<2x2560x128xi32, #tpu.memory_space<hbm>> -> memref<1x40x128xi32, #tpu.memory_space<hbm>>
          %dma_wait3A_58 = tpu.memref_squeeze %dma_wait3A_57 : memref<1x40x128xi32, #tpu.memory_space<hbm>> -> memref<40x128xi32, #tpu.memory_space<hbm>>
          tpu.wait_dma2 semaphore(%run_scoped3A : memref<!tpu.dma_semaphore, #tpu.memory_space<semaphore_mem>>) src(%dma_wait3A_58 : memref<40x128xi32, #tpu.memory_space<hbm>>) dst(%arg9 : memref<40x128xi32, #tpu.memory_space<vmem>>)
          tpu.yield
        }) : () -> ()
        %dma_start3A = arith.constant 0 : i32
        %dma_start3A_30 = arith.constant 0 : i32
        %dma_start3A_31 = tpu.memref_slice %arg8[%dma_start3A, %dma_start3A_30] : memref<40x128xi32, #tpu.memory_space<vmem>> -> memref<1x128xi32, #tpu.memory_space<vmem>>
        %dma_start3A_32 = tpu.memref_squeeze %dma_start3A_31 : memref<1x128xi32, #tpu.memory_space<vmem>> -> memref<128xi32, #tpu.memory_space<vmem>>
        %dma_start3A_33 = arith.constant 0 : i32
        %dma_start3A_34 = arith.constant 0 : i32
        %dma_start3A_35 = tpu.memref_slice %arg2[%dma_start3A_33, %dma_start3A_34] : memref<10000x128xf32, #tpu.memory_space<hbm>> -> memref<10000x128xf32, #tpu.memory_space<hbm>>
        tpu.enqueue_indirect_dma source(%dma_start3A_35 : memref<10000x128xf32, #tpu.memory_space<hbm>>) target(%arg10 : memref<128x128xf32, #tpu.memory_space<vmem>>) offsets(%dma_start3A_32 : memref<128xi32, #tpu.memory_space<vmem>>) semaphore(%arg12 : memref<!tpu.dma_semaphore, #tpu.memory_space<semaphore_mem>>)
        %dma_start3A_36 = arith.constant 1 : i32
        %dma_start3A_37 = arith.constant 0 : i32
        %dma_start3A_38 = tpu.memref_slice %arg8[%dma_start3A_36, %dma_start3A_37] : memref<40x128xi32, #tpu.memory_space<vmem>> -> memref<1x128xi32, #tpu.memory_space<vmem>>
        %dma_start3A_39 = tpu.memref_squeeze %dma_start3A_38 : memref<1x128xi32, #tpu.memory_space<vmem>> -> memref<128xi32, #tpu.memory_space<vmem>>
        %dma_start3A_40 = arith.constant 0 : i32
        %dma_start3A_41 = arith.constant 0 : i32
        %dma_start3A_42 = tpu.memref_slice %arg2[%dma_start3A_40, %dma_start3A_41] : memref<10000x128xf32, #tpu.memory_space<hbm>> -> memref<10000x128xf32, #tpu.memory_space<hbm>>
        tpu.enqueue_indirect_dma source(%dma_start3A_42 : memref<10000x128xf32, #tpu.memory_space<hbm>>) target(%arg11 : memref<128x128xf32, #tpu.memory_space<vmem>>) offsets(%dma_start3A_39 : memref<128xi32, #tpu.memory_space<vmem>>) semaphore(%arg13 : memref<!tpu.dma_semaphore, #tpu.memory_space<semaphore_mem>>)
        %scan3A_43 = arith.constant 0 : i32
        %scan3A_44 = arith.constant 20 : i32
        %scan3A_45 = arith.addi %scan3A_43, %scan3A_44 : i32
        %scan3A_46 = arith.constant 1 : i32
        scf.for %scan3A_48 = %scan3A_43 to %scan3A_45 step %scan3A_46  : i32 {
          %mul3A_49 = arith.constant 2 : i32
          %mul3A_50 = arith.muli %scan3A_48, %mul3A_49 : i32
          %add3A_51 = arith.constant 0 : i32
          %add3A_52 = arith.addi %add3A_51, %mul3A_50 : i32
          %dma_wait3A = arith.constant 0 : i32
          %dma_wait3A_53 = arith.constant 0 : i32
          %dma_wait3A_54 = tpu.memref_slice %arg8[%dma_wait3A, %dma_wait3A_53] : memref<40x128xi32, #tpu.memory_space<vmem>> -> memref<1x128xi32, #tpu.memory_space<vmem>>
          %dma_wait3A_55 = tpu.memref_squeeze %dma_wait3A_54 : memref<1x128xi32, #tpu.memory_space<vmem>> -> memref<128xi32, #tpu.memory_space<vmem>>
          %dma_wait3A_56 = arith.constant 0 : i32
          %dma_wait3A_57 = arith.constant 0 : i32
          %dma_wait3A_58 = tpu.memref_slice %arg2[%dma_wait3A_56, %dma_wait3A_57] : memref<10000x128xf32, #tpu.memory_space<hbm>> -> memref<10000x128xf32, #tpu.memory_space<hbm>>
          tpu.wait_indirect_dma semaphore(%arg12 : memref<!tpu.dma_semaphore, #tpu.memory_space<semaphore_mem>>) src(%dma_wait3A_58 : memref<10000x128xf32, #tpu.memory_space<hbm>>) dst(%arg10 : memref<128x128xf32, #tpu.memory_space<vmem>>)
          %add3A_59 = arith.constant 0 : i32
          %add3A_60 = arith.addi %add3A_52, %add3A_59 : i32
          "tpu.region"() ({
            %run_scoped3A = tpu.sem_alloc : memref<!tpu.dma_semaphore, #tpu.memory_space<semaphore_mem>>
            %dma_start3A_87 = arith.constant 0 : i32
            %dma_start3A_88 = tpu.memref_slice %arg9[%add3A_60, %dma_start3A_87] : memref<40x128xi32, #tpu.memory_space<vmem>> -> memref<1x128xi32, #tpu.memory_space<vmem>>
            %dma_start3A_89 = tpu.memref_squeeze %dma_start3A_88 : memref<1x128xi32, #tpu.memory_space<vmem>> -> memref<128xi32, #tpu.memory_space<vmem>>
            %dma_start3A_90 = arith.constant 0 : i32
            %dma_start3A_91 = arith.constant 0 : i32
            %dma_start3A_92 = tpu.memref_slice %arg14[%dma_start3A_90, %dma_start3A_91] : memref<10240x128xf32, #tpu.memory_space<vmem_shared>> -> memref<10240x128xf32, #tpu.memory_space<vmem_shared>>
            tpu.enqueue_indirect_dma source(%arg10 : memref<128x128xf32, #tpu.memory_space<vmem>>) target(%dma_start3A_92 : memref<10240x128xf32, #tpu.memory_space<vmem_shared>>) offsets(%dma_start3A_89 : memref<128xi32, #tpu.memory_space<vmem>>) semaphore(%run_scoped3A : memref<!tpu.dma_semaphore, #tpu.memory_space<semaphore_mem>>) {add = true}
            %dma_wait3A_93 = arith.constant 0 : i32
            %dma_wait3A_94 = tpu.memref_slice %arg9[%add3A_60, %dma_wait3A_93] : memref<40x128xi32, #tpu.memory_space<vmem>> -> memref<1x128xi32, #tpu.memory_space<vmem>>
            %dma_wait3A_95 = tpu.memref_squeeze %dma_wait3A_94 : memref<1x128xi32, #tpu.memory_space<vmem>> -> memref<128xi32, #tpu.memory_space<vmem>>
            %dma_wait3A_96 = arith.constant 0 : i32
            %dma_wait3A_97 = arith.constant 0 : i32
            %dma_wait3A_98 = tpu.memref_slice %arg14[%dma_wait3A_96, %dma_wait3A_97] : memref<10240x128xf32, #tpu.memory_space<vmem_shared>> -> memref<10240x128xf32, #tpu.memory_space<vmem_shared>>
            tpu.wait_indirect_dma semaphore(%run_scoped3A : memref<!tpu.dma_semaphore, #tpu.memory_space<semaphore_mem>>) src(%arg10 : memref<128x128xf32, #tpu.memory_space<vmem>>) dst(%dma_wait3A_98 : memref<10240x128xf32, #tpu.memory_space<vmem_shared>>)
            tpu.yield
          }) : () -> ()
          %add3A_61 = arith.constant 0 : i32
          %add3A_62 = arith.addi %add3A_52, %add3A_61 : i32
          %add3A_63 = arith.constant 2 : i32
          %add3A_64 = arith.addi %add3A_62, %add3A_63 : i32
          %lt3A = arith.constant 40 : i32
          %lt3A_65 = arith.cmpi slt, %add3A_64, %lt3A : i32
          %convert_element_type3A_66 = arith.extui %lt3A_65 : i1 to i32
          %cond3A_67 = arith.constant 0 : i32
          %cond3A_68 = arith.cmpi ne, %convert_element_type3A_66, %cond3A_67 : i32
          scf.if %cond3A_68 {
            %add3A_87 = arith.constant 0 : i32
            %add3A_88 = arith.addi %add3A_52, %add3A_87 : i32
            %add3A_89 = arith.constant 2 : i32
            %add3A_90 = arith.addi %add3A_88, %add3A_89 : i32
            %dma_start3A_91 = arith.constant 0 : i32
            %dma_start3A_92 = tpu.memref_slice %arg8[%add3A_90, %dma_start3A_91] : memref<40x128xi32, #tpu.memory_space<vmem>> -> memref<1x128xi32, #tpu.memory_space<vmem>>
            %dma_start3A_93 = tpu.memref_squeeze %dma_start3A_92 : memref<1x128xi32, #tpu.memory_space<vmem>> -> memref<128xi32, #tpu.memory_space<vmem>>
            %dma_start3A_94 = arith.constant 0 : i32
            %dma_start3A_95 = arith.constant 0 : i32
            %dma_start3A_96 = tpu.memref_slice %arg2[%dma_start3A_94, %dma_start3A_95] : memref<10000x128xf32, #tpu.memory_space<hbm>> -> memref<10000x128xf32, #tpu.memory_space<hbm>>
            tpu.enqueue_indirect_dma source(%dma_start3A_96 : memref<10000x128xf32, #tpu.memory_space<hbm>>) target(%arg10 : memref<128x128xf32, #tpu.memory_space<vmem>>) offsets(%dma_start3A_93 : memref<128xi32, #tpu.memory_space<vmem>>) semaphore(%arg12 : memref<!tpu.dma_semaphore, #tpu.memory_space<semaphore_mem>>)
          } else {
          }
          %dma_wait3A_69 = arith.constant 0 : i32
          %dma_wait3A_70 = arith.constant 0 : i32
          %dma_wait3A_71 = tpu.memref_slice %arg8[%dma_wait3A_69, %dma_wait3A_70] : memref<40x128xi32, #tpu.memory_space<vmem>> -> memref<1x128xi32, #tpu.memory_space<vmem>>
          %dma_wait3A_72 = tpu.memref_squeeze %dma_wait3A_71 : memref<1x128xi32, #tpu.memory_space<vmem>> -> memref<128xi32, #tpu.memory_space<vmem>>
          %dma_wait3A_73 = arith.constant 0 : i32
          %dma_wait3A_74 = arith.constant 0 : i32
          %dma_wait3A_75 = tpu.memref_slice %arg2[%dma_wait3A_73, %dma_wait3A_74] : memref<10000x128xf32, #tpu.memory_space<hbm>> -> memref<10000x128xf32, #tpu.memory_space<hbm>>
          tpu.wait_indirect_dma semaphore(%arg13 : memref<!tpu.dma_semaphore, #tpu.memory_space<semaphore_mem>>) src(%dma_wait3A_75 : memref<10000x128xf32, #tpu.memory_space<hbm>>) dst(%arg11 : memref<128x128xf32, #tpu.memory_space<vmem>>)
          %add3A_76 = arith.constant 1 : i32
          %add3A_77 = arith.addi %add3A_52, %add3A_76 : i32
          "tpu.region"() ({
            %run_scoped3A = tpu.sem_alloc : memref<!tpu.dma_semaphore, #tpu.memory_space<semaphore_mem>>
            %dma_start3A_87 = arith.constant 0 : i32
            %dma_start3A_88 = tpu.memref_slice %arg9[%add3A_77, %dma_start3A_87] : memref<40x128xi32, #tpu.memory_space<vmem>> -> memref<1x128xi32, #tpu.memory_space<vmem>>
            %dma_start3A_89 = tpu.memref_squeeze %dma_start3A_88 : memref<1x128xi32, #tpu.memory_space<vmem>> -> memref<128xi32, #tpu.memory_space<vmem>>
            %dma_start3A_90 = arith.constant 0 : i32
            %dma_start3A_91 = arith.constant 0 : i32
            %dma_start3A_92 = tpu.memref_slice %arg14[%dma_start3A_90, %dma_start3A_91] : memref<10240x128xf32, #tpu.memory_space<vmem_shared>> -> memref<10240x128xf32, #tpu.memory_space<vmem_shared>>
            tpu.enqueue_indirect_dma source(%arg11 : memref<128x128xf32, #tpu.memory_space<vmem>>) target(%dma_start3A_92 : memref<10240x128xf32, #tpu.memory_space<vmem_shared>>) offsets(%dma_start3A_89 : memref<128xi32, #tpu.memory_space<vmem>>) semaphore(%run_scoped3A : memref<!tpu.dma_semaphore, #tpu.memory_space<semaphore_mem>>) {add = true}
            %dma_wait3A_93 = arith.constant 0 : i32
            %dma_wait3A_94 = tpu.memref_slice %arg9[%add3A_77, %dma_wait3A_93] : memref<40x128xi32, #tpu.memory_space<vmem>> -> memref<1x128xi32, #tpu.memory_space<vmem>>
            %dma_wait3A_95 = tpu.memref_squeeze %dma_wait3A_94 : memref<1x128xi32, #tpu.memory_space<vmem>> -> memref<128xi32, #tpu.memory_space<vmem>>
            %dma_wait3A_96 = arith.constant 0 : i32
            %dma_wait3A_97 = arith.constant 0 : i32
            %dma_wait3A_98 = tpu.memref_slice %arg14[%dma_wait3A_96, %dma_wait3A_97] : memref<10240x128xf32, #tpu.memory_space<vmem_shared>> -> memref<10240x128xf32, #tpu.memory_space<vmem_shared>>
            tpu.wait_indirect_dma semaphore(%run_scoped3A : memref<!tpu.dma_semaphore, #tpu.memory_space<semaphore_mem>>) src(%arg11 : memref<128x128xf32, #tpu.memory_space<vmem>>) dst(%dma_wait3A_98 : memref<10240x128xf32, #tpu.memory_space<vmem_shared>>)
            tpu.yield
          }) : () -> ()
          %add3A_78 = arith.constant 1 : i32
          %add3A_79 = arith.addi %add3A_52, %add3A_78 : i32
          %add3A_80 = arith.constant 2 : i32
          %add3A_81 = arith.addi %add3A_79, %add3A_80 : i32
          %lt3A_82 = arith.constant 40 : i32
          %lt3A_83 = arith.cmpi slt, %add3A_81, %lt3A_82 : i32
          %convert_element_type3A_84 = arith.extui %lt3A_83 : i1 to i32
          %cond3A_85 = arith.constant 0 : i32
          %cond3A_86 = arith.cmpi ne, %convert_element_type3A_84, %cond3A_85 : i32
          scf.if %cond3A_86 {
            %add3A_87 = arith.constant 1 : i32
            %add3A_88 = arith.addi %add3A_52, %add3A_87 : i32
            %add3A_89 = arith.constant 2 : i32
            %add3A_90 = arith.addi %add3A_88, %add3A_89 : i32
            %dma_start3A_91 = arith.constant 0 : i32
            %dma_start3A_92 = tpu.memref_slice %arg8[%add3A_90, %dma_start3A_91] : memref<40x128xi32, #tpu.memory_space<vmem>> -> memref<1x128xi32, #tpu.memory_space<vmem>>
            %dma_start3A_93 = tpu.memref_squeeze %dma_start3A_92 : memref<1x128xi32, #tpu.memory_space<vmem>> -> memref<128xi32, #tpu.memory_space<vmem>>
            %dma_start3A_94 = arith.constant 0 : i32
            %dma_start3A_95 = arith.constant 0 : i32
            %dma_start3A_96 = tpu.memref_slice %arg2[%dma_start3A_94, %dma_start3A_95] : memref<10000x128xf32, #tpu.memory_space<hbm>> -> memref<10000x128xf32, #tpu.memory_space<hbm>>
            tpu.enqueue_indirect_dma source(%dma_start3A_96 : memref<10000x128xf32, #tpu.memory_space<hbm>>) target(%arg11 : memref<128x128xf32, #tpu.memory_space<vmem>>) offsets(%dma_start3A_93 : memref<128xi32, #tpu.memory_space<vmem>>) semaphore(%arg13 : memref<!tpu.dma_semaphore, #tpu.memory_space<semaphore_mem>>)
          } else {
          }
        }
        %scan3A_47 = arith.constant 20 : i32
      }
      %scan3A_19 = arith.constant 4 : i32
    } else {
    }
    %eq3A_9 = arith.constant 1 : i32
    %eq3A_10 = arith.cmpi eq, %arg0, %eq3A_9 : i32
    %convert_element_type3A_11 = arith.extui %eq3A_10 : i1 to i32
    %cond3A_12 = arith.constant 0 : i32
    %cond3A_13 = arith.cmpi ne, %convert_element_type3A_11, %cond3A_12 : i32
    scf.if %cond3A_13 {
      %scan3A_15 = arith.constant 0 : i32
      %scan3A_16 = arith.constant 4 : i32
      %scan3A_17 = arith.addi %scan3A_15, %scan3A_16 : i32
      %scan3A_18 = arith.constant 1 : i32
      scf.for %scan3A_20 = %scan3A_15 to %scan3A_17 step %scan3A_18  : i32 {
        %mul3A_21 = arith.constant 1 : i32
        %mul3A_22 = arith.muli %scan3A_20, %mul3A_21 : i32
        %add3A = arith.constant 0 : i32
        %add3A_23 = arith.addi %add3A, %mul3A_22 : i32
        %mul3A_24 = arith.constant 40 : i32
        %mul3A_25 = arith.muli %add3A_23, %mul3A_24 : i32
        %add3A_26 = arith.addi %mul3A_6, %mul3A_25 : i32
        "tpu.region"() ({
          %run_scoped3A = tpu.sem_alloc : memref<!tpu.dma_semaphore, #tpu.memory_space<semaphore_mem>>
          %dma_start3A_48 = arith.constant 0 : i32
          %dma_start3A_49 = tpu.memref_slice %arg4[%arg0, %add3A_26, %dma_start3A_48] : memref<2x2560x128xi32, #tpu.memory_space<hbm>> -> memref<1x40x128xi32, #tpu.memory_space<hbm>>
          %dma_start3A_50 = tpu.memref_squeeze %dma_start3A_49 : memref<1x40x128xi32, #tpu.memory_space<hbm>> -> memref<40x128xi32, #tpu.memory_space<hbm>>
          %dma_start3A_51 = arith.constant 0 : i32
          %dma_start3A_52 = tpu.memref_slice %arg4[%arg0, %add3A_26, %dma_start3A_51] : memref<2x2560x128xi32, #tpu.memory_space<hbm>> -> memref<1x40x128xi32, #tpu.memory_space<hbm>>
          %dma_start3A_53 = tpu.memref_squeeze %dma_start3A_52 : memref<1x40x128xi32, #tpu.memory_space<hbm>> -> memref<40x128xi32, #tpu.memory_space<hbm>>
          tpu.enqueue_dma source(%dma_start3A_53 : memref<40x128xi32, #tpu.memory_space<hbm>>) target(%arg8 : memref<40x128xi32, #tpu.memory_space<vmem>>) target_semaphore(%run_scoped3A : memref<!tpu.dma_semaphore, #tpu.memory_space<semaphore_mem>>)
          %dma_wait3A = arith.constant 0 : i32
          %dma_wait3A_54 = tpu.memref_slice %arg4[%arg0, %add3A_26, %dma_wait3A] : memref<2x2560x128xi32, #tpu.memory_space<hbm>> -> memref<1x40x128xi32, #tpu.memory_space<hbm>>
          %dma_wait3A_55 = tpu.memref_squeeze %dma_wait3A_54 : memref<1x40x128xi32, #tpu.memory_space<hbm>> -> memref<40x128xi32, #tpu.memory_space<hbm>>
          %dma_wait3A_56 = arith.constant 0 : i32
          %dma_wait3A_57 = tpu.memref_slice %arg4[%arg0, %add3A_26, %dma_wait3A_56] : memref<2x2560x128xi32, #tpu.memory_space<hbm>> -> memref<1x40x128xi32, #tpu.memory_space<hbm>>
          %dma_wait3A_58 = tpu.memref_squeeze %dma_wait3A_57 : memref<1x40x128xi32, #tpu.memory_space<hbm>> -> memref<40x128xi32, #tpu.memory_space<hbm>>
          tpu.wait_dma2 semaphore(%run_scoped3A : memref<!tpu.dma_semaphore, #tpu.memory_space<semaphore_mem>>) src(%dma_wait3A_58 : memref<40x128xi32, #tpu.memory_space<hbm>>) dst(%arg8 : memref<40x128xi32, #tpu.memory_space<vmem>>)
          tpu.yield
        }) : () -> ()
        %mul3A_27 = arith.constant 40 : i32
        %mul3A_28 = arith.muli %add3A_23, %mul3A_27 : i32
        %add3A_29 = arith.addi %mul3A_6, %mul3A_28 : i32
        "tpu.region"() ({
          %run_scoped3A = tpu.sem_alloc : memref<!tpu.dma_semaphore, #tpu.memory_space<semaphore_mem>>
          %dma_start3A_48 = arith.constant 0 : i32
          %dma_start3A_49 = tpu.memref_slice %arg5[%arg0, %add3A_29, %dma_start3A_48] : memref<2x2560x128xi32, #tpu.memory_space<hbm>> -> memref<1x40x128xi32, #tpu.memory_space<hbm>>
          %dma_start3A_50 = tpu.memref_squeeze %dma_start3A_49 : memref<1x40x128xi32, #tpu.memory_space<hbm>> -> memref<40x128xi32, #tpu.memory_space<hbm>>
          %dma_start3A_51 = arith.constant 0 : i32
          %dma_start3A_52 = tpu.memref_slice %arg5[%arg0, %add3A_29, %dma_start3A_51] : memref<2x2560x128xi32, #tpu.memory_space<hbm>> -> memref<1x40x128xi32, #tpu.memory_space<hbm>>
          %dma_start3A_53 = tpu.memref_squeeze %dma_start3A_52 : memref<1x40x128xi32, #tpu.memory_space<hbm>> -> memref<40x128xi32, #tpu.memory_space<hbm>>
          tpu.enqueue_dma source(%dma_start3A_53 : memref<40x128xi32, #tpu.memory_space<hbm>>) target(%arg9 : memref<40x128xi32, #tpu.memory_space<vmem>>) target_semaphore(%run_scoped3A : memref<!tpu.dma_semaphore, #tpu.memory_space<semaphore_mem>>)
          %dma_wait3A = arith.constant 0 : i32
          %dma_wait3A_54 = tpu.memref_slice %arg5[%arg0, %add3A_29, %dma_wait3A] : memref<2x2560x128xi32, #tpu.memory_space<hbm>> -> memref<1x40x128xi32, #tpu.memory_space<hbm>>
          %dma_wait3A_55 = tpu.memref_squeeze %dma_wait3A_54 : memref<1x40x128xi32, #tpu.memory_space<hbm>> -> memref<40x128xi32, #tpu.memory_space<hbm>>
          %dma_wait3A_56 = arith.constant 0 : i32
          %dma_wait3A_57 = tpu.memref_slice %arg5[%arg0, %add3A_29, %dma_wait3A_56] : memref<2x2560x128xi32, #tpu.memory_space<hbm>> -> memref<1x40x128xi32, #tpu.memory_space<hbm>>
          %dma_wait3A_58 = tpu.memref_squeeze %dma_wait3A_57 : memref<1x40x128xi32, #tpu.memory_space<hbm>> -> memref<40x128xi32, #tpu.memory_space<hbm>>
          tpu.wait_dma2 semaphore(%run_scoped3A : memref<!tpu.dma_semaphore, #tpu.memory_space<semaphore_mem>>) src(%dma_wait3A_58 : memref<40x128xi32, #tpu.memory_space<hbm>>) dst(%arg9 : memref<40x128xi32, #tpu.memory_space<vmem>>)
          tpu.yield
        }) : () -> ()
        %dma_start3A = arith.constant 0 : i32
        %dma_start3A_30 = arith.constant 0 : i32
        %dma_start3A_31 = tpu.memref_slice %arg8[%dma_start3A, %dma_start3A_30] : memref<40x128xi32, #tpu.memory_space<vmem>> -> memref<1x128xi32, #tpu.memory_space<vmem>>
        %dma_start3A_32 = tpu.memref_squeeze %dma_start3A_31 : memref<1x128xi32, #tpu.memory_space<vmem>> -> memref<128xi32, #tpu.memory_space<vmem>>
        %dma_start3A_33 = arith.constant 0 : i32
        %dma_start3A_34 = arith.constant 0 : i32
        %dma_start3A_35 = tpu.memref_slice %arg3[%dma_start3A_33, %dma_start3A_34] : memref<10000x128xf32, #tpu.memory_space<hbm>> -> memref<10000x128xf32, #tpu.memory_space<hbm>>
        tpu.enqueue_indirect_dma source(%dma_start3A_35 : memref<10000x128xf32, #tpu.memory_space<hbm>>) target(%arg10 : memref<128x128xf32, #tpu.memory_space<vmem>>) offsets(%dma_start3A_32 : memref<128xi32, #tpu.memory_space<vmem>>) semaphore(%arg12 : memref<!tpu.dma_semaphore, #tpu.memory_space<semaphore_mem>>)
        %dma_start3A_36 = arith.constant 1 : i32
        %dma_start3A_37 = arith.constant 0 : i32
        %dma_start3A_38 = tpu.memref_slice %arg8[%dma_start3A_36, %dma_start3A_37] : memref<40x128xi32, #tpu.memory_space<vmem>> -> memref<1x128xi32, #tpu.memory_space<vmem>>
        %dma_start3A_39 = tpu.memref_squeeze %dma_start3A_38 : memref<1x128xi32, #tpu.memory_space<vmem>> -> memref<128xi32, #tpu.memory_space<vmem>>
        %dma_start3A_40 = arith.constant 0 : i32
        %dma_start3A_41 = arith.constant 0 : i32
        %dma_start3A_42 = tpu.memref_slice %arg3[%dma_start3A_40, %dma_start3A_41] : memref<10000x128xf32, #tpu.memory_space<hbm>> -> memref<10000x128xf32, #tpu.memory_space<hbm>>
        tpu.enqueue_indirect_dma source(%dma_start3A_42 : memref<10000x128xf32, #tpu.memory_space<hbm>>) target(%arg11 : memref<128x128xf32, #tpu.memory_space<vmem>>) offsets(%dma_start3A_39 : memref<128xi32, #tpu.memory_space<vmem>>) semaphore(%arg13 : memref<!tpu.dma_semaphore, #tpu.memory_space<semaphore_mem>>)
        %scan3A_43 = arith.constant 0 : i32
        %scan3A_44 = arith.constant 20 : i32
        %scan3A_45 = arith.addi %scan3A_43, %scan3A_44 : i32
        %scan3A_46 = arith.constant 1 : i32
        scf.for %scan3A_48 = %scan3A_43 to %scan3A_45 step %scan3A_46  : i32 {
          %mul3A_49 = arith.constant 2 : i32
          %mul3A_50 = arith.muli %scan3A_48, %mul3A_49 : i32
          %add3A_51 = arith.constant 0 : i32
          %add3A_52 = arith.addi %add3A_51, %mul3A_50 : i32
          %dma_wait3A = arith.constant 0 : i32
          %dma_wait3A_53 = arith.constant 0 : i32
          %dma_wait3A_54 = tpu.memref_slice %arg8[%dma_wait3A, %dma_wait3A_53] : memref<40x128xi32, #tpu.memory_space<vmem>> -> memref<1x128xi32, #tpu.memory_space<vmem>>
          %dma_wait3A_55 = tpu.memref_squeeze %dma_wait3A_54 : memref<1x128xi32, #tpu.memory_space<vmem>> -> memref<128xi32, #tpu.memory_space<vmem>>
          %dma_wait3A_56 = arith.constant 0 : i32
          %dma_wait3A_57 = arith.constant 0 : i32
          %dma_wait3A_58 = tpu.memref_slice %arg3[%dma_wait3A_56, %dma_wait3A_57] : memref<10000x128xf32, #tpu.memory_space<hbm>> -> memref<10000x128xf32, #tpu.memory_space<hbm>>
          tpu.wait_indirect_dma semaphore(%arg12 : memref<!tpu.dma_semaphore, #tpu.memory_space<semaphore_mem>>) src(%dma_wait3A_58 : memref<10000x128xf32, #tpu.memory_space<hbm>>) dst(%arg10 : memref<128x128xf32, #tpu.memory_space<vmem>>)
          %add3A_59 = arith.constant 0 : i32
          %add3A_60 = arith.addi %add3A_52, %add3A_59 : i32
          "tpu.region"() ({
            %run_scoped3A = tpu.sem_alloc : memref<!tpu.dma_semaphore, #tpu.memory_space<semaphore_mem>>
            %dma_start3A_87 = arith.constant 0 : i32
            %dma_start3A_88 = tpu.memref_slice %arg9[%add3A_60, %dma_start3A_87] : memref<40x128xi32, #tpu.memory_space<vmem>> -> memref<1x128xi32, #tpu.memory_space<vmem>>
            %dma_start3A_89 = tpu.memref_squeeze %dma_start3A_88 : memref<1x128xi32, #tpu.memory_space<vmem>> -> memref<128xi32, #tpu.memory_space<vmem>>
            %dma_start3A_90 = arith.constant 0 : i32
            %dma_start3A_91 = arith.constant 0 : i32
            %dma_start3A_92 = tpu.memref_slice %arg14[%dma_start3A_90, %dma_start3A_91] : memref<10240x128xf32, #tpu.memory_space<vmem_shared>> -> memref<10240x128xf32, #tpu.memory_space<vmem_shared>>
            tpu.enqueue_indirect_dma source(%arg10 : memref<128x128xf32, #tpu.memory_space<vmem>>) target(%dma_start3A_92 : memref<10240x128xf32, #tpu.memory_space<vmem_shared>>) offsets(%dma_start3A_89 : memref<128xi32, #tpu.memory_space<vmem>>) semaphore(%run_scoped3A : memref<!tpu.dma_semaphore, #tpu.memory_space<semaphore_mem>>) {add = true}
            %dma_wait3A_93 = arith.constant 0 : i32
            %dma_wait3A_94 = tpu.memref_slice %arg9[%add3A_60, %dma_wait3A_93] : memref<40x128xi32, #tpu.memory_space<vmem>> -> memref<1x128xi32, #tpu.memory_space<vmem>>
            %dma_wait3A_95 = tpu.memref_squeeze %dma_wait3A_94 : memref<1x128xi32, #tpu.memory_space<vmem>> -> memref<128xi32, #tpu.memory_space<vmem>>
            %dma_wait3A_96 = arith.constant 0 : i32
            %dma_wait3A_97 = arith.constant 0 : i32
            %dma_wait3A_98 = tpu.memref_slice %arg14[%dma_wait3A_96, %dma_wait3A_97] : memref<10240x128xf32, #tpu.memory_space<vmem_shared>> -> memref<10240x128xf32, #tpu.memory_space<vmem_shared>>
            tpu.wait_indirect_dma semaphore(%run_scoped3A : memref<!tpu.dma_semaphore, #tpu.memory_space<semaphore_mem>>) src(%arg10 : memref<128x128xf32, #tpu.memory_space<vmem>>) dst(%dma_wait3A_98 : memref<10240x128xf32, #tpu.memory_space<vmem_shared>>)
            tpu.yield
          }) : () -> ()
          %add3A_61 = arith.constant 0 : i32
          %add3A_62 = arith.addi %add3A_52, %add3A_61 : i32
          %add3A_63 = arith.constant 2 : i32
          %add3A_64 = arith.addi %add3A_62, %add3A_63 : i32
          %lt3A = arith.constant 40 : i32
          %lt3A_65 = arith.cmpi slt, %add3A_64, %lt3A : i32
          %convert_element_type3A_66 = arith.extui %lt3A_65 : i1 to i32
          %cond3A_67 = arith.constant 0 : i32
          %cond3A_68 = arith.cmpi ne, %convert_element_type3A_66, %cond3A_67 : i32
          scf.if %cond3A_68 {
            %add3A_87 = arith.constant 0 : i32
            %add3A_88 = arith.addi %add3A_52, %add3A_87 : i32
            %add3A_89 = arith.constant 2 : i32
            %add3A_90 = arith.addi %add3A_88, %add3A_89 : i32
            %dma_start3A_91 = arith.constant 0 : i32
            %dma_start3A_92 = tpu.memref_slice %arg8[%add3A_90, %dma_start3A_91] : memref<40x128xi32, #tpu.memory_space<vmem>> -> memref<1x128xi32, #tpu.memory_space<vmem>>
            %dma_start3A_93 = tpu.memref_squeeze %dma_start3A_92 : memref<1x128xi32, #tpu.memory_space<vmem>> -> memref<128xi32, #tpu.memory_space<vmem>>
            %dma_start3A_94 = arith.constant 0 : i32
            %dma_start3A_95 = arith.constant 0 : i32
            %dma_start3A_96 = tpu.memref_slice %arg3[%dma_start3A_94, %dma_start3A_95] : memref<10000x128xf32, #tpu.memory_space<hbm>> -> memref<10000x128xf32, #tpu.memory_space<hbm>>
            tpu.enqueue_indirect_dma source(%dma_start3A_96 : memref<10000x128xf32, #tpu.memory_space<hbm>>) target(%arg10 : memref<128x128xf32, #tpu.memory_space<vmem>>) offsets(%dma_start3A_93 : memref<128xi32, #tpu.memory_space<vmem>>) semaphore(%arg12 : memref<!tpu.dma_semaphore, #tpu.memory_space<semaphore_mem>>)
          } else {
          }
          %dma_wait3A_69 = arith.constant 0 : i32
          %dma_wait3A_70 = arith.constant 0 : i32
          %dma_wait3A_71 = tpu.memref_slice %arg8[%dma_wait3A_69, %dma_wait3A_70] : memref<40x128xi32, #tpu.memory_space<vmem>> -> memref<1x128xi32, #tpu.memory_space<vmem>>
          %dma_wait3A_72 = tpu.memref_squeeze %dma_wait3A_71 : memref<1x128xi32, #tpu.memory_space<vmem>> -> memref<128xi32, #tpu.memory_space<vmem>>
          %dma_wait3A_73 = arith.constant 0 : i32
          %dma_wait3A_74 = arith.constant 0 : i32
          %dma_wait3A_75 = tpu.memref_slice %arg3[%dma_wait3A_73, %dma_wait3A_74] : memref<10000x128xf32, #tpu.memory_space<hbm>> -> memref<10000x128xf32, #tpu.memory_space<hbm>>
          tpu.wait_indirect_dma semaphore(%arg13 : memref<!tpu.dma_semaphore, #tpu.memory_space<semaphore_mem>>) src(%dma_wait3A_75 : memref<10000x128xf32, #tpu.memory_space<hbm>>) dst(%arg11 : memref<128x128xf32, #tpu.memory_space<vmem>>)
          %add3A_76 = arith.constant 1 : i32
          %add3A_77 = arith.addi %add3A_52, %add3A_76 : i32
          "tpu.region"() ({
            %run_scoped3A = tpu.sem_alloc : memref<!tpu.dma_semaphore, #tpu.memory_space<semaphore_mem>>
            %dma_start3A_87 = arith.constant 0 : i32
            %dma_start3A_88 = tpu.memref_slice %arg9[%add3A_77, %dma_start3A_87] : memref<40x128xi32, #tpu.memory_space<vmem>> -> memref<1x128xi32, #tpu.memory_space<vmem>>
            %dma_start3A_89 = tpu.memref_squeeze %dma_start3A_88 : memref<1x128xi32, #tpu.memory_space<vmem>> -> memref<128xi32, #tpu.memory_space<vmem>>
            %dma_start3A_90 = arith.constant 0 : i32
            %dma_start3A_91 = arith.constant 0 : i32
            %dma_start3A_92 = tpu.memref_slice %arg14[%dma_start3A_90, %dma_start3A_91] : memref<10240x128xf32, #tpu.memory_space<vmem_shared>> -> memref<10240x128xf32, #tpu.memory_space<vmem_shared>>
            tpu.enqueue_indirect_dma source(%arg11 : memref<128x128xf32, #tpu.memory_space<vmem>>) target(%dma_start3A_92 : memref<10240x128xf32, #tpu.memory_space<vmem_shared>>) offsets(%dma_start3A_89 : memref<128xi32, #tpu.memory_space<vmem>>) semaphore(%run_scoped3A : memref<!tpu.dma_semaphore, #tpu.memory_space<semaphore_mem>>) {add = true}
            %dma_wait3A_93 = arith.constant 0 : i32
            %dma_wait3A_94 = tpu.memref_slice %arg9[%add3A_77, %dma_wait3A_93] : memref<40x128xi32, #tpu.memory_space<vmem>> -> memref<1x128xi32, #tpu.memory_space<vmem>>
            %dma_wait3A_95 = tpu.memref_squeeze %dma_wait3A_94 : memref<1x128xi32, #tpu.memory_space<vmem>> -> memref<128xi32, #tpu.memory_space<vmem>>
            %dma_wait3A_96 = arith.constant 0 : i32
            %dma_wait3A_97 = arith.constant 0 : i32
            %dma_wait3A_98 = tpu.memref_slice %arg14[%dma_wait3A_96, %dma_wait3A_97] : memref<10240x128xf32, #tpu.memory_space<vmem_shared>> -> memref<10240x128xf32, #tpu.memory_space<vmem_shared>>
            tpu.wait_indirect_dma semaphore(%run_scoped3A : memref<!tpu.dma_semaphore, #tpu.memory_space<semaphore_mem>>) src(%arg11 : memref<128x128xf32, #tpu.memory_space<vmem>>) dst(%dma_wait3A_98 : memref<10240x128xf32, #tpu.memory_space<vmem_shared>>)
            tpu.yield
          }) : () -> ()
          %add3A_78 = arith.constant 1 : i32
          %add3A_79 = arith.addi %add3A_52, %add3A_78 : i32
          %add3A_80 = arith.constant 2 : i32
          %add3A_81 = arith.addi %add3A_79, %add3A_80 : i32
          %lt3A_82 = arith.constant 40 : i32
          %lt3A_83 = arith.cmpi slt, %add3A_81, %lt3A_82 : i32
          %convert_element_type3A_84 = arith.extui %lt3A_83 : i1 to i32
          %cond3A_85 = arith.constant 0 : i32
          %cond3A_86 = arith.cmpi ne, %convert_element_type3A_84, %cond3A_85 : i32
          scf.if %cond3A_86 {
            %add3A_87 = arith.constant 1 : i32
            %add3A_88 = arith.addi %add3A_52, %add3A_87 : i32
            %add3A_89 = arith.constant 2 : i32
            %add3A_90 = arith.addi %add3A_88, %add3A_89 : i32
            %dma_start3A_91 = arith.constant 0 : i32
            %dma_start3A_92 = tpu.memref_slice %arg8[%add3A_90, %dma_start3A_91] : memref<40x128xi32, #tpu.memory_space<vmem>> -> memref<1x128xi32, #tpu.memory_space<vmem>>
            %dma_start3A_93 = tpu.memref_squeeze %dma_start3A_92 : memref<1x128xi32, #tpu.memory_space<vmem>> -> memref<128xi32, #tpu.memory_space<vmem>>
            %dma_start3A_94 = arith.constant 0 : i32
            %dma_start3A_95 = arith.constant 0 : i32
            %dma_start3A_96 = tpu.memref_slice %arg3[%dma_start3A_94, %dma_start3A_95] : memref<10000x128xf32, #tpu.memory_space<hbm>> -> memref<10000x128xf32, #tpu.memory_space<hbm>>
            tpu.enqueue_indirect_dma source(%dma_start3A_96 : memref<10000x128xf32, #tpu.memory_space<hbm>>) target(%arg11 : memref<128x128xf32, #tpu.memory_space<vmem>>) offsets(%dma_start3A_93 : memref<128xi32, #tpu.memory_space<vmem>>) semaphore(%arg13 : memref<!tpu.dma_semaphore, #tpu.memory_space<semaphore_mem>>)
          } else {
          }
        }
        %scan3A_47 = arith.constant 20 : i32
      }
      %scan3A_19 = arith.constant 4 : i32
    } else {
    }
    %barrier3A_14 = arith.constant 0 : index
    tpu.barrier barrier_id(%barrier3A_14)
    "tpu.region"() ({
      %run_scoped3A = tpu.sem_alloc : memref<!tpu.dma_semaphore, #tpu.memory_space<semaphore_mem>>
      %dma_start3A = arith.constant 0 : i32
      %dma_start3A_15 = tpu.memref_slice %arg7[%arg0, %mul3A_0, %dma_start3A] : memref<2x10240x128xf32, #tpu.memory_space<hbm>> -> memref<1x640x128xf32, #tpu.memory_space<hbm>>
      %dma_start3A_16 = tpu.memref_squeeze %dma_start3A_15 : memref<1x640x128xf32, #tpu.memory_space<hbm>> -> memref<640x128xf32, #tpu.memory_space<hbm>>
      %dma_start3A_17 = arith.constant 0 : i32
      %dma_start3A_18 = tpu.memref_slice %arg14[%mul3A_0, %dma_start3A_17] : memref<10240x128xf32, #tpu.memory_space<vmem_shared>> -> memref<640x128xf32, #tpu.memory_space<vmem_shared>>
      tpu.enqueue_dma source(%dma_start3A_18 : memref<640x128xf32, #tpu.memory_space<vmem_shared>>) target(%dma_start3A_16 : memref<640x128xf32, #tpu.memory_space<hbm>>) target_semaphore(%run_scoped3A : memref<!tpu.dma_semaphore, #tpu.memory_space<semaphore_mem>>)
      %dma_wait3A = arith.constant 0 : i32
      %dma_wait3A_19 = tpu.memref_slice %arg7[%arg0, %mul3A_0, %dma_wait3A] : memref<2x10240x128xf32, #tpu.memory_space<hbm>> -> memref<1x640x128xf32, #tpu.memory_space<hbm>>
      %dma_wait3A_20 = tpu.memref_squeeze %dma_wait3A_19 : memref<1x640x128xf32, #tpu.memory_space<hbm>> -> memref<640x128xf32, #tpu.memory_space<hbm>>
      %dma_wait3A_21 = arith.constant 0 : i32
      %dma_wait3A_22 = tpu.memref_slice %arg14[%mul3A_0, %dma_wait3A_21] : memref<10240x128xf32, #tpu.memory_space<vmem_shared>> -> memref<640x128xf32, #tpu.memory_space<vmem_shared>>
      tpu.wait_dma2 semaphore(%run_scoped3A : memref<!tpu.dma_semaphore, #tpu.memory_space<semaphore_mem>>) src(%dma_wait3A_22 : memref<640x128xf32, #tpu.memory_space<vmem_shared>>) dst(%dma_wait3A_20 : memref<640x128xf32, #tpu.memory_space<hbm>>)
      tpu.yield
    }) : () -> ()
    return
  }
}

#map = affine_map<(d0, d1) -> (0, 0)>
#map1 = affine_map<(d0, d1) -> (0)>
module attributes {stable_mosaic.version = 14 : i64} {
  func.func @body(%arg0: i32, %arg1: i32, %arg2: memref<10000x128xf32, #tpu.memory_space<hbm>>, %arg3: memref<10000x128xf32, #tpu.memory_space<hbm>>, %arg4: memref<106496xi32, #tpu.memory_space<hbm>>, %arg5: memref<106496xi32, #tpu.memory_space<hbm>>, %arg6: memref<106496x128xf32, #tpu.memory_space<hbm>>, %arg7: memref<106496x128xf32, #tpu.memory_space<hbm>>, %arg8: memref<3328xi32, #tpu.memory_space<vmem>>, %arg9: memref<3328xi32, #tpu.memory_space<vmem>>, %arg10: memref<128x128xf32, #tpu.memory_space<vmem>>, %arg11: memref<128x128xf32, #tpu.memory_space<vmem>>, %arg12: memref<128x128xf32, #tpu.memory_space<vmem>>, %arg13: memref<128x128xf32, #tpu.memory_space<vmem>>, %arg14: memref<!tpu.dma_semaphore, #tpu.memory_space<semaphore_mem>>, %arg15: memref<!tpu.dma_semaphore, #tpu.memory_space<semaphore_mem>>, %arg16: memref<!tpu.dma_semaphore, #tpu.memory_space<semaphore_mem>>, %arg17: memref<!tpu.dma_semaphore, #tpu.memory_space<semaphore_mem>>) attributes {dimension_semantics = [#tpu.dimension_semantics<core_parallel>, #tpu.dimension_semantics<subcore_parallel>], iteration_bounds = array<i64: 2, 16>, scalar_prefetch = 0 : i64, scratch_operands = 10 : i64, tpu.core_type = #tpu.core_type<sc_vector_subcore>, window_params = [{transform_indices = #map}, {transform_indices = #map}, {transform_indices = #map1}, {transform_indices = #map1}, {transform_indices = #map}, {transform_indices = #map}]} {
    %mul3A = arith.constant 2 : i32
    %mul3A_0 = arith.muli %arg1, %mul3A : i32
    %add3A = arith.addi %mul3A_0, %arg0 : i32
    %mul3A_1 = arith.constant 3328 : i32
    %mul3A_2 = arith.muli %add3A, %mul3A_1 : i32
    "tpu.region"() ({
      %run_scoped3A = tpu.sem_alloc : memref<!tpu.dma_semaphore, #tpu.memory_space<semaphore_mem>>
      %dma_start3A_26 = tpu.memref_slice %arg4[%mul3A_2] : memref<106496xi32, #tpu.memory_space<hbm>> -> memref<3328xi32, #tpu.memory_space<hbm>>
      %dma_start3A_27 = tpu.memref_slice %arg4[%mul3A_2] : memref<106496xi32, #tpu.memory_space<hbm>> -> memref<3328xi32, #tpu.memory_space<hbm>>
      tpu.enqueue_dma source(%dma_start3A_27 : memref<3328xi32, #tpu.memory_space<hbm>>) target(%arg8 : memref<3328xi32, #tpu.memory_space<vmem>>) target_semaphore(%run_scoped3A : memref<!tpu.dma_semaphore, #tpu.memory_space<semaphore_mem>>)
      %dma_wait3A = tpu.memref_slice %arg4[%mul3A_2] : memref<106496xi32, #tpu.memory_space<hbm>> -> memref<3328xi32, #tpu.memory_space<hbm>>
      %dma_wait3A_28 = tpu.memref_slice %arg4[%mul3A_2] : memref<106496xi32, #tpu.memory_space<hbm>> -> memref<3328xi32, #tpu.memory_space<hbm>>
      tpu.wait_dma2 semaphore(%run_scoped3A : memref<!tpu.dma_semaphore, #tpu.memory_space<semaphore_mem>>) src(%dma_wait3A_28 : memref<3328xi32, #tpu.memory_space<hbm>>) dst(%arg8 : memref<3328xi32, #tpu.memory_space<vmem>>)
      tpu.yield
    }) : () -> ()
    "tpu.region"() ({
      %run_scoped3A = tpu.sem_alloc : memref<!tpu.dma_semaphore, #tpu.memory_space<semaphore_mem>>
      %dma_start3A_26 = tpu.memref_slice %arg5[%mul3A_2] : memref<106496xi32, #tpu.memory_space<hbm>> -> memref<3328xi32, #tpu.memory_space<hbm>>
      %dma_start3A_27 = tpu.memref_slice %arg5[%mul3A_2] : memref<106496xi32, #tpu.memory_space<hbm>> -> memref<3328xi32, #tpu.memory_space<hbm>>
      tpu.enqueue_dma source(%dma_start3A_27 : memref<3328xi32, #tpu.memory_space<hbm>>) target(%arg9 : memref<3328xi32, #tpu.memory_space<vmem>>) target_semaphore(%run_scoped3A : memref<!tpu.dma_semaphore, #tpu.memory_space<semaphore_mem>>)
      %dma_wait3A = tpu.memref_slice %arg5[%mul3A_2] : memref<106496xi32, #tpu.memory_space<hbm>> -> memref<3328xi32, #tpu.memory_space<hbm>>
      %dma_wait3A_28 = tpu.memref_slice %arg5[%mul3A_2] : memref<106496xi32, #tpu.memory_space<hbm>> -> memref<3328xi32, #tpu.memory_space<hbm>>
      tpu.wait_dma2 semaphore(%run_scoped3A : memref<!tpu.dma_semaphore, #tpu.memory_space<semaphore_mem>>) src(%dma_wait3A_28 : memref<3328xi32, #tpu.memory_space<hbm>>) dst(%arg9 : memref<3328xi32, #tpu.memory_space<vmem>>)
      tpu.yield
    }) : () -> ()
    %dma_start3A = arith.constant 0 : i32
    %dma_start3A_3 = tpu.memref_slice %arg8[%dma_start3A] : memref<3328xi32, #tpu.memory_space<vmem>> -> memref<128xi32, #tpu.memory_space<vmem>>
    %dma_start3A_4 = arith.constant 0 : i32
    %dma_start3A_5 = arith.constant 0 : i32
    %dma_start3A_6 = tpu.memref_slice %arg2[%dma_start3A_4, %dma_start3A_5] : memref<10000x128xf32, #tpu.memory_space<hbm>> -> memref<10000x128xf32, #tpu.memory_space<hbm>>
    tpu.enqueue_indirect_dma source(%dma_start3A_6 : memref<10000x128xf32, #tpu.memory_space<hbm>>) target(%arg10 : memref<128x128xf32, #tpu.memory_space<vmem>>) offsets(%dma_start3A_3 : memref<128xi32, #tpu.memory_space<vmem>>) semaphore(%arg14 : memref<!tpu.dma_semaphore, #tpu.memory_space<semaphore_mem>>)
    %dma_start3A_7 = arith.constant 0 : i32
    %dma_start3A_8 = tpu.memref_slice %arg9[%dma_start3A_7] : memref<3328xi32, #tpu.memory_space<vmem>> -> memref<128xi32, #tpu.memory_space<vmem>>
    %dma_start3A_9 = arith.constant 0 : i32
    %dma_start3A_10 = arith.constant 0 : i32
    %dma_start3A_11 = tpu.memref_slice %arg3[%dma_start3A_9, %dma_start3A_10] : memref<10000x128xf32, #tpu.memory_space<hbm>> -> memref<10000x128xf32, #tpu.memory_space<hbm>>
    tpu.enqueue_indirect_dma source(%dma_start3A_11 : memref<10000x128xf32, #tpu.memory_space<hbm>>) target(%arg12 : memref<128x128xf32, #tpu.memory_space<vmem>>) offsets(%dma_start3A_8 : memref<128xi32, #tpu.memory_space<vmem>>) semaphore(%arg16 : memref<!tpu.dma_semaphore, #tpu.memory_space<semaphore_mem>>)
    %dma_start3A_12 = arith.constant 128 : i32
    %dma_start3A_13 = tpu.memref_slice %arg8[%dma_start3A_12] : memref<3328xi32, #tpu.memory_space<vmem>> -> memref<128xi32, #tpu.memory_space<vmem>>
    %dma_start3A_14 = arith.constant 0 : i32
    %dma_start3A_15 = arith.constant 0 : i32
    %dma_start3A_16 = tpu.memref_slice %arg2[%dma_start3A_14, %dma_start3A_15] : memref<10000x128xf32, #tpu.memory_space<hbm>> -> memref<10000x128xf32, #tpu.memory_space<hbm>>
    tpu.enqueue_indirect_dma source(%dma_start3A_16 : memref<10000x128xf32, #tpu.memory_space<hbm>>) target(%arg11 : memref<128x128xf32, #tpu.memory_space<vmem>>) offsets(%dma_start3A_13 : memref<128xi32, #tpu.memory_space<vmem>>) semaphore(%arg15 : memref<!tpu.dma_semaphore, #tpu.memory_space<semaphore_mem>>)
    %dma_start3A_17 = arith.constant 128 : i32
    %dma_start3A_18 = tpu.memref_slice %arg9[%dma_start3A_17] : memref<3328xi32, #tpu.memory_space<vmem>> -> memref<128xi32, #tpu.memory_space<vmem>>
    %dma_start3A_19 = arith.constant 0 : i32
    %dma_start3A_20 = arith.constant 0 : i32
    %dma_start3A_21 = tpu.memref_slice %arg3[%dma_start3A_19, %dma_start3A_20] : memref<10000x128xf32, #tpu.memory_space<hbm>> -> memref<10000x128xf32, #tpu.memory_space<hbm>>
    tpu.enqueue_indirect_dma source(%dma_start3A_21 : memref<10000x128xf32, #tpu.memory_space<hbm>>) target(%arg13 : memref<128x128xf32, #tpu.memory_space<vmem>>) offsets(%dma_start3A_18 : memref<128xi32, #tpu.memory_space<vmem>>) semaphore(%arg17 : memref<!tpu.dma_semaphore, #tpu.memory_space<semaphore_mem>>)
    %scan3A = arith.constant 0 : i32
    %scan3A_22 = arith.constant 13 : i32
    %scan3A_23 = arith.addi %scan3A, %scan3A_22 : i32
    %scan3A_24 = arith.constant 1 : i32
    scf.for %scan3A_26 = %scan3A to %scan3A_23 step %scan3A_24  : i32 {
      %mul3A_27 = arith.constant 2 : i32
      %mul3A_28 = arith.muli %scan3A_26, %mul3A_27 : i32
      %add3A_29 = arith.constant 0 : i32
      %add3A_30 = arith.addi %add3A_29, %mul3A_28 : i32
      %add3A_31 = arith.constant 0 : i32
      %add3A_32 = arith.addi %add3A_30, %add3A_31 : i32
      %mul3A_33 = arith.constant 128 : i32
      %mul3A_34 = arith.muli %add3A_32, %mul3A_33 : i32
      %add3A_35 = arith.addi %mul3A_2, %mul3A_34 : i32
      %dma_wait3A = arith.constant 0 : i32
      %dma_wait3A_36 = tpu.memref_slice %arg8[%dma_wait3A] : memref<3328xi32, #tpu.memory_space<vmem>> -> memref<128xi32, #tpu.memory_space<vmem>>
      %dma_wait3A_37 = arith.constant 0 : i32
      %dma_wait3A_38 = arith.constant 0 : i32
      %dma_wait3A_39 = tpu.memref_slice %arg2[%dma_wait3A_37, %dma_wait3A_38] : memref<10000x128xf32, #tpu.memory_space<hbm>> -> memref<10000x128xf32, #tpu.memory_space<hbm>>
      tpu.wait_indirect_dma semaphore(%arg14 : memref<!tpu.dma_semaphore, #tpu.memory_space<semaphore_mem>>) src(%dma_wait3A_39 : memref<10000x128xf32, #tpu.memory_space<hbm>>) dst(%arg10 : memref<128x128xf32, #tpu.memory_space<vmem>>)
      %dma_wait3A_40 = arith.constant 0 : i32
      %dma_wait3A_41 = tpu.memref_slice %arg9[%dma_wait3A_40] : memref<3328xi32, #tpu.memory_space<vmem>> -> memref<128xi32, #tpu.memory_space<vmem>>
      %dma_wait3A_42 = arith.constant 0 : i32
      %dma_wait3A_43 = arith.constant 0 : i32
      %dma_wait3A_44 = tpu.memref_slice %arg3[%dma_wait3A_42, %dma_wait3A_43] : memref<10000x128xf32, #tpu.memory_space<hbm>> -> memref<10000x128xf32, #tpu.memory_space<hbm>>
      tpu.wait_indirect_dma semaphore(%arg16 : memref<!tpu.dma_semaphore, #tpu.memory_space<semaphore_mem>>) src(%dma_wait3A_44 : memref<10000x128xf32, #tpu.memory_space<hbm>>) dst(%arg12 : memref<128x128xf32, #tpu.memory_space<vmem>>)
      "tpu.region"() ({
        %run_scoped3A = tpu.sem_alloc : memref<!tpu.dma_semaphore, #tpu.memory_space<semaphore_mem>>
        %dma_start3A_75 = arith.constant 0 : i32
        %dma_start3A_76 = tpu.memref_slice %arg6[%add3A_35, %dma_start3A_75] : memref<106496x128xf32, #tpu.memory_space<hbm>> -> memref<128x128xf32, #tpu.memory_space<hbm>>
        %dma_start3A_77 = arith.constant 0 : i32
        %dma_start3A_78 = tpu.memref_slice %arg6[%add3A_35, %dma_start3A_77] : memref<106496x128xf32, #tpu.memory_space<hbm>> -> memref<128x128xf32, #tpu.memory_space<hbm>>
        tpu.enqueue_dma source(%arg10 : memref<128x128xf32, #tpu.memory_space<vmem>>) target(%dma_start3A_78 : memref<128x128xf32, #tpu.memory_space<hbm>>) target_semaphore(%run_scoped3A : memref<!tpu.dma_semaphore, #tpu.memory_space<semaphore_mem>>)
        %dma_wait3A_79 = arith.constant 0 : i32
        %dma_wait3A_80 = tpu.memref_slice %arg6[%add3A_35, %dma_wait3A_79] : memref<106496x128xf32, #tpu.memory_space<hbm>> -> memref<128x128xf32, #tpu.memory_space<hbm>>
        %dma_wait3A_81 = arith.constant 0 : i32
        %dma_wait3A_82 = tpu.memref_slice %arg6[%add3A_35, %dma_wait3A_81] : memref<106496x128xf32, #tpu.memory_space<hbm>> -> memref<128x128xf32, #tpu.memory_space<hbm>>
        tpu.wait_dma2 semaphore(%run_scoped3A : memref<!tpu.dma_semaphore, #tpu.memory_space<semaphore_mem>>) src(%arg10 : memref<128x128xf32, #tpu.memory_space<vmem>>) dst(%dma_wait3A_82 : memref<128x128xf32, #tpu.memory_space<hbm>>)
        tpu.yield
      }) : () -> ()
      "tpu.region"() ({
        %run_scoped3A = tpu.sem_alloc : memref<!tpu.dma_semaphore, #tpu.memory_space<semaphore_mem>>
        %dma_start3A_75 = arith.constant 0 : i32
        %dma_start3A_76 = tpu.memref_slice %arg7[%add3A_35, %dma_start3A_75] : memref<106496x128xf32, #tpu.memory_space<hbm>> -> memref<128x128xf32, #tpu.memory_space<hbm>>
        %dma_start3A_77 = arith.constant 0 : i32
        %dma_start3A_78 = tpu.memref_slice %arg7[%add3A_35, %dma_start3A_77] : memref<106496x128xf32, #tpu.memory_space<hbm>> -> memref<128x128xf32, #tpu.memory_space<hbm>>
        tpu.enqueue_dma source(%arg12 : memref<128x128xf32, #tpu.memory_space<vmem>>) target(%dma_start3A_78 : memref<128x128xf32, #tpu.memory_space<hbm>>) target_semaphore(%run_scoped3A : memref<!tpu.dma_semaphore, #tpu.memory_space<semaphore_mem>>)
        %dma_wait3A_79 = arith.constant 0 : i32
        %dma_wait3A_80 = tpu.memref_slice %arg7[%add3A_35, %dma_wait3A_79] : memref<106496x128xf32, #tpu.memory_space<hbm>> -> memref<128x128xf32, #tpu.memory_space<hbm>>
        %dma_wait3A_81 = arith.constant 0 : i32
        %dma_wait3A_82 = tpu.memref_slice %arg7[%add3A_35, %dma_wait3A_81] : memref<106496x128xf32, #tpu.memory_space<hbm>> -> memref<128x128xf32, #tpu.memory_space<hbm>>
        tpu.wait_dma2 semaphore(%run_scoped3A : memref<!tpu.dma_semaphore, #tpu.memory_space<semaphore_mem>>) src(%arg12 : memref<128x128xf32, #tpu.memory_space<vmem>>) dst(%dma_wait3A_82 : memref<128x128xf32, #tpu.memory_space<hbm>>)
        tpu.yield
      }) : () -> ()
      %add3A_45 = arith.constant 0 : i32
      %add3A_46 = arith.addi %add3A_30, %add3A_45 : i32
      %add3A_47 = arith.constant 2 : i32
      %add3A_48 = arith.addi %add3A_46, %add3A_47 : i32
      %lt3A = arith.constant 26 : i32
      %lt3A_49 = arith.cmpi slt, %add3A_48, %lt3A : i32
      %convert_element_type3A = arith.extui %lt3A_49 : i1 to i32
      %cond3A = arith.constant 0 : i32
      %cond3A_50 = arith.cmpi ne, %convert_element_type3A, %cond3A : i32
      scf.if %cond3A_50 {
        %add3A_75 = arith.constant 0 : i32
        %add3A_76 = arith.addi %add3A_30, %add3A_75 : i32
        %add3A_77 = arith.constant 2 : i32
        %add3A_78 = arith.addi %add3A_76, %add3A_77 : i32
        %mul3A_79 = arith.constant 128 : i32
        %mul3A_80 = arith.muli %add3A_78, %mul3A_79 : i32
        %dma_start3A_81 = tpu.memref_slice %arg8[%mul3A_80] : memref<3328xi32, #tpu.memory_space<vmem>> -> memref<128xi32, #tpu.memory_space<vmem>>
        %dma_start3A_82 = arith.constant 0 : i32
        %dma_start3A_83 = arith.constant 0 : i32
        %dma_start3A_84 = tpu.memref_slice %arg2[%dma_start3A_82, %dma_start3A_83] : memref<10000x128xf32, #tpu.memory_space<hbm>> -> memref<10000x128xf32, #tpu.memory_space<hbm>>
        tpu.enqueue_indirect_dma source(%dma_start3A_84 : memref<10000x128xf32, #tpu.memory_space<hbm>>) target(%arg10 : memref<128x128xf32, #tpu.memory_space<vmem>>) offsets(%dma_start3A_81 : memref<128xi32, #tpu.memory_space<vmem>>) semaphore(%arg14 : memref<!tpu.dma_semaphore, #tpu.memory_space<semaphore_mem>>)
        %dma_start3A_85 = tpu.memref_slice %arg9[%mul3A_80] : memref<3328xi32, #tpu.memory_space<vmem>> -> memref<128xi32, #tpu.memory_space<vmem>>
        %dma_start3A_86 = arith.constant 0 : i32
        %dma_start3A_87 = arith.constant 0 : i32
        %dma_start3A_88 = tpu.memref_slice %arg3[%dma_start3A_86, %dma_start3A_87] : memref<10000x128xf32, #tpu.memory_space<hbm>> -> memref<10000x128xf32, #tpu.memory_space<hbm>>
        tpu.enqueue_indirect_dma source(%dma_start3A_88 : memref<10000x128xf32, #tpu.memory_space<hbm>>) target(%arg12 : memref<128x128xf32, #tpu.memory_space<vmem>>) offsets(%dma_start3A_85 : memref<128xi32, #tpu.memory_space<vmem>>) semaphore(%arg16 : memref<!tpu.dma_semaphore, #tpu.memory_space<semaphore_mem>>)
      } else {
      }
      %add3A_51 = arith.constant 1 : i32
      %add3A_52 = arith.addi %add3A_30, %add3A_51 : i32
      %mul3A_53 = arith.constant 128 : i32
      %mul3A_54 = arith.muli %add3A_52, %mul3A_53 : i32
      %add3A_55 = arith.addi %mul3A_2, %mul3A_54 : i32
      %dma_wait3A_56 = arith.constant 0 : i32
      %dma_wait3A_57 = tpu.memref_slice %arg8[%dma_wait3A_56] : memref<3328xi32, #tpu.memory_space<vmem>> -> memref<128xi32, #tpu.memory_space<vmem>>
      %dma_wait3A_58 = arith.constant 0 : i32
      %dma_wait3A_59 = arith.constant 0 : i32
      %dma_wait3A_60 = tpu.memref_slice %arg2[%dma_wait3A_58, %dma_wait3A_59] : memref<10000x128xf32, #tpu.memory_space<hbm>> -> memref<10000x128xf32, #tpu.memory_space<hbm>>
      tpu.wait_indirect_dma semaphore(%arg15 : memref<!tpu.dma_semaphore, #tpu.memory_space<semaphore_mem>>) src(%dma_wait3A_60 : memref<10000x128xf32, #tpu.memory_space<hbm>>) dst(%arg11 : memref<128x128xf32, #tpu.memory_space<vmem>>)
      %dma_wait3A_61 = arith.constant 0 : i32
      %dma_wait3A_62 = tpu.memref_slice %arg9[%dma_wait3A_61] : memref<3328xi32, #tpu.memory_space<vmem>> -> memref<128xi32, #tpu.memory_space<vmem>>
      %dma_wait3A_63 = arith.constant 0 : i32
      %dma_wait3A_64 = arith.constant 0 : i32
      %dma_wait3A_65 = tpu.memref_slice %arg3[%dma_wait3A_63, %dma_wait3A_64] : memref<10000x128xf32, #tpu.memory_space<hbm>> -> memref<10000x128xf32, #tpu.memory_space<hbm>>
      tpu.wait_indirect_dma semaphore(%arg17 : memref<!tpu.dma_semaphore, #tpu.memory_space<semaphore_mem>>) src(%dma_wait3A_65 : memref<10000x128xf32, #tpu.memory_space<hbm>>) dst(%arg13 : memref<128x128xf32, #tpu.memory_space<vmem>>)
      "tpu.region"() ({
        %run_scoped3A = tpu.sem_alloc : memref<!tpu.dma_semaphore, #tpu.memory_space<semaphore_mem>>
        %dma_start3A_75 = arith.constant 0 : i32
        %dma_start3A_76 = tpu.memref_slice %arg6[%add3A_55, %dma_start3A_75] : memref<106496x128xf32, #tpu.memory_space<hbm>> -> memref<128x128xf32, #tpu.memory_space<hbm>>
        %dma_start3A_77 = arith.constant 0 : i32
        %dma_start3A_78 = tpu.memref_slice %arg6[%add3A_55, %dma_start3A_77] : memref<106496x128xf32, #tpu.memory_space<hbm>> -> memref<128x128xf32, #tpu.memory_space<hbm>>
        tpu.enqueue_dma source(%arg11 : memref<128x128xf32, #tpu.memory_space<vmem>>) target(%dma_start3A_78 : memref<128x128xf32, #tpu.memory_space<hbm>>) target_semaphore(%run_scoped3A : memref<!tpu.dma_semaphore, #tpu.memory_space<semaphore_mem>>)
        %dma_wait3A_79 = arith.constant 0 : i32
        %dma_wait3A_80 = tpu.memref_slice %arg6[%add3A_55, %dma_wait3A_79] : memref<106496x128xf32, #tpu.memory_space<hbm>> -> memref<128x128xf32, #tpu.memory_space<hbm>>
        %dma_wait3A_81 = arith.constant 0 : i32
        %dma_wait3A_82 = tpu.memref_slice %arg6[%add3A_55, %dma_wait3A_81] : memref<106496x128xf32, #tpu.memory_space<hbm>> -> memref<128x128xf32, #tpu.memory_space<hbm>>
        tpu.wait_dma2 semaphore(%run_scoped3A : memref<!tpu.dma_semaphore, #tpu.memory_space<semaphore_mem>>) src(%arg11 : memref<128x128xf32, #tpu.memory_space<vmem>>) dst(%dma_wait3A_82 : memref<128x128xf32, #tpu.memory_space<hbm>>)
        tpu.yield
      }) : () -> ()
      "tpu.region"() ({
        %run_scoped3A = tpu.sem_alloc : memref<!tpu.dma_semaphore, #tpu.memory_space<semaphore_mem>>
        %dma_start3A_75 = arith.constant 0 : i32
        %dma_start3A_76 = tpu.memref_slice %arg7[%add3A_55, %dma_start3A_75] : memref<106496x128xf32, #tpu.memory_space<hbm>> -> memref<128x128xf32, #tpu.memory_space<hbm>>
        %dma_start3A_77 = arith.constant 0 : i32
        %dma_start3A_78 = tpu.memref_slice %arg7[%add3A_55, %dma_start3A_77] : memref<106496x128xf32, #tpu.memory_space<hbm>> -> memref<128x128xf32, #tpu.memory_space<hbm>>
        tpu.enqueue_dma source(%arg13 : memref<128x128xf32, #tpu.memory_space<vmem>>) target(%dma_start3A_78 : memref<128x128xf32, #tpu.memory_space<hbm>>) target_semaphore(%run_scoped3A : memref<!tpu.dma_semaphore, #tpu.memory_space<semaphore_mem>>)
        %dma_wait3A_79 = arith.constant 0 : i32
        %dma_wait3A_80 = tpu.memref_slice %arg7[%add3A_55, %dma_wait3A_79] : memref<106496x128xf32, #tpu.memory_space<hbm>> -> memref<128x128xf32, #tpu.memory_space<hbm>>
        %dma_wait3A_81 = arith.constant 0 : i32
        %dma_wait3A_82 = tpu.memref_slice %arg7[%add3A_55, %dma_wait3A_81] : memref<106496x128xf32, #tpu.memory_space<hbm>> -> memref<128x128xf32, #tpu.memory_space<hbm>>
        tpu.wait_dma2 semaphore(%run_scoped3A : memref<!tpu.dma_semaphore, #tpu.memory_space<semaphore_mem>>) src(%arg13 : memref<128x128xf32, #tpu.memory_space<vmem>>) dst(%dma_wait3A_82 : memref<128x128xf32, #tpu.memory_space<hbm>>)
        tpu.yield
      }) : () -> ()
      %add3A_66 = arith.constant 1 : i32
      %add3A_67 = arith.addi %add3A_30, %add3A_66 : i32
      %add3A_68 = arith.constant 2 : i32
      %add3A_69 = arith.addi %add3A_67, %add3A_68 : i32
      %lt3A_70 = arith.constant 26 : i32
      %lt3A_71 = arith.cmpi slt, %add3A_69, %lt3A_70 : i32
      %convert_element_type3A_72 = arith.extui %lt3A_71 : i1 to i32
      %cond3A_73 = arith.constant 0 : i32
      %cond3A_74 = arith.cmpi ne, %convert_element_type3A_72, %cond3A_73 : i32
      scf.if %cond3A_74 {
        %add3A_75 = arith.constant 1 : i32
        %add3A_76 = arith.addi %add3A_30, %add3A_75 : i32
        %add3A_77 = arith.constant 2 : i32
        %add3A_78 = arith.addi %add3A_76, %add3A_77 : i32
        %mul3A_79 = arith.constant 128 : i32
        %mul3A_80 = arith.muli %add3A_78, %mul3A_79 : i32
        %dma_start3A_81 = tpu.memref_slice %arg8[%mul3A_80] : memref<3328xi32, #tpu.memory_space<vmem>> -> memref<128xi32, #tpu.memory_space<vmem>>
        %dma_start3A_82 = arith.constant 0 : i32
        %dma_start3A_83 = arith.constant 0 : i32
        %dma_start3A_84 = tpu.memref_slice %arg2[%dma_start3A_82, %dma_start3A_83] : memref<10000x128xf32, #tpu.memory_space<hbm>> -> memref<10000x128xf32, #tpu.memory_space<hbm>>
        tpu.enqueue_indirect_dma source(%dma_start3A_84 : memref<10000x128xf32, #tpu.memory_space<hbm>>) target(%arg11 : memref<128x128xf32, #tpu.memory_space<vmem>>) offsets(%dma_start3A_81 : memref<128xi32, #tpu.memory_space<vmem>>) semaphore(%arg15 : memref<!tpu.dma_semaphore, #tpu.memory_space<semaphore_mem>>)
        %dma_start3A_85 = tpu.memref_slice %arg9[%mul3A_80] : memref<3328xi32, #tpu.memory_space<vmem>> -> memref<128xi32, #tpu.memory_space<vmem>>
        %dma_start3A_86 = arith.constant 0 : i32
        %dma_start3A_87 = arith.constant 0 : i32
        %dma_start3A_88 = tpu.memref_slice %arg3[%dma_start3A_86, %dma_start3A_87] : memref<10000x128xf32, #tpu.memory_space<hbm>> -> memref<10000x128xf32, #tpu.memory_space<hbm>>
        tpu.enqueue_indirect_dma source(%dma_start3A_88 : memref<10000x128xf32, #tpu.memory_space<hbm>>) target(%arg13 : memref<128x128xf32, #tpu.memory_space<vmem>>) offsets(%dma_start3A_85 : memref<128xi32, #tpu.memory_space<vmem>>) semaphore(%arg17 : memref<!tpu.dma_semaphore, #tpu.memory_space<semaphore_mem>>)
      } else {
      }
    }
    %scan3A_25 = arith.constant 13 : i32
    return
  }
}

module attributes {stable_mosaic.version = 14 : i64} {
  func.func @_combine_body(%arg0: i32, %arg1: memref<400x128xf32, #tpu.memory_space<vmem>>, %arg2: memref<400x128xf32, #tpu.memory_space<vmem>>, %arg3: memref<400x128xf32, #tpu.memory_space<vmem>>, %arg4: memref<128x128xf32, #tpu.memory_space<vmem>>, %arg5: memref<1x128xf32, #tpu.memory_space<vmem>>, %arg6: memref<128x128xf32, #tpu.memory_space<vmem>>, %arg7: memref<400x128xf32, #tpu.memory_space<vmem>>) attributes {dimension_semantics = [#tpu.dimension_semantics<arbitrary>], iteration_bounds = array<i64: 25>, scalar_prefetch = 0 : i64, scratch_operands = 0 : i64, tpu.core_type = #tpu.core_type<tc>, window_params = [{transform_indices = @transform_0, window_bounds = array<i64: 400, 128>}, {transform_indices = @transform_1, window_bounds = array<i64: 400, 128>}, {transform_indices = @transform_2, window_bounds = array<i64: 400, 128>}, {pipeline_mode = #tpu.pipeline_mode<synchronous>, transform_indices = @transform_3, window_bounds = array<i64: 128, 128>}, {pipeline_mode = #tpu.pipeline_mode<synchronous>, transform_indices = @transform_4, window_bounds = array<i64: 1, 128>}, {pipeline_mode = #tpu.pipeline_mode<synchronous>, transform_indices = @transform_5, window_bounds = array<i64: 128, 128>}, {transform_indices = @transform_6, window_bounds = array<i64: 400, 128>}]} {
    %get3A = arith.constant 0 : index
    %get3A_0 = arith.constant 0 : index
    %get3A_1 = vector.load %arg1[%get3A, %get3A_0] : memref<400x128xf32, #tpu.memory_space<vmem>>, vector<400x128xf32>
    %get3A_2 = arith.constant 0 : index
    %get3A_3 = arith.constant 0 : index
    %get3A_4 = vector.load %arg2[%get3A_2, %get3A_3] : memref<400x128xf32, #tpu.memory_space<vmem>>, vector<400x128xf32>
    %slice3A = vector.extract_strided_slice %get3A_4 {offsets = [0, 0], sizes = [400, 1], strides = [1, 1]} : vector<400x128xf32> to vector<400x1xf32>
    %max3A = arith.constant 1.000000e+00 : f32
    %max3A_5 = vector.broadcast %max3A : f32 to vector<400x1xf32>
    %max3A_6 = arith.maximumf %slice3A, %max3A_5 : vector<400x1xf32>
    %div3A = arith.constant 1.000000e+00 : f32
    %div3A_7 = vector.broadcast %div3A : f32 to vector<400x1xf32>
    %div3A_8 = arith.divf %div3A_7, %max3A_6 : vector<400x1xf32>
    %mul3A = vector.broadcast %div3A_8 : vector<400x1xf32> to vector<400x128xf32>
    %mul3A_9 = arith.mulf %get3A_1, %mul3A : vector<400x128xf32>
    %get3A_10 = arith.constant 0 : index
    %get3A_11 = arith.constant 0 : index
    %get3A_12 = vector.load %arg4[%get3A_10, %get3A_11] : memref<128x128xf32, #tpu.memory_space<vmem>>, vector<128x128xf32>
    %dot_general3A = arith.constant dense<0.000000e+00> : vector<400x128xf32>
    %dot_general3A_13 = tpu.matmul %mul3A_9, %get3A_12, %dot_general3A {dimension_numbers = #tpu.dot_dimension_numbers<[1], [0], [0], [1], [0, 0, 1, 1], [], []>, transpose_lhs_hint = false} : vector<400x128xf32>, vector<128x128xf32>, vector<400x128xf32> -> vector<400x128xf32>
    %get3A_14 = arith.constant 0 : index
    %get3A_15 = arith.constant 0 : index
    %get3A_16 = vector.load %arg3[%get3A_14, %get3A_15] : memref<400x128xf32, #tpu.memory_space<vmem>>, vector<400x128xf32>
    %get3A_17 = arith.constant 0 : index
    %get3A_18 = arith.constant 0 : index
    %get3A_19 = vector.load %arg6[%get3A_17, %get3A_18] : memref<128x128xf32, #tpu.memory_space<vmem>>, vector<128x128xf32>
    %dot_general3A_20 = arith.constant dense<0.000000e+00> : vector<400x128xf32>
    %dot_general3A_21 = tpu.matmul %get3A_16, %get3A_19, %dot_general3A_20 {dimension_numbers = #tpu.dot_dimension_numbers<[1], [0], [0], [1], [0, 0, 1, 1], [], []>, transpose_lhs_hint = false} : vector<400x128xf32>, vector<128x128xf32>, vector<400x128xf32> -> vector<400x128xf32>
    %add3A = arith.addf %dot_general3A_13, %dot_general3A_21 : vector<400x128xf32>
    %get3A_22 = arith.constant 0 : index
    %get3A_23 = arith.constant 0 : index
    %get3A_24 = vector.load %arg5[%get3A_22, %get3A_23] : memref<1x128xf32, #tpu.memory_space<vmem>>, vector<1x128xf32>
    %add3A_25 = vector.broadcast %get3A_24 : vector<1x128xf32> to vector<400x128xf32>
    %add3A_26 = arith.addf %add3A, %add3A_25 : vector<400x128xf32>
    %ge3A = arith.constant 0.000000e+00 : f32
    %ge3A_27 = vector.broadcast %ge3A : f32 to vector<400x128xf32>
    %ge3A_28 = arith.cmpf oge, %add3A_26, %ge3A_27 : vector<400x128xf32>
    %mul3A_29 = arith.constant 0.00999999977 : f32
    %mul3A_30 = vector.broadcast %mul3A_29 : f32 to vector<400x128xf32>
    %mul3A_31 = arith.mulf %mul3A_30, %add3A_26 : vector<400x128xf32>
    %select_n3A = arith.select %ge3A_28, %add3A_26, %mul3A_31 : vector<400x128xi1>, vector<400x128xf32>
    %swap3A = arith.constant 0 : index
    %swap3A_32 = arith.constant 0 : index
    %swap3A_33 = vector.load %arg7[%swap3A, %swap3A_32] : memref<400x128xf32, #tpu.memory_space<vmem>>, vector<400x128xf32>
    tpu.vector_store %arg7[%swap3A, %swap3A_32], %select_n3A {strides = array<i32>} : memref<400x128xf32, #tpu.memory_space<vmem>>, vector<400x128xf32>,
    return
  }
  func.func @transform_0(%arg0: i32) -> (i32, i32) {
    %c0_i32 = arith.constant 0 : i32
    %c0_i32_0 = arith.constant 0 : i32
    return %arg0, %c0_i32 : i32, i32
  }
  func.func @transform_1(%arg0: i32) -> (i32, i32) {
    %c0_i32 = arith.constant 0 : i32
    %c0_i32_0 = arith.constant 0 : i32
    return %arg0, %c0_i32 : i32, i32
  }
  func.func @transform_2(%arg0: i32) -> (i32, i32) {
    %c0_i32 = arith.constant 0 : i32
    %c0_i32_0 = arith.constant 0 : i32
    return %arg0, %c0_i32 : i32, i32
  }
  func.func @transform_3(%arg0: i32) -> (i32, i32) {
    %c0_i32 = arith.constant 0 : i32
    %c0_i32_0 = arith.constant 0 : i32
    %c0_i32_1 = arith.constant 0 : i32
    return %c0_i32, %c0_i32_0 : i32, i32
  }
  func.func @transform_4(%arg0: i32) -> (i32, i32) {
    %c0_i32 = arith.constant 0 : i32
    %c0_i32_0 = arith.constant 0 : i32
    %c0_i32_1 = arith.constant 0 : i32
    return %c0_i32, %c0_i32_0 : i32, i32
  }
  func.func @transform_5(%arg0: i32) -> (i32, i32) {
    %c0_i32 = arith.constant 0 : i32
    %c0_i32_0 = arith.constant 0 : i32
    %c0_i32_1 = arith.constant 0 : i32
    return %c0_i32, %c0_i32_0 : i32, i32
  }
  func.func @transform_6(%arg0: i32) -> (i32, i32) {
    %c0_i32 = arith.constant 0 : i32
    %c0_i32_0 = arith.constant 0 : i32
    return %arg0, %c0_i32 : i32, i32
  }
}

module attributes {stable_mosaic.version = 14 : i64} {
  func.func @_dot_body(%arg0: i32, %arg1: memref<1024x128xf32, #tpu.memory_space<vmem>>, %arg2: memref<1024x128xf32, #tpu.memory_space<vmem>>, %arg3: memref<1024xf32, #tpu.memory_space<vmem>>) attributes {dimension_semantics = [#tpu.dimension_semantics<arbitrary>], iteration_bounds = array<i64: 104>, scalar_prefetch = 0 : i64, scratch_operands = 0 : i64, tpu.core_type = #tpu.core_type<tc>, window_params = [{transform_indices = @transform_0, window_bounds = array<i64: 1024, 128>}, {transform_indices = @transform_1, window_bounds = array<i64: 1024, 128>}, {transform_indices = @transform_2, window_bounds = array<i64: 1024>}]} {
    %get3A = arith.constant 0 : index
    %get3A_0 = arith.constant 0 : index
    %get3A_1 = vector.load %arg1[%get3A, %get3A_0] : memref<1024x128xf32, #tpu.memory_space<vmem>>, vector<1024x128xf32>
    %get3A_2 = arith.constant 0 : index
    %get3A_3 = arith.constant 0 : index
    %get3A_4 = vector.load %arg2[%get3A_2, %get3A_3] : memref<1024x128xf32, #tpu.memory_space<vmem>>, vector<1024x128xf32>
    %mul3A = arith.mulf %get3A_1, %get3A_4 : vector<1024x128xf32>
    %reduce_sum3A = arith.constant dense<0.000000e+00> : vector<1024xf32>
    %reduce_sum3A_5 = vector.multi_reduction <add>, %mul3A, %reduce_sum3A [1] : vector<1024x128xf32> to vector<1024xf32>
    %swap3A = arith.constant 0 : index
    %swap3A_6 = vector.load %arg3[%swap3A] : memref<1024xf32, #tpu.memory_space<vmem>>, vector<1024xf32>
    tpu.vector_store %arg3[%swap3A], %reduce_sum3A_5 {strides = array<i32>} : memref<1024xf32, #tpu.memory_space<vmem>>, vector<1024xf32>,
    return
  }
  func.func @transform_0(%arg0: i32) -> (i32, i32) {
    %c0_i32 = arith.constant 0 : i32
    %c0_i32_0 = arith.constant 0 : i32
    return %arg0, %c0_i32 : i32, i32
  }
  func.func @transform_1(%arg0: i32) -> (i32, i32) {
    %c0_i32 = arith.constant 0 : i32
    %c0_i32_0 = arith.constant 0 : i32
    return %arg0, %c0_i32 : i32, i32
  }
  func.func @transform_2(%arg0: i32) -> i32 {
    %c0_i32 = arith.constant 0 : i32
    return %arg0 : i32
  }
}

</mosaic_0001>

<sc_bundles>
// kernel: kernel.11.cloned.1.call-start
scs
__scs_entry_jumppad:
0x0: {  	(pc) =	sbr.rel $0x88, $3  }
0x1: {  	(tag) =	ssettag $0x0;
	lr =	simm.s32 $0x1  }
0x2: {  	[smem:$0x3F90] =	sst lr;
	_ =	strace $0xD0000000  }
0x3: {  	_ = 	snop  }
0x4: {  	_ = 	snop  }
0x5: {  	_ = 	snop  }
0x6: {  	_ = 	snop  }
0x7: {  	_ = 	snop  }
__scs_overlays_trampoline_lowered:
0x8: {  	[smem:$0x3F9F] =	sst s0  }
0x9: {  	[smem:$0x3FA0] =	sst s1  }
0xa: {  	[smem:$0x3FA1] =	sst s2  }
0xb: {  	[smem:$0x3FA2] =	sst s3  }
0xc: {  	[smem:$0x3FA3] =	sst s4  }
0xd: {  	[smem:$0x3FA4] =	sst s5  }
0xe: {  	[smem:$0x3FA5] =	sst s6  }
0xf: {  	[smem:$0x3FA6] =	sst s7  }
0x10: {  	[smem:$0x3FA7] =	sst s8  }
0x11: {  	[smem:$0x3FA8] =	sst s9;
	s0 =	simm.s32 @!p0 $0x0  }
0x12: {  	s1 =	sld [smem:$0x3F8E];
	s0 =	simm.s32 @p0 $0x1  }
0x13: {  	[smem:$0x3FA9] =	sst s0;
	s0 =	simm.s32 @!p1 $0x0  }
0x14: {  	s2 =	sld [smem:$0x3F8D];
	s0 =	simm.s32 @p1 $0x1  }
0x15: {  	[smem:$0x3FAA] =	sst s0;
	s0 =	simm.s32 @!p2 $0x0  }
0x16: {  	s3 =	sld [smem:$0x3FDB];
	s0 =	simm.s32 @p2 $0x1  }
0x17: {  	s4 =	simm.s32 $0x1BF5;
	[smem:$0x3FAC] =	sst s0  }
0x18: {  	s0 =	sld [smem:$0x3F8F];
	_ =	swait.ge [sflag:s4], $0x0  }
0x19: {  	s7 =	sld [smem:$0x3F90]  }
0x1a: {  	s8 =	sadd.s32 $0xFFFFE003, lr  }
0x1b: {  	s9 =	sadd.s32 $0xFFFFFEF7, lr;
	s5 =	simm.s32 $0xFFFFFFFF;
	p2 =	slt.u32 s8, $0xFFFFF086  }
0x1c: {  	p1 =	slt.u32 s9, $0xF7A;
	s5 =	simm.s32 @!p2 $0x0  }
0x1d: {  	s5 =	simm.s32 @p1 $0x1;
	p0 =	seq.s32 s7, s2  }
0x1e: {  	s7 =	smul.u32 @!p0 $0xF7A, s2;
	p2 =	seq.s32 @!p0 s5, $0x0  }
0x1f: {  	s9 =	smul.u32 $0xF7A, s1;
	s8 =	simm.s32 @!p0 $0x1BF5;
	p2 =	por !p2, p0  }
0x20: {  	[sflag:s8] =	ssyncset.s32 @!p0 $0xFFFFF086;
	s6 =	sadd.s32 @!p0 s3, s7;
	s7 =	simm.s32 @!p0 $0x108  }
0x21: {  	s3 =	sadd.s32 s3, s9;
	s6 =	sadd.s32 @!p0 $0x88, s6;
	s7 =	simm.s32 @p2 $0x1082  }
0x22: {  	[simem:s7], [sflag:s8] =	dma.local @!p0 [hbm:s6], $0xF7A  }
0x23: {  	s9 =	sor.u32 $0xD0000000, s2;
	s6 =	simm.s32 $0x108;
	_ =	swait.ge @!p0 [sflag:s8], $0x0  }
0x24: {  	s3 =	sadd.s32 $0x88, s3;
	s6 =	simm.s32 @!p1 $0x1082;
	[sflag:s4] =	ssyncset.s32 $0xFFFFF086  }
0x25: {  	[simem:s6], [sflag:s4] =	dma.local [hbm:s3], $0xF7A  }
0x26: {  	[smem:$0x3F90] =	sst s1;
	(tag) =	ssettag s2;
	_ =	strace s9  }
0x27: {  	s1 =	sld [smem:$0x3FA0]  }
0x28: {  	s2 =	sld [smem:$0x3FA1]  }
0x29: {  	s4 =	sld [smem:$0x3FA3]  }
0x2a: {  	p0 =	seq.s32 s5, $0x0;
	s5 =	sld [smem:$0x3FA4]  }
0x2b: {  	s6 =	sld [smem:$0x3FA5]  }
0x2c: {  	s7 =	sld [smem:$0x3FA6]  }
0x2d: {  	s3 =	simm.s32 $0x108;
	s8 =	sld [smem:$0x3FA7]  }
0x2e: {  	s3 =	simm.s32 @!p0 $0x1082;
	s9 =	sld [smem:$0x3FA8]  }
0x2f: {  	lr =	sadd.s32 s0, s3;
	s0 =	sld [smem:$0x3F9F]  }
0x30: {  	s3 =	sld [smem:$0x3FA2]  }
0x31: {  	[smem:$0x3FAB] =	sst s10  }
0x32: {  	s10 =	sld [smem:$0x3FA9];
	_ =	sdelay $0x3  }
0x33: {  	p0 =	seq.s32 s10, $0x1;
	s10 =	sld [smem:$0x3FAB];
	_ =	sdelay $0x3  }
0x34: {  	[smem:$0x3FAB] =	sst s10  }
0x35: {  	s10 =	sld [smem:$0x3FAA];
	_ =	sdelay $0x3  }
0x36: {  	p1 =	seq.s32 s10, $0x1;
	s10 =	sld [smem:$0x3FAB];
	_ =	sdelay $0x3  }
0x37: {  	[smem:$0x3FAB] =	sst s10  }
0x38: {  	s10 =	sld [smem:$0x3FAC]  }
0x39: {  	_ = 	snop;
	(pc) =	sbr.ind lr, $3  }
0x3a: {  	_ = 	snop  }
0x3b: {  	_ = 	snop  }
0x3c: {  	p2 =	seq.s32 s10, $0x1;
	s10 =	sld [smem:$0x3FAB]  }
0x3d: {  	_ =	shalt  }
0x3e: {  	_ =	shalt  }
0x3f: {  	_ =	shalt  }
0x40: {  	_ =	shalt  }
0x41: {  	_ =	shalt  }
0x42: {  	_ =	shalt  }
0x43: {  	_ =	shalt  }
0x44: {  	_ =	shalt  }
0x45: {  	_ =	shalt  }
0x46: {  	_ =	shalt  }
0x47: {  	_ =	shalt  }
0x48: {  	_ =	shalt  }
0x49: {  	_ =	shalt  }
0x4a: {  	_ =	shalt  }
0x4b: {  	_ =	shalt  }
0x4c: {  	_ =	shalt  }
0x4d: {  	_ =	shalt  }
0x4e: {  	_ =	shalt  }
0x4f: {  	_ =	shalt  }
0x50: {  	_ =	shalt  }
0x51: {  	_ =	shalt  }
0x52: {  	_ =	shalt  }
0x53: {  	_ =	shalt  }
0x54: {  	_ =	shalt  }
0x55: {  	_ =	shalt  }
0x56: {  	_ =	shalt  }
0x57: {  	_ =	shalt  }
0x58: {  	_ =	shalt  }
0x59: {  	_ =	shalt  }
0x5a: {  	_ =	shalt  }
0x5b: {  	_ =	shalt  }
0x5c: {  	_ =	shalt  }
0x5d: {  	_ =	shalt  }
0x5e: {  	_ =	shalt  }
0x5f: {  	_ =	shalt  }
0x60: {  	_ =	shalt  }
0x61: {  	_ =	shalt  }
0x62: {  	_ =	shalt  }
0x63: {  	_ =	shalt  }
0x64: {  	_ =	shalt  }
0x65: {  	_ =	shalt  }
0x66: {  	_ =	shalt  }
0x67: {  	_ =	shalt  }
0x68: {  	_ =	shalt  }
0x69: {  	_ =	shalt  }
0x6a: {  	_ =	shalt  }
0x6b: {  	_ =	shalt  }
0x6c: {  	_ =	shalt  }
0x6d: {  	_ =	shalt  }
0x6e: {  	_ =	shalt  }
0x6f: {  	_ =	shalt  }
0x70: {  	_ =	shalt  }
0x71: {  	_ =	shalt  }
0x72: {  	_ =	shalt  }
0x73: {  	_ =	shalt  }
0x74: {  	_ =	shalt  }
0x75: {  	_ =	shalt  }
0x76: {  	_ =	shalt  }
0x77: {  	_ =	shalt  }
0x78: {  	_ =	shalt  }
0x79: {  	_ =	shalt  }
0x7a: {  	_ =	shalt  }
0x7b: {  	_ =	shalt  }
0x7c: {  	_ =	shalt  }
0x7d: {  	_ =	shalt  }
0x7e: {  	_ =	shalt  }
0x7f: {  	_ =	shalt  }
0x80: {  	_ =	shalt  }
0x81: {  	_ =	shalt  }
0x82: {  	_ =	shalt  }
0x83: {  	_ =	shalt  }
0x84: {  	_ =	shalt  }
0x85: {  	_ =	shalt  }
0x86: {  	_ =	shalt  }
0x87: {  	_ =	shalt  }
.Lfunc_end0:
.L_simem_size_0:
called_computation_lowered:
.L_overlay_start_0:
0x88: {  	s2 =	sld [smem:$0x3FD9]  }
0x89: {  	s3 =	sld [smem:$0x3FFE];
	_ =	sdelay $0x1  }
0x8a: {  	s1 =	srdreg.scid  }
0x8b: {  	s0 =	sand.u32 $0x1, s1  }
0x8c: {  	s17 =	sshll.u32 s0, $0xA;
	s2 =	sadd.s32 s3, s2  }
0x8d: {  	s2 =	sadd.s32 s2, s17  }
0x8e: {  	[smem:$0x3FB7] =	sst s2  }
0x8f: {  	_ = 	snop  }
0x90: {  	s18 =	sld [smem:$0x3FD0];
	(tm) =	ssettm $0x1  }
0x91: {  	s19 =	sld [smem:$0x3FFB];
	_ =	sdelay $0x3  }
0x92: {  	_ =	strace s19  }
0x93: {  	s2 =	sld [smem:$0x3FFC];
	_ =	sdelay $0x3  }
0x94: {  	_ =	strace s2  }
0x95: {  	s2 =	sld [smem:$0x3FFD];
	_ =	sdelay $0x3  }
0x96: {  	_ =	strace s2  }
0x97: {  	_ =	strace $0x8FFFFFFF  }
0x98: {  	s20 =	sld [smem:$0x3FDB];
	_ =	sdelay $0x1  }
0x99: {  	s4 =	simm.s32 $_scs_section_size  }
0x9a: {  	s5 =	simm.s32 $_size__tile_overlayer_lowered;
	s6 =	simm.s32 $_tile_overlayer_lowered  }
0x9b: {  	s7 =	simm.s32 $0x1BFF;
	s21 =	sshll.u32 s6, $0x1;
	s4 =	sadd.s32 s4, s20  }
0x9c: {  	s22 =	simm.s32 $0x0;
	s5 =	sshll.u32 s5, $0x1;
	s6 =	sadd.s32 s21, s4  }
0x9d: {  	[timem:s22], [sflag:s7] =	dma.local [hbm:s6], s5  }
0x9e: {  	_ =	swait.ge [sflag:s7], s5  }
0x9f: {  	s5 =	ssub.s32 $0x0, s5;
	[sflag:s7] =	ssyncset.done $0x0  }
0xa0: {  	[sflag:s7] =	ssyncadd.s32 s5;
	_ =	sdelay $0x1  }
0xa1: {  	s23 =	simm.s32 $0x1B8B  }
0xa2: {  	_ =	swait.ge [sflag:s23], $0x1  }
0xa3: {  	[sflag:s23] =	ssyncset.done $0x0  }
0xa4: {  	[sflag:s23] =	ssyncadd.s32 $0xFFFFFFFF  }
0xa5: {  	s5 =	sld [smem:$0x0]  }
0xa6: {  	s6 =	sand.u32 $0xFFFFFFFE, s1  }
0xa7: {  	p0 =	sne.s32 s1, s6  }
0xa8: {  	s6 =	sshll.u32 @p0 s6, $0xE  }
0xa9: {  	s6 =	sadd.s32 @p0 $0x11B8D, s6;
	s7 =	sshll.u32 @p0 s5, $0x11  }
0xaa: {  	s6 =	sor.u32 @p0 s7, s6  }
0xab: {  	[sflag:s6] =	ssyncadd.remote.s32 @p0 $0x1;
	_ =	sdelay $0x1  }
0xac: {  	s6 =	simm.s32 @p0 $0x1B8D  }
0xad: {  	_ =	swait.eq @p0 [sflag:s6], $0x1  }
0xae: {  	[sflag:s6] =	ssyncadd.s32 @p0 $0xFFFFFFFF  }
0xaf: {  	s7 =	sshll.u32 @!p0 s1, $0xE  }
0xb0: {  	s7 =	sor.u32 @!p0 $0x4000, s7;
	s6 =	simm.s32 @!p0 $0x1B8D  }
0xb1: {  	s5 =	sshll.u32 @!p0 s5, $0x11;
	s7 =	sadd.s32 @!p0 $0x11B8D, s7;
	_ =	swait.eq @!p0 [sflag:s6], $0x1  }
0xb2: {  	s5 =	sor.u32 @!p0 s5, s7;
	[sflag:s6] =	ssyncadd.s32 @!p0 $0xFFFFFFFF  }
0xb3: {  	s25 =	simm.s32 $0x1B8E;
	s24 =	sld [smem:$0x3FFE];
	[sflag:s5] =	ssyncadd.remote.s32 @!p0 $0x1  }
0xb4: {  	s26 =	simm.s32 $execute0_lowered;
	[smem:$0x3FD2] =	sst s25  }
0xb5: {  	s6 =	sshll.u32 s26, $0x1;
	_ =	strace $0x80000049;
	[dreg:$0x1] =	wrdreg $0xFFFFFFFF  }
0xb6: {  	s28 =	simm.s32 $_size_execute0_lowered;
	s4 =	sadd.s32 s4, s6;
	[dreg:$0x0] =	wrdreg $0x0  }
0xb7: {  	s6 =	sshll.u32 s28, $0x1;
	[dreg:$0x2] =	wrdreg s4  }
0xb8: {  	[dreg:$0x3] =	wrdreg s6  }
0xb9: {  	[dreg:$0x4] =	wrdreg $0xC0  }
0xba: {  	_ =	task [dreg:s22], $0x5FFFF  }
0xbb: {  	[dreg:$0x1] =	wrdreg $0xFFFFFFFF  }
0xbc: {  	[dreg:$0x0] =	wrdreg $0x60  }
0xbd: {  	[dreg:$0x2] =	wrdreg s24  }
0xbe: {  	[dreg:$0x3] =	wrdreg s18  }
0xbf: {  	[dreg:$0x4] =	wrdreg $0x90000  }
0xc0: {  	[dreg:$0x5] =	wrdreg $0x9  }
0xc1: {  	_ =	task.clear_ibuf [dreg:s22], $0x6FFFF;
	_ =	strace $0x90000049  }
0xc2: {  	s29 =	simm.s32 $0x9;
	_ =	strace $0x8000004B  }
0xc3: {  	_ =	swait.ge [sflag:s29], $0x1  }
0xc4: {  	[sflag:s29] =	ssyncadd.s32 $0xFFFFFFFF  }
0xc5: {  	_ =	strace $0x9000004B  }
0xc6: {  	_ =	sfence  }
0xc7: {  	s30 =	sld [smem:$0x0];
	_ =	sdelay $0x2  }
0xc8: {  	s31 =	sshll.u32 s1, $0xD;
	s1 =	sshrl.u32 s1, $0x2  }
0xc9: {  	s4 =	sand.u32 $0x4000, s31;
	s1 =	sadd.s32 s1, s30  }
0xca: {  	s0 =	sor.u32 s4, s0;
	s1 =	sshll.u32 s1, $0x11  }
0xcb: {  	s0 =	sor.u32 s1, s0  }
0xcc: {  	s0 =	sadd.s32 $0x8F2B, s0  }
0xcd: {  	[sflag:s0] =	ssyncadd.remote.s32 $0x1  }
0xce: {  	_ =	sfence.sel $0xFFFF  }
0xcf: {  	[dreg:$0x0] =	wrdreg $0xFFFFFFFF;
	(pc) =	sbr.abs _section_cstart, $3  }
0xd0: {  	[dreg:$0x1] =	wrdreg $0xFFFFFFFF  }
0xd1: {  	_ =	task.clear_ibuf [dreg:s22], $0x2FFFF;
	_ =	strace $0x9FFFFFFF  }
0xd2: {  	(tm) =	ssettm $0x7FFFFFFF  }
0xd3: {  	_ =	shalt  }
tec
execute0_lowered:
.L_overlay_start_1:
0x0: {  	(tag) =	ssettag $0x1  }
0x1: {  	s6 =	rddreg [dreg:$0x0]  }
0x2: {  	s2 =	rddreg [dreg:$0x1]  }
0x3: {  	s0 =	srdreg.scid;
	s3 =	rddreg [dreg:$0x2]  }
0x4: {  	s1 =	rddreg [dreg:$0x3];
	s5 =	sand.u32 $0x1, s0  }
0x5: {  	s0 =	stileid.u32;
	s7 =	smul.u32 $0x50000, s5  }
0x6: {  	s4 =	simm.s32 $0x0;
	s14 =	simm.s32 $0x5000;
	s8 =	smul.u32 $0x5000, s0  }
0x7: {  	s15 =	simm.s32 $0x1;
	s16 =	simm.s32 $0x80;
	s29 =	smul.u32 $0x140000, s5  }
0x8: {  	s19 =	simm.s32 $0x0;
	[smem:$0x7FF] =	sst s4;
	s9 =	smul.u32 $0x14000, s0  }
0x9: {  	_ =	strace $0x8000004A;
	s30 =	ssub.s32 $0x2, s5;
	s10 =	smul.u32 $0x50000, s0  }
0xa: {  	s5 =	sadd.s32 $0x7D400, s6;
	s17 =	sshll.u32 s0, $0x6;
	s11 =	sshrl.u32 s30, $0x1  }
0xb: {  	s17 =	sor.u32 $0x1C01, s17;
	s7 =	sadd.s32 s8, s7;
	s8 =	sadd.s32 s9, s29  }
0xc: {  	s9 =	ssub.s32 s30, s11;
	s31 =	sshrl.u32 s10, $0x2;
	s7 =	sshrl.u32 s7, $0x3  }
0xd: {  	s8 =	sshrl.u32 s8, $0x3;
	s9 =	smax.u32 s9, $0x1;
	s7 =	sadd.s32 s7, s6  }
0xe: {  	s8 =	sadd.s32 s8, s6;
	s6 =	sadd.s32 s31, s3;
	s7 =	sadd.s32 $0x5400, s7  }
0xf: {  	s8 =	sadd.s32 $0x7DC00, s8;
	s10 =	sadd.s32 $0x4000, s6;
	s11 =	sadd.s32 $0x8000, s6  }
0x10: {  	s12 =	sadd.s32 $0xC000, s6;
	s13 =	sadd.s32 $0x10000, s6;
	s18 =	sshrl.u32 s6, $0x3  }
.LBB2_1:
0x11: {  	[tilespmem:s14], [sflag:$0x1] =	stream.linear.gather [hbm4b:s2+s4], $0x4000, $0x38;
	[tilespmem:$0x1D000] =	vst v63  }
0x12: {  	_ =	swait.ge [sflag:s15], $0x4000  }
0x13: {  	[sflag:s15] =	ssyncset.done $0x0  }
0x14: {  	[sflag:s15] =	ssyncadd.s32 $0xFFFFC000  }
0x15: {  	[spmem:s6] =	stream.linear.scatter [tilespmem:s14], [sflag:$0x1], $0x4000, $0x38;
	[tilespmem:$0x1D000] =	vst v63  }
0x16: {  	_ =	swait.ge [sflag:s15], $0x4000  }
0x17: {  	[sflag:s15] =	ssyncset.done $0x0  }
0x18: {  	[sflag:s15] =	ssyncadd.s32 $0xFFFFC000  }
0x19: {  	[spmem:s10] =	stream.linear.scatter [tilespmem:s14], [sflag:$0x1], $0x4000, $0x38;
	[tilespmem:$0x1D000] =	vst v63  }
0x1a: {  	_ =	swait.ge [sflag:s15], $0x4000  }
0x1b: {  	[sflag:s15] =	ssyncset.done $0x0  }
0x1c: {  	[sflag:s15] =	ssyncadd.s32 $0xFFFFC000  }
0x1d: {  	[spmem:s11] =	stream.linear.scatter [tilespmem:s14], [sflag:$0x1], $0x4000, $0x38;
	[tilespmem:$0x1D000] =	vst v63  }
0x1e: {  	_ =	swait.ge [sflag:s15], $0x4000  }
0x1f: {  	[sflag:s15] =	ssyncset.done $0x0  }
0x20: {  	[sflag:s15] =	ssyncadd.s32 $0xFFFFC000  }
0x21: {  	[spmem:s12] =	stream.linear.scatter [tilespmem:s14], [sflag:$0x1], $0x4000, $0x38;
	[tilespmem:$0x1D000] =	vst v63  }
0x22: {  	_ =	swait.ge [sflag:s15], $0x4000  }
0x23: {  	[sflag:s15] =	ssyncset.done $0x0  }
0x24: {  	[sflag:s15] =	ssyncadd.s32 $0xFFFFC000  }
0x25: {  	[spmem:s13] =	stream.linear.scatter [tilespmem:s14], [sflag:$0x1], $0x4000, $0x38;
	[tilespmem:$0x1D000] =	vst v63  }
0x26: {  	_ =	swait.ge [sflag:s15], $0x4000  }
0x27: {  	[sflag:s15] =	ssyncset.done $0x0  }
0x28: {  	[sflag:s15] =	ssyncadd.s32 $0xFFFFC000  }
0x29: {  	[tilespmem:s14], [sflag:$0x1] =	stream.linear.gather [hbm4b:s5+s4], $0x4000, $0x38;
	[tilespmem:$0x1D000] =	vst v63  }
0x2a: {  	_ =	swait.ge [sflag:s15], $0x4000  }
0x2b: {  	[sflag:s15] =	ssyncset.done $0x0  }
0x2c: {  	[sflag:s15] =	ssyncadd.s32 $0xFFFFC000  }
0x2d: {  	[tilespmem:s4], [sflag:$0x1] =	stream.linear.gather [hbm4b:s7+s4], $0x5000, $0x38;
	[tilespmem:$0x1D000] =	vst v63  }
0x2e: {  	_ =	swait.ge [sflag:s15], $0x5000  }
0x2f: {  	[sflag:s15] =	ssyncset.done $0x0  }
0x30: {  	[sflag:s15] =	ssyncadd.s32 $0xFFFFB000  }
0x31: {  	s20 =	simm.s32 $0x0;
	[bflag:$0x0] =	sbarrier.arrive $0xFFFF  }
0x32: {  	[spmem:s3] =	stream.indirect.scatter.add.f32 [tilespmem:s14], [sflag:$0x1], $0x80, s20, s16, $0xb8;
	[tilespmem:$0x1D000] =	vst v63  }
0x33: {  	_ =	swait.ge [sflag:s15], $0x4000  }
0x34: {  	s20 =	simm.s32 $0x200;
	[sflag:s15] =	ssyncset.done $0x0  }
.LBB2_2:
0x35: {  	s21 =	sshra.s32 s20, $0x2;
	[sflag:s15] =	ssyncadd.s32 $0xFFFFC000;
	p0 =	sne.s32 s20, $0x13E00  }
0x36: {  	[spmem:s3] =	stream.indirect.scatter.add.f32 [tilespmem:s14], [sflag:$0x1], $0x80, s21, s16, $0xb8;
	[tilespmem:$0x1D000] =	vst v63  }
.Ltmp0:
0x37: {  	_ = 	snop;
	(pc) =	sbr.rel @p0 .LBB2_2-.Ltmp0, $4  }
0x38: {  	_ = 	snop  }
0x39: {  	s20 =	sadd.s32 $0x200, s20  }
0x3a: {  	_ =	swait.ge [sflag:s15], $0x4000  }
0x3b: {  	[sflag:s15] =	ssyncset.done $0x0  }
0x3c: {  	s19 =	sadd.s32 $0x1, s19  }
0x3d: {  	[sflag:s15] =	ssyncadd.s32 $0xFFFFC000;
	p0 =	sne.s32 s19, s9  }
.Ltmp1:
0x3e: {  	[bflag:$0x0] =	sbarrier.arrive $0xFFFF;
	(pc) =	sbr.rel @p0 .LBB2_1-.Ltmp1, $4  }
0x3f: {  	[hbm:s8], [sflag:s17] =	dma.local [spmem:s18], $0x2800  }
0x40: {  	_ =	swait.ge [sflag:s15], $0x2800  }
0x41: {  	[sflag:s15] =	ssyncset.done $0x0  }
0x42: {  	[sflag:s15] =	ssyncadd.s32 $0xFFFFD800  }
0x43: {  	_ =	sfence.sel $0x180000  }
0x44: {  	[bflag:$0x0] =	sbarrier.arrive $0xFFFF  }
0x45: {  	p0 =	sne.s32 s0, $0x0;
	_ =	strace $0x9000004A  }
0x46: {  	s0 =	sadd.s32 @!p0 $0x100000, s1;
	[bflag:$0x2] =	sbarrier.arrive $0xFFFF  }
0x47: {  	[sflag:s0] =	ssyncadd.tile.s32 @!p0 $0x1;
	_ =	shalt  }
.Lfunc_end2:
_tile_overlayer_lowered:
.L_overlay_start_2:
0x48: {  	(tag) =	ssettag $0x2  }
0x49: {  	s0 =	rddreg [dreg:$0x0];
	s2 =	stileid.u32  }
0x4a: {  	s1 =	rddreg [dreg:$0x1];
	p0 =	sne.s32 s2, $0x0  }
0x4b: {  	s3 =	rddreg [dreg:$0x2];
	[bflag:$0x3] =	sbarrier.arrive $0xFFFF;
	s2 =	simm.s32 @!p0 $0x1C01  }
0x4c: {  	[timem:s3], [sflag:s2] =	dma.local @!p0 [hbm:s0], s1  }
0x4d: {  	s0 =	simm.s32 @!p0 $0x1  }
0x4e: {  	_ =	swait.ge @!p0 [sflag:s0], s1  }
0x4f: {  	s1 =	ssub.s32 @!p0 $0x0, s1;
	[sflag:s0] =	ssyncset.done @!p0 $0x0  }
0x50: {  	[sflag:s0] =	ssyncadd.s32 @!p0 s1  }
0x51: {  	[bflag:$0x3] =	sbarrier.arrive $0xFFFF  }
0x52: {  	_ =	shalt  }

// kernel: kernel.14.cloned.1.call-start
scs
__scs_entry_jumppad:
0x0: {  	(pc) =	sbr.rel $0x88, $3  }
0x1: {  	(tag) =	ssettag $0x0;
	lr =	simm.s32 $0x1  }
0x2: {  	[smem:$0x3F90] =	sst lr;
	_ =	strace $0xD0000000  }
0x3: {  	_ = 	snop  }
0x4: {  	_ = 	snop  }
0x5: {  	_ = 	snop  }
0x6: {  	_ = 	snop  }
0x7: {  	_ = 	snop  }
__scs_overlays_trampoline_lowered:
0x8: {  	[smem:$0x3F9F] =	sst s0  }
0x9: {  	[smem:$0x3FA0] =	sst s1  }
0xa: {  	[smem:$0x3FA1] =	sst s2  }
0xb: {  	[smem:$0x3FA2] =	sst s3  }
0xc: {  	[smem:$0x3FA3] =	sst s4  }
0xd: {  	[smem:$0x3FA4] =	sst s5  }
0xe: {  	[smem:$0x3FA5] =	sst s6  }
0xf: {  	[smem:$0x3FA6] =	sst s7  }
0x10: {  	[smem:$0x3FA7] =	sst s8  }
0x11: {  	[smem:$0x3FA8] =	sst s9;
	s0 =	simm.s32 @!p0 $0x0  }
0x12: {  	s1 =	sld [smem:$0x3F8E];
	s0 =	simm.s32 @p0 $0x1  }
0x13: {  	[smem:$0x3FA9] =	sst s0;
	s0 =	simm.s32 @!p1 $0x0  }
0x14: {  	s2 =	sld [smem:$0x3F8D];
	s0 =	simm.s32 @p1 $0x1  }
0x15: {  	[smem:$0x3FAA] =	sst s0;
	s0 =	simm.s32 @!p2 $0x0  }
0x16: {  	s3 =	sld [smem:$0x3FDB];
	s0 =	simm.s32 @p2 $0x1  }
0x17: {  	s4 =	simm.s32 $0x1BF5;
	[smem:$0x3FAC] =	sst s0  }
0x18: {  	s0 =	sld [smem:$0x3F8F];
	_ =	swait.ge [sflag:s4], $0x0  }
0x19: {  	s7 =	sld [smem:$0x3F90]  }
0x1a: {  	s8 =	sadd.s32 $0xFFFFE003, lr  }
0x1b: {  	s9 =	sadd.s32 $0xFFFFFEF7, lr;
	s5 =	simm.s32 $0xFFFFFFFF;
	p2 =	slt.u32 s8, $0xFFFFF086  }
0x1c: {  	p1 =	slt.u32 s9, $0xF7A;
	s5 =	simm.s32 @!p2 $0x0  }
0x1d: {  	s5 =	simm.s32 @p1 $0x1;
	p0 =	seq.s32 s7, s2  }
0x1e: {  	s7 =	smul.u32 @!p0 $0xF7A, s2;
	p2 =	seq.s32 @!p0 s5, $0x0  }
0x1f: {  	s9 =	smul.u32 $0xF7A, s1;
	s8 =	simm.s32 @!p0 $0x1BF5;
	p2 =	por !p2, p0  }
0x20: {  	[sflag:s8] =	ssyncset.s32 @!p0 $0xFFFFF086;
	s6 =	sadd.s32 @!p0 s3, s7;
	s7 =	simm.s32 @!p0 $0x108  }
0x21: {  	s3 =	sadd.s32 s3, s9;
	s6 =	sadd.s32 @!p0 $0x88, s6;
	s7 =	simm.s32 @p2 $0x1082  }
0x22: {  	[simem:s7], [sflag:s8] =	dma.local @!p0 [hbm:s6], $0xF7A  }
0x23: {  	s9 =	sor.u32 $0xD0000000, s2;
	s6 =	simm.s32 $0x108;
	_ =	swait.ge @!p0 [sflag:s8], $0x0  }
0x24: {  	s3 =	sadd.s32 $0x88, s3;
	s6 =	simm.s32 @!p1 $0x1082;
	[sflag:s4] =	ssyncset.s32 $0xFFFFF086  }
0x25: {  	[simem:s6], [sflag:s4] =	dma.local [hbm:s3], $0xF7A  }
0x26: {  	[smem:$0x3F90] =	sst s1;
	(tag) =	ssettag s2;
	_ =	strace s9  }
0x27: {  	s1 =	sld [smem:$0x3FA0]  }
0x28: {  	s2 =	sld [smem:$0x3FA1]  }
0x29: {  	s4 =	sld [smem:$0x3FA3]  }
0x2a: {  	p0 =	seq.s32 s5, $0x0;
	s5 =	sld [smem:$0x3FA4]  }
0x2b: {  	s6 =	sld [smem:$0x3FA5]  }
0x2c: {  	s7 =	sld [smem:$0x3FA6]  }
0x2d: {  	s3 =	simm.s32 $0x108;
	s8 =	sld [smem:$0x3FA7]  }
0x2e: {  	s3 =	simm.s32 @!p0 $0x1082;
	s9 =	sld [smem:$0x3FA8]  }
0x2f: {  	lr =	sadd.s32 s0, s3;
	s0 =	sld [smem:$0x3F9F]  }
0x30: {  	s3 =	sld [smem:$0x3FA2]  }
0x31: {  	[smem:$0x3FAB] =	sst s10  }
0x32: {  	s10 =	sld [smem:$0x3FA9];
	_ =	sdelay $0x3  }
0x33: {  	p0 =	seq.s32 s10, $0x1;
	s10 =	sld [smem:$0x3FAB];
	_ =	sdelay $0x3  }
0x34: {  	[smem:$0x3FAB] =	sst s10  }
0x35: {  	s10 =	sld [smem:$0x3FAA];
	_ =	sdelay $0x3  }
0x36: {  	p1 =	seq.s32 s10, $0x1;
	s10 =	sld [smem:$0x3FAB];
	_ =	sdelay $0x3  }
0x37: {  	[smem:$0x3FAB] =	sst s10  }
0x38: {  	s10 =	sld [smem:$0x3FAC]  }
0x39: {  	_ = 	snop;
	(pc) =	sbr.ind lr, $3  }
0x3a: {  	_ = 	snop  }
0x3b: {  	_ = 	snop  }
0x3c: {  	p2 =	seq.s32 s10, $0x1;
	s10 =	sld [smem:$0x3FAB]  }
0x3d: {  	_ =	shalt  }
0x3e: {  	_ =	shalt  }
0x3f: {  	_ =	shalt  }
0x40: {  	_ =	shalt  }
0x41: {  	_ =	shalt  }
0x42: {  	_ =	shalt  }
0x43: {  	_ =	shalt  }
0x44: {  	_ =	shalt  }
0x45: {  	_ =	shalt  }
0x46: {  	_ =	shalt  }
0x47: {  	_ =	shalt  }
0x48: {  	_ =	shalt  }
0x49: {  	_ =	shalt  }
0x4a: {  	_ =	shalt  }
0x4b: {  	_ =	shalt  }
0x4c: {  	_ =	shalt  }
0x4d: {  	_ =	shalt  }
0x4e: {  	_ =	shalt  }
0x4f: {  	_ =	shalt  }
0x50: {  	_ =	shalt  }
0x51: {  	_ =	shalt  }
0x52: {  	_ =	shalt  }
0x53: {  	_ =	shalt  }
0x54: {  	_ =	shalt  }
0x55: {  	_ =	shalt  }
0x56: {  	_ =	shalt  }
0x57: {  	_ =	shalt  }
0x58: {  	_ =	shalt  }
0x59: {  	_ =	shalt  }
0x5a: {  	_ =	shalt  }
0x5b: {  	_ =	shalt  }
0x5c: {  	_ =	shalt  }
0x5d: {  	_ =	shalt  }
0x5e: {  	_ =	shalt  }
0x5f: {  	_ =	shalt  }
0x60: {  	_ =	shalt  }
0x61: {  	_ =	shalt  }
0x62: {  	_ =	shalt  }
0x63: {  	_ =	shalt  }
0x64: {  	_ =	shalt  }
0x65: {  	_ =	shalt  }
0x66: {  	_ =	shalt  }
0x67: {  	_ =	shalt  }
0x68: {  	_ =	shalt  }
0x69: {  	_ =	shalt  }
0x6a: {  	_ =	shalt  }
0x6b: {  	_ =	shalt  }
0x6c: {  	_ =	shalt  }
0x6d: {  	_ =	shalt  }
0x6e: {  	_ =	shalt  }
0x6f: {  	_ =	shalt  }
0x70: {  	_ =	shalt  }
0x71: {  	_ =	shalt  }
0x72: {  	_ =	shalt  }
0x73: {  	_ =	shalt  }
0x74: {  	_ =	shalt  }
0x75: {  	_ =	shalt  }
0x76: {  	_ =	shalt  }
0x77: {  	_ =	shalt  }
0x78: {  	_ =	shalt  }
0x79: {  	_ =	shalt  }
0x7a: {  	_ =	shalt  }
0x7b: {  	_ =	shalt  }
0x7c: {  	_ =	shalt  }
0x7d: {  	_ =	shalt  }
0x7e: {  	_ =	shalt  }
0x7f: {  	_ =	shalt  }
0x80: {  	_ =	shalt  }
0x81: {  	_ =	shalt  }
0x82: {  	_ =	shalt  }
0x83: {  	_ =	shalt  }
0x84: {  	_ =	shalt  }
0x85: {  	_ =	shalt  }
0x86: {  	_ =	shalt  }
0x87: {  	_ =	shalt  }
.Lfunc_end0:
.L_simem_size_0:
called_computation.1_lowered:
.L_overlay_start_0:
0x88: {  	s2 =	sld [smem:$0x3FD9]  }
0x89: {  	s3 =	sld [smem:$0x3FFE];
	_ =	sdelay $0x1  }
0x8a: {  	s1 =	srdreg.scid  }
0x8b: {  	s0 =	sand.u32 $0x1, s1  }
0x8c: {  	s17 =	sshll.u32 s0, $0xA;
	s2 =	sadd.s32 s3, s2  }
0x8d: {  	s2 =	sadd.s32 s2, s17  }
0x8e: {  	[smem:$0x3FB7] =	sst s2  }
0x8f: {  	_ = 	snop  }
0x90: {  	s2 =	sld [smem:$0x3FC9]  }
0x91: {  	s18 =	sld [smem:$0x3FC8]  }
0x92: {  	s4 =	sld [smem:$0x3FD0];
	(tm) =	ssettm $0x1  }
0x93: {  	s5 =	sld [smem:$0x3FFB];
	_ =	sdelay $0x3  }
0x94: {  	_ =	strace s5  }
0x95: {  	s5 =	sld [smem:$0x3FFC];
	_ =	sdelay $0x3  }
0x96: {  	_ =	strace s5  }
0x97: {  	s5 =	sld [smem:$0x3FFD];
	_ =	sdelay $0x3  }
0x98: {  	_ =	strace s5  }
0x99: {  	_ =	strace $0x8FFFFFFF  }
0x9a: {  	s19 =	sld [smem:$0x3FDB];
	_ =	sdelay $0x1  }
0x9b: {  	s6 =	simm.s32 $_scs_section_size  }
0x9c: {  	s7 =	simm.s32 $_size__tile_overlayer_lowered;
	s8 =	simm.s32 $_tile_overlayer_lowered  }
0x9d: {  	s22 =	simm.s32 $0x1BFF;
	s21 =	sshll.u32 s8, $0x1;
	s5 =	sadd.s32 s6, s19  }
0x9e: {  	s9 =	simm.s32 $0x0;
	s20 =	sshll.u32 s7, $0x1;
	s7 =	sadd.s32 s21, s5  }
0x9f: {  	[timem:s9], [sflag:s22] =	dma.local [hbm:s7], s20  }
0xa0: {  	_ =	swait.ge [sflag:s22], s20  }
0xa1: {  	s6 =	ssub.s32 $0x0, s20;
	[sflag:s22] =	ssyncset.done $0x0  }
0xa2: {  	[sflag:s22] =	ssyncadd.s32 s6;
	_ =	sdelay $0x1  }
0xa3: {  	s23 =	simm.s32 $0x1B8B  }
0xa4: {  	_ =	swait.ge [sflag:s23], $0x1  }
0xa5: {  	[sflag:s23] =	ssyncset.done $0x0  }
0xa6: {  	s25 =	simm.s32 $0x1B8E;
	s24 =	sld [smem:$0x3FFE];
	[sflag:s23] =	ssyncadd.s32 $0xFFFFFFFF  }
0xa7: {  	s26 =	simm.s32 $execute0_lowered;
	[smem:$0x3FD2] =	sst s25  }
0xa8: {  	s7 =	sshll.u32 s26, $0x1;
	_ =	strace $0x80000046;
	[dreg:$0x1] =	wrdreg $0xFFFFFFFF  }
0xa9: {  	s28 =	simm.s32 $_size_execute0_lowered;
	s5 =	sadd.s32 s5, s7;
	[dreg:$0x0] =	wrdreg $0x0  }
0xaa: {  	s7 =	sshll.u32 s28, $0x1;
	[dreg:$0x2] =	wrdreg s5  }
0xab: {  	[dreg:$0x3] =	wrdreg s7  }
0xac: {  	[dreg:$0x4] =	wrdreg $0xC0  }
0xad: {  	_ =	task [dreg:s9], $0x5FFFF  }
0xae: {  	[dreg:$0x1] =	wrdreg $0xFFFFFFFF  }
0xaf: {  	[dreg:$0x0] =	wrdreg $0x60  }
0xb0: {  	[dreg:$0x2] =	wrdreg s2  }
0xb1: {  	[dreg:$0x3] =	wrdreg s18  }
0xb2: {  	[dreg:$0x4] =	wrdreg s24  }
0xb3: {  	[dreg:$0x5] =	wrdreg s4  }
0xb4: {  	[dreg:$0x6] =	wrdreg $0xA8000  }
0xb5: {  	[dreg:$0x7] =	wrdreg $0xA  }
0xb6: {  	_ =	task.clear_ibuf [dreg:s9], $0x8FFFF;
	_ =	strace $0x90000046  }
0xb7: {  	s29 =	simm.s32 $0xA;
	_ =	strace $0x80000048  }
0xb8: {  	_ =	swait.ge [sflag:s29], $0x1  }
0xb9: {  	[sflag:s29] =	ssyncadd.s32 $0xFFFFFFFF  }
0xba: {  	_ =	strace $0x90000048  }
0xbb: {  	_ =	sfence  }
0xbc: {  	s30 =	sld [smem:$0x0];
	_ =	sdelay $0x2  }
0xbd: {  	s31 =	sshll.u32 s1, $0xD;
	s1 =	sshrl.u32 s1, $0x2  }
0xbe: {  	s3 =	sand.u32 $0x4000, s31;
	s1 =	sadd.s32 s1, s30  }
0xbf: {  	s0 =	sor.u32 s3, s0;
	s1 =	sshll.u32 s1, $0x11  }
0xc0: {  	s0 =	sor.u32 s1, s0  }
0xc1: {  	s0 =	sadd.s32 $0x8F2B, s0  }
0xc2: {  	[sflag:s0] =	ssyncadd.remote.s32 $0x1  }
0xc3: {  	_ =	sfence.sel $0xFFFF  }
0xc4: {  	[dreg:$0x0] =	wrdreg $0xFFFFFFFF;
	(pc) =	sbr.abs _section_cstart, $3  }
0xc5: {  	[dreg:$0x1] =	wrdreg $0xFFFFFFFF  }
0xc6: {  	_ =	task.clear_ibuf [dreg:s9], $0x2FFFF;
	_ =	strace $0x9FFFFFFF  }
0xc7: {  	(tm) =	ssettm $0x7FFFFFFF  }
tec
execute0_lowered:
.L_overlay_start_1:
0x0: {  	(tag) =	ssettag $0x1  }
0x1: {  	s1 =	rddreg [dreg:$0x0]  }
0x2: {  	s2 =	rddreg [dreg:$0x1]  }
0x3: {  	s9 =	rddreg [dreg:$0x2]  }
0x4: {  	s3 =	rddreg [dreg:$0x3]  }
0x5: {  	s4 =	rddreg [dreg:$0x4];
	s5 =	srdreg.scid  }
0x6: {  	s6 =	simm.s32 $0x0;
	s17 =	simm.s32 $0x2800;
	s18 =	simm.s32 $0x3  }
0x7: {  	s19 =	simm.s32 $0x1400;
	s20 =	simm.s32 $0x80;
	s21 =	simm.s32 $0x6800  }
0x8: {  	s22 =	simm.s32 $0x1;
	s23 =	simm.s32 $0x2;
	s24 =	simm.s32 $0x2700  }
0x9: {  	s26 =	simm.s32 $0x2780;
	s11 =	sand.u32 $0x1, s5;
	s5 =	stileid.u32  }
0xa: {  	s28 =	simm.s32 $0x0;
	[smem:$0x7FF] =	sst s6;
	s8 =	smul.u32 $0x140000, s11  }
0xb: {  	s7 =	sadd.s32 $0x19400, s9;
	s10 =	smul.u32 $0x14000, s5;
	_ =	strace $0x80000047  }
0xc: {  	s12 =	ssub.s32 $0x2, s11;
	s13 =	smul.u32 $0x50000, s5;
	s25 =	sshll.u32 s5, $0x6  }
0xd: {  	p0 =	seq.s32 s11, $0x1;
	s14 =	sshrl.u32 s12, $0x1;
	s25 =	sor.u32 $0x1C03, s25  }
.Ltmp0:
0xe: {  	s10 =	sadd.s32 s10, s8;
	s8 =	sadd.s32 $0x5400, s9;
	(pc) =	sbr.rel .LBB2_1-.Ltmp0, $4  }
0xf: {  	s12 =	ssub.s32 s12, s14;
	s31 =	sshrl.u32 s13, $0x2;
	s10 =	sshrl.u32 s10, $0x3  }
0x10: {  	s12 =	smax.u32 s12, $0x1;
	s15 =	sadd.s32 s10, s9;
	s9 =	sadd.s32 s31, s4  }
0x11: {  	s10 =	smul.u32 $0xA0, s5;
	s11 =	sadd.s32 $0x2D400, s15;
	s13 =	sadd.s32 $0x4000, s9  }
0x12: {  	s14 =	sadd.s32 $0x8000, s9;
	s15 =	sadd.s32 $0xC000, s9;
	s16 =	sadd.s32 $0x10000, s9  }
.LBB2_8:
0x13: {  	s28 =	sadd.s32 $0x1, s28  }
0x14: {  	p1 =	sne.s32 s28, s12  }
.Ltmp1:
0x15: {  	[bflag:$0x0] =	sbarrier.arrive $0xFFFF;
	s0 =	sshrl.u32 s9, $0x3;
	(pc) =	sbr.rel @!p1 .LBB2_9-.Ltmp1, $4  }
0x16: {  	[hbm:s11], [sflag:s25] =	dma.local [spmem:s0], $0x2800  }
0x17: {  	_ =	swait.ge [sflag:s18], $0x2800  }
0x18: {  	[sflag:s18] =	ssyncset.done $0x0  }
0x19: {  	[sflag:s18] =	ssyncadd.s32 $0xFFFFD800  }
.LBB2_1:
0x1a: {  	[tilespmem:s17], [sflag:$0x3] =	stream.linear.gather [hbm4b:s3+s6], $0x4000, $0x38;
	[tilespmem:$0x1E800] =	vst v63  }
0x1b: {  	_ =	swait.ge [sflag:s18], $0x4000  }
0x1c: {  	[sflag:s18] =	ssyncset.done $0x0  }
0x1d: {  	[sflag:s18] =	ssyncadd.s32 $0xFFFFC000  }
0x1e: {  	[spmem:s9] =	stream.linear.scatter [tilespmem:s17], [sflag:$0x3], $0x4000, $0x38;
	[tilespmem:$0x1E800] =	vst v63  }
0x1f: {  	_ =	swait.ge [sflag:s18], $0x4000  }
0x20: {  	[sflag:s18] =	ssyncset.done $0x0  }
0x21: {  	[sflag:s18] =	ssyncadd.s32 $0xFFFFC000  }
0x22: {  	[spmem:s13] =	stream.linear.scatter [tilespmem:s17], [sflag:$0x3], $0x4000, $0x38;
	[tilespmem:$0x1E800] =	vst v63  }
0x23: {  	_ =	swait.ge [sflag:s18], $0x4000  }
0x24: {  	[sflag:s18] =	ssyncset.done $0x0  }
0x25: {  	[sflag:s18] =	ssyncadd.s32 $0xFFFFC000  }
0x26: {  	[spmem:s14] =	stream.linear.scatter [tilespmem:s17], [sflag:$0x3], $0x4000, $0x38;
	[tilespmem:$0x1E800] =	vst v63  }
0x27: {  	_ =	swait.ge [sflag:s18], $0x4000  }
0x28: {  	[sflag:s18] =	ssyncset.done $0x0  }
0x29: {  	[sflag:s18] =	ssyncadd.s32 $0xFFFFC000  }
0x2a: {  	[spmem:s15] =	stream.linear.scatter [tilespmem:s17], [sflag:$0x3], $0x4000, $0x38;
	[tilespmem:$0x1E800] =	vst v63  }
0x2b: {  	_ =	swait.ge [sflag:s18], $0x4000  }
0x2c: {  	[sflag:s18] =	ssyncset.done $0x0  }
0x2d: {  	[sflag:s18] =	ssyncadd.s32 $0xFFFFC000  }
0x2e: {  	[spmem:s16] =	stream.linear.scatter [tilespmem:s17], [sflag:$0x3], $0x4000, $0x38;
	[tilespmem:$0x1E800] =	vst v63  }
.Ltmp2:
0x2f: {  	_ =	swait.ge [sflag:s18], $0x4000;
	(pc) =	sbr.rel @!p0 .LBB2_2-.Ltmp2, $4  }
0x30: {  	[sflag:s18] =	ssyncset.done $0x0  }
0x31: {  	[sflag:s18] =	ssyncadd.s32 $0xFFFFC000  }
0x32: {  	[bflag:$0x0] =	sbarrier.arrive $0xFFFF  }
0x33: {  	s29 =	simm.s32 $0x0;
	s30 =	simm.s32 $0x0  }
.LBB2_5:
0x34: {  	s0 =	smul.u32 $0x28, s30;
	_ =	sdelay $0x1  }
0x35: {  	s0 =	sadd.s32 s10, s0  }
0x36: {  	s0 =	sshll.u32 s0, $0x4  }
0x37: {  	s0 =	sadd.s32 $0xA000, s0  }
0x38: {  	s31 =	simm.s32 $0x0;
	s29 =	sadd.s32 s7, s0  }
0x39: {  	[tilespmem:s31], [sflag:$0x3] =	stream.linear.gather [hbm4b:s29+s31], $0x1400, $0x38;
	[tilespmem:$0x1E800] =	vst v63  }
0x3a: {  	_ =	swait.ge [sflag:s18], $0x1400  }
0x3b: {  	[sflag:s18] =	ssyncset.done $0x0  }
0x3c: {  	s0 =	sadd.s32 s8, s0;
	[sflag:s18] =	ssyncadd.s32 $0xFFFFEC00  }
0x3d: {  	[tilespmem:s19], [sflag:$0x3] =	stream.linear.gather [hbm4b:s0+s31], $0x1400, $0x38;
	[tilespmem:$0x1E800] =	vst v63  }
0x3e: {  	_ =	swait.ge [sflag:s18], $0x1400  }
0x3f: {  	[sflag:s18] =	ssyncset.done $0x0  }
0x40: {  	[sflag:s18] =	ssyncadd.s32 $0xFFFFEC00  }
0x41: {  	[tilespmem:s17], [sflag:$0x1] =	stream.indirect.gather [hbm4b:s2+s20], $0x80, s31, s20, $0xb8;
	[tilespmem:$0x1E800] =	vst v63  }
0x42: {  	_ = 	snop  }
0x43: {  	[tilespmem:s21], [sflag:$0x2] =	stream.indirect.gather [hbm4b:s2+s20], $0x80, s20, s20, $0xb8;
	[tilespmem:$0x1E800] =	vst v63  }
0x44: {  	_ =	swait.ge [sflag:s22], $0x4000  }
0x45: {  	[sflag:s22] =	ssyncset.done $0x0  }
0x46: {  	s0 =	simm.s32 $0x1400;
	[sflag:s22] =	ssyncadd.s32 $0xFFFFC000  }
0x47: {  	[spmem:s4] =	stream.indirect.scatter.add.f32 [tilespmem:s17], [sflag:$0x3], $0x80, s0, s20, $0xb8;
	[tilespmem:$0x1E800] =	vst v63  }
0x48: {  	_ =	swait.ge [sflag:s18], $0x4000  }
0x49: {  	[sflag:s18] =	ssyncset.done $0x0  }
0x4a: {  	s0 =	simm.s32 $0x100;
	[sflag:s18] =	ssyncadd.s32 $0xFFFFC000  }
0x4b: {  	[tilespmem:s17], [sflag:$0x1] =	stream.indirect.gather [hbm4b:s2+s20], $0x80, s0, s20, $0xb8;
	[tilespmem:$0x1E800] =	vst v63  }
0x4c: {  	_ =	swait.ge [sflag:s23], $0x4000  }
0x4d: {  	[sflag:s23] =	ssyncset.done $0x0  }
0x4e: {  	s0 =	simm.s32 $0x1480;
	[sflag:s23] =	ssyncadd.s32 $0xFFFFC000  }
0x4f: {  	[spmem:s4] =	stream.indirect.scatter.add.f32 [tilespmem:s21], [sflag:$0x3], $0x80, s0, s20, $0xb8;
	[tilespmem:$0x1E800] =	vst v63  }
0x50: {  	_ =	swait.ge [sflag:s18], $0x4000  }
0x51: {  	[sflag:s18] =	ssyncset.done $0x0  }
0x52: {  	s29 =	simm.s32 $0x400;
	s31 =	simm.s32 $0x180;
	[sflag:s18] =	ssyncadd.s32 $0xFFFFC000  }
.LBB2_6:
0x53: {  	[tilespmem:s21], [sflag:$0x2] =	stream.indirect.gather [hbm4b:s2+s20], $0x80, s31, s20, $0xb8;
	[tilespmem:$0x1E800] =	vst v63  }
0x54: {  	s0 =	smov.u32 s29  }
0x55: {  	p1 =	sne.s32 s29, $0x4800;
	s29 =	sadd.s32 $0x400, s29;
	_ =	swait.ge [sflag:s22], $0x4000  }
0x56: {  	s0 =	sshra.s32 s0, $0x2;
	[sflag:s22] =	ssyncset.done $0x0  }
0x57: {  	s31 =	sadd.s32 $0x1400, s0;
	[sflag:s22] =	ssyncadd.s32 $0xFFFFC000  }
0x58: {  	[spmem:s4] =	stream.indirect.scatter.add.f32 [tilespmem:s17], [sflag:$0x3], $0x80, s31, s20, $0xb8;
	[tilespmem:$0x1E800] =	vst v63  }
0x59: {  	_ =	swait.ge [sflag:s18], $0x4000  }
0x5a: {  	[sflag:s18] =	ssyncset.done $0x0  }
0x5b: {  	s31 =	sadd.s32 $0x100, s0;
	[sflag:s18] =	ssyncadd.s32 $0xFFFFC000  }
0x5c: {  	[tilespmem:s17], [sflag:$0x1] =	stream.indirect.gather [hbm4b:s2+s20], $0x80, s31, s20, $0xb8;
	[tilespmem:$0x1E800] =	vst v63  }
0x5d: {  	_ =	swait.ge [sflag:s23], $0x4000  }
0x5e: {  	[sflag:s23] =	ssyncset.done $0x0  }
.Ltmp3:
0x5f: {  	s31 =	sadd.s32 $0x1480, s0;
	[sflag:s23] =	ssyncadd.s32 $0xFFFFC000;
	(pc) =	sbr.rel @p1 .LBB2_6-.Ltmp3, $4  }
0x60: {  	[spmem:s4] =	stream.indirect.scatter.add.f32 [tilespmem:s21], [sflag:$0x3], $0x80, s31, s20, $0xb8;
	[tilespmem:$0x1E800] =	vst v63  }
0x61: {  	_ =	swait.ge [sflag:s18], $0x4000  }
0x62: {  	[sflag:s18] =	ssyncset.done $0x0  }
0x63: {  	s31 =	sadd.s32 $0x180, s0;
	[sflag:s18] =	ssyncadd.s32 $0xFFFFC000  }
0x64: {  	[tilespmem:s21], [sflag:$0x2] =	stream.indirect.gather [hbm4b:s2+s20], $0x80, s31, s20, $0xb8;
	[tilespmem:$0x1E800] =	vst v63  }
0x65: {  	_ =	swait.ge [sflag:s22], $0x4000  }
0x66: {  	[sflag:s22] =	ssyncset.done $0x0  }
0x67: {  	[sflag:s22] =	ssyncadd.s32 $0xFFFFC000  }
0x68: {  	[spmem:s4] =	stream.indirect.scatter.add.f32 [tilespmem:s17], [sflag:$0x3], $0x80, s24, s20, $0xb8;
	[tilespmem:$0x1E800] =	vst v63  }
0x69: {  	_ =	swait.ge [sflag:s18], $0x4000  }
0x6a: {  	[sflag:s18] =	ssyncset.done $0x0  }
0x6b: {  	[sflag:s18] =	ssyncadd.s32 $0xFFFFC000  }
0x6c: {  	_ =	swait.ge [sflag:s23], $0x4000  }
0x6d: {  	s30 =	sadd.s32 $0x1, s30;
	[sflag:s23] =	ssyncset.done $0x0  }
0x6e: {  	p1 =	sne.s32 s30, $0x4;
	[sflag:s23] =	ssyncadd.s32 $0xFFFFC000  }
0x6f: {  	[spmem:s4] =	stream.indirect.scatter.add.f32 [tilespmem:s21], [sflag:$0x3], $0x80, s26, s20, $0xb8;
	[tilespmem:$0x1E800] =	vst v63  }
.Ltmp4:
0x70: {  	_ = 	snop;
	(pc) =	sbr.rel @p1 .LBB2_5-.Ltmp4, $4  }
.Ltmp5:
0x71: {  	_ = 	snop;
	(pc) =	sbr.rel @!p1 .LBB2_8-.Ltmp5, $4  }
0x72: {  	_ =	swait.ge [sflag:s18], $0x4000  }
0x73: {  	[sflag:s18] =	ssyncset.done $0x0  }
0x74: {  	[sflag:s18] =	ssyncadd.s32 $0xFFFFC000  }
0x75: {  	_ = 	snop  }
.LBB2_2:
0x76: {  	s30 =	smul.u32 $0x28, s29;
	_ =	sdelay $0x1  }
0x77: {  	s30 =	sadd.s32 s10, s30  }
0x78: {  	s30 =	sshll.u32 s30, $0x4  }
0x79: {  	s0 =	simm.s32 $0x0;
	s31 =	sadd.s32 s7, s30  }
0x7a: {  	[tilespmem:s0], [sflag:$0x3] =	stream.linear.gather [hbm4b:s31+s0], $0x1400, $0x38;
	[tilespmem:$0x1E800] =	vst v63  }
0x7b: {  	_ =	swait.ge [sflag:s18], $0x1400  }
0x7c: {  	[sflag:s18] =	ssyncset.done $0x0  }
0x7d: {  	s30 =	sadd.s32 s8, s30;
	[sflag:s18] =	ssyncadd.s32 $0xFFFFEC00  }
0x7e: {  	[tilespmem:s19], [sflag:$0x3] =	stream.linear.gather [hbm4b:s30+s0], $0x1400, $0x38;
	[tilespmem:$0x1E800] =	vst v63  }
0x7f: {  	_ =	swait.ge [sflag:s18], $0x1400  }
0x80: {  	[sflag:s18] =	ssyncset.done $0x0  }
0x81: {  	[sflag:s18] =	ssyncadd.s32 $0xFFFFEC00  }
0x82: {  	[tilespmem:s17], [sflag:$0x1] =	stream.indirect.gather [hbm4b:s1+s20], $0x80, s0, s20, $0xb8;
	[tilespmem:$0x1E800] =	vst v63  }
0x83: {  	_ = 	snop  }
0x84: {  	[tilespmem:s21], [sflag:$0x2] =	stream.indirect.gather [hbm4b:s1+s20], $0x80, s20, s20, $0xb8;
	[tilespmem:$0x1E800] =	vst v63  }
0x85: {  	_ =	swait.ge [sflag:s22], $0x4000  }
0x86: {  	[sflag:s22] =	ssyncset.done $0x0  }
0x87: {  	s0 =	simm.s32 $0x1400;
	[sflag:s22] =	ssyncadd.s32 $0xFFFFC000  }
0x88: {  	[spmem:s4] =	stream.indirect.scatter.add.f32 [tilespmem:s17], [sflag:$0x3], $0x80, s0, s20, $0xb8;
	[tilespmem:$0x1E800] =	vst v63  }
0x89: {  	_ =	swait.ge [sflag:s18], $0x4000  }
0x8a: {  	[sflag:s18] =	ssyncset.done $0x0  }
0x8b: {  	s0 =	simm.s32 $0x100;
	[sflag:s18] =	ssyncadd.s32 $0xFFFFC000  }
0x8c: {  	[tilespmem:s17], [sflag:$0x1] =	stream.indirect.gather [hbm4b:s1+s20], $0x80, s0, s20, $0xb8;
	[tilespmem:$0x1E800] =	vst v63  }
0x8d: {  	_ =	swait.ge [sflag:s23], $0x4000  }
0x8e: {  	[sflag:s23] =	ssyncset.done $0x0  }
0x8f: {  	s0 =	simm.s32 $0x1480;
	[sflag:s23] =	ssyncadd.s32 $0xFFFFC000  }
0x90: {  	[spmem:s4] =	stream.indirect.scatter.add.f32 [tilespmem:s21], [sflag:$0x3], $0x80, s0, s20, $0xb8;
	[tilespmem:$0x1E800] =	vst v63  }
0x91: {  	_ =	swait.ge [sflag:s18], $0x4000  }
0x92: {  	[sflag:s18] =	ssyncset.done $0x0  }
0x93: {  	s31 =	simm.s32 $0x180;
	s30 =	simm.s32 $0x400;
	[sflag:s18] =	ssyncadd.s32 $0xFFFFC000  }
.LBB2_3:
0x94: {  	[tilespmem:s21], [sflag:$0x2] =	stream.indirect.gather [hbm4b:s1+s20], $0x80, s31, s20, $0xb8;
	[tilespmem:$0x1E800] =	vst v63  }
0x95: {  	s0 =	smov.u32 s30  }
0x96: {  	p1 =	sne.s32 s30, $0x4800;
	s30 =	sadd.s32 $0x400, s30;
	_ =	swait.ge [sflag:s22], $0x4000  }
0x97: {  	s0 =	sshra.s32 s0, $0x2;
	[sflag:s22] =	ssyncset.done $0x0  }
0x98: {  	s31 =	sadd.s32 $0x1400, s0;
	[sflag:s22] =	ssyncadd.s32 $0xFFFFC000  }
0x99: {  	[spmem:s4] =	stream.indirect.scatter.add.f32 [tilespmem:s17], [sflag:$0x3], $0x80, s31, s20, $0xb8;
	[tilespmem:$0x1E800] =	vst v63  }
0x9a: {  	_ =	swait.ge [sflag:s18], $0x4000  }
0x9b: {  	[sflag:s18] =	ssyncset.done $0x0  }
0x9c: {  	s31 =	sadd.s32 $0x100, s0;
	[sflag:s18] =	ssyncadd.s32 $0xFFFFC000  }
0x9d: {  	[tilespmem:s17], [sflag:$0x1] =	stream.indirect.gather [hbm4b:s1+s20], $0x80, s31, s20, $0xb8;
	[tilespmem:$0x1E800] =	vst v63  }
0x9e: {  	_ =	swait.ge [sflag:s23], $0x4000  }
0x9f: {  	[sflag:s23] =	ssyncset.done $0x0  }
.Ltmp6:
0xa0: {  	s31 =	sadd.s32 $0x1480, s0;
	[sflag:s23] =	ssyncadd.s32 $0xFFFFC000;
	(pc) =	sbr.rel @p1 .LBB2_3-.Ltmp6, $4  }
0xa1: {  	[spmem:s4] =	stream.indirect.scatter.add.f32 [tilespmem:s21], [sflag:$0x3], $0x80, s31, s20, $0xb8;
	[tilespmem:$0x1E800] =	vst v63  }
0xa2: {  	_ =	swait.ge [sflag:s18], $0x4000  }
0xa3: {  	[sflag:s18] =	ssyncset.done $0x0  }
0xa4: {  	s31 =	sadd.s32 $0x180, s0;
	[sflag:s18] =	ssyncadd.s32 $0xFFFFC000  }
0xa5: {  	[tilespmem:s21], [sflag:$0x2] =	stream.indirect.gather [hbm4b:s1+s20], $0x80, s31, s20, $0xb8;
	[tilespmem:$0x1E800] =	vst v63  }
0xa6: {  	_ =	swait.ge [sflag:s22], $0x4000  }
0xa7: {  	[sflag:s22] =	ssyncset.done $0x0  }
0xa8: {  	[sflag:s22] =	ssyncadd.s32 $0xFFFFC000  }
0xa9: {  	[spmem:s4] =	stream.indirect.scatter.add.f32 [tilespmem:s17], [sflag:$0x3], $0x80, s24, s20, $0xb8;
	[tilespmem:$0x1E800] =	vst v63  }
0xaa: {  	_ =	swait.ge [sflag:s18], $0x4000  }
0xab: {  	[sflag:s18] =	ssyncset.done $0x0  }
0xac: {  	[sflag:s18] =	ssyncadd.s32 $0xFFFFC000  }
0xad: {  	_ =	swait.ge [sflag:s23], $0x4000  }
0xae: {  	s29 =	sadd.s32 $0x1, s29;
	[sflag:s23] =	ssyncset.done $0x0  }
0xaf: {  	p1 =	seq.s32 s29, $0x4;
	[sflag:s23] =	ssyncadd.s32 $0xFFFFC000  }
0xb0: {  	[spmem:s4] =	stream.indirect.scatter.add.f32 [tilespmem:s21], [sflag:$0x3], $0x80, s26, s20, $0xb8;
	[tilespmem:$0x1E800] =	vst v63  }
.Ltmp7:
0xb1: {  	_ = 	snop;
	(pc) =	sbr.rel @!p1 .LBB2_2-.Ltmp7, $4  }
.Ltmp8:
0xb2: {  	_ = 	snop;
	(pc) =	sbr.rel @p1 .LBB2_8-.Ltmp8, $4  }
0xb3: {  	_ =	swait.ge [sflag:s18], $0x4000  }
0xb4: {  	[sflag:s18] =	ssyncset.done $0x0  }
0xb5: {  	[sflag:s18] =	ssyncadd.s32 $0xFFFFC000  }
0xb6: {  	_ = 	snop  }
.LBB2_9:
0xb7: {  	_ =	sfence.sel $0x180000  }
0xb8: {  	[bflag:$0x0] =	sbarrier.arrive $0xFFFF  }
0xb9: {  	_ =	strace $0x90000047  }
0xba: {  	[bflag:$0x2] =	sbarrier.arrive $0xFFFF  }
0xbb: {  	p0 =	sne.s32 s5, $0x0;
	s0 =	rddreg [dreg:$0x5]  }
0xbc: {  	s0 =	sadd.s32 @!p0 $0x100000, s0  }
0xbd: {  	[sflag:s0] =	ssyncadd.tile.s32 @!p0 $0x1;
	_ =	shalt  }
.Lfunc_end2:
_tile_overlayer_lowered:
.L_overlay_start_2:
0xbe: {  	(tag) =	ssettag $0x2  }
0xbf: {  	s0 =	rddreg [dreg:$0x0];
	s2 =	stileid.u32  }
0xc0: {  	s1 =	rddreg [dreg:$0x1];
	p0 =	sne.s32 s2, $0x0  }
0xc1: {  	s3 =	rddreg [dreg:$0x2];
	[bflag:$0x3] =	sbarrier.arrive $0xFFFF;
	s2 =	simm.s32 @!p0 $0x1C03  }
0xc2: {  	[timem:s3], [sflag:s2] =	dma.local @!p0 [hbm:s0], s1  }
0xc3: {  	s0 =	simm.s32 @!p0 $0x3  }
0xc4: {  	_ =	swait.ge @!p0 [sflag:s0], s1  }
0xc5: {  	s1 =	ssub.s32 @!p0 $0x0, s1;
	[sflag:s0] =	ssyncset.done @!p0 $0x0  }
0xc6: {  	[sflag:s0] =	ssyncadd.s32 @!p0 s1  }
0xc7: {  	[bflag:$0x3] =	sbarrier.arrive $0xFFFF  }
0xc8: {  	_ =	shalt  }

// kernel: kernel.17.cloned.1.call-start
scs
__scs_entry_jumppad:
0x0: {  	(pc) =	sbr.rel $0x88, $3  }
0x1: {  	(tag) =	ssettag $0x0;
	lr =	simm.s32 $0x1  }
0x2: {  	[smem:$0x3F90] =	sst lr;
	_ =	strace $0xD0000000  }
0x3: {  	_ = 	snop  }
0x4: {  	_ = 	snop  }
0x5: {  	_ = 	snop  }
0x6: {  	_ = 	snop  }
0x7: {  	_ = 	snop  }
__scs_overlays_trampoline_lowered:
0x8: {  	[smem:$0x3F9F] =	sst s0  }
0x9: {  	[smem:$0x3FA0] =	sst s1  }
0xa: {  	[smem:$0x3FA1] =	sst s2  }
0xb: {  	[smem:$0x3FA2] =	sst s3  }
0xc: {  	[smem:$0x3FA3] =	sst s4  }
0xd: {  	[smem:$0x3FA4] =	sst s5  }
0xe: {  	[smem:$0x3FA5] =	sst s6  }
0xf: {  	[smem:$0x3FA6] =	sst s7  }
0x10: {  	[smem:$0x3FA7] =	sst s8  }
0x11: {  	[smem:$0x3FA8] =	sst s9;
	s0 =	simm.s32 @!p0 $0x0  }
0x12: {  	s1 =	sld [smem:$0x3F8E];
	s0 =	simm.s32 @p0 $0x1  }
0x13: {  	[smem:$0x3FA9] =	sst s0;
	s0 =	simm.s32 @!p1 $0x0  }
0x14: {  	s2 =	sld [smem:$0x3F8D];
	s0 =	simm.s32 @p1 $0x1  }
0x15: {  	[smem:$0x3FAA] =	sst s0;
	s0 =	simm.s32 @!p2 $0x0  }
0x16: {  	s3 =	sld [smem:$0x3FDB];
	s0 =	simm.s32 @p2 $0x1  }
0x17: {  	s4 =	simm.s32 $0x1BF5;
	[smem:$0x3FAC] =	sst s0  }
0x18: {  	s0 =	sld [smem:$0x3F8F];
	_ =	swait.ge [sflag:s4], $0x0  }
0x19: {  	s7 =	sld [smem:$0x3F90]  }
0x1a: {  	s8 =	sadd.s32 $0xFFFFE003, lr  }
0x1b: {  	s9 =	sadd.s32 $0xFFFFFEF7, lr;
	s5 =	simm.s32 $0xFFFFFFFF;
	p2 =	slt.u32 s8, $0xFFFFF086  }
0x1c: {  	p1 =	slt.u32 s9, $0xF7A;
	s5 =	simm.s32 @!p2 $0x0  }
0x1d: {  	s5 =	simm.s32 @p1 $0x1;
	p0 =	seq.s32 s7, s2  }
0x1e: {  	s7 =	smul.u32 @!p0 $0xF7A, s2;
	p2 =	seq.s32 @!p0 s5, $0x0  }
0x1f: {  	s9 =	smul.u32 $0xF7A, s1;
	s8 =	simm.s32 @!p0 $0x1BF5;
	p2 =	por !p2, p0  }
0x20: {  	[sflag:s8] =	ssyncset.s32 @!p0 $0xFFFFF086;
	s6 =	sadd.s32 @!p0 s3, s7;
	s7 =	simm.s32 @!p0 $0x108  }
0x21: {  	s3 =	sadd.s32 s3, s9;
	s6 =	sadd.s32 @!p0 $0x88, s6;
	s7 =	simm.s32 @p2 $0x1082  }
0x22: {  	[simem:s7], [sflag:s8] =	dma.local @!p0 [hbm:s6], $0xF7A  }
0x23: {  	s9 =	sor.u32 $0xD0000000, s2;
	s6 =	simm.s32 $0x108;
	_ =	swait.ge @!p0 [sflag:s8], $0x0  }
0x24: {  	s3 =	sadd.s32 $0x88, s3;
	s6 =	simm.s32 @!p1 $0x1082;
	[sflag:s4] =	ssyncset.s32 $0xFFFFF086  }
0x25: {  	[simem:s6], [sflag:s4] =	dma.local [hbm:s3], $0xF7A  }
0x26: {  	[smem:$0x3F90] =	sst s1;
	(tag) =	ssettag s2;
	_ =	strace s9  }
0x27: {  	s1 =	sld [smem:$0x3FA0]  }
0x28: {  	s2 =	sld [smem:$0x3FA1]  }
0x29: {  	s4 =	sld [smem:$0x3FA3]  }
0x2a: {  	p0 =	seq.s32 s5, $0x0;
	s5 =	sld [smem:$0x3FA4]  }
0x2b: {  	s6 =	sld [smem:$0x3FA5]  }
0x2c: {  	s7 =	sld [smem:$0x3FA6]  }
0x2d: {  	s3 =	simm.s32 $0x108;
	s8 =	sld [smem:$0x3FA7]  }
0x2e: {  	s3 =	simm.s32 @!p0 $0x1082;
	s9 =	sld [smem:$0x3FA8]  }
0x2f: {  	lr =	sadd.s32 s0, s3;
	s0 =	sld [smem:$0x3F9F]  }
0x30: {  	s3 =	sld [smem:$0x3FA2]  }
0x31: {  	[smem:$0x3FAB] =	sst s10  }
0x32: {  	s10 =	sld [smem:$0x3FA9];
	_ =	sdelay $0x3  }
0x33: {  	p0 =	seq.s32 s10, $0x1;
	s10 =	sld [smem:$0x3FAB];
	_ =	sdelay $0x3  }
0x34: {  	[smem:$0x3FAB] =	sst s10  }
0x35: {  	s10 =	sld [smem:$0x3FAA];
	_ =	sdelay $0x3  }
0x36: {  	p1 =	seq.s32 s10, $0x1;
	s10 =	sld [smem:$0x3FAB];
	_ =	sdelay $0x3  }
0x37: {  	[smem:$0x3FAB] =	sst s10  }
0x38: {  	s10 =	sld [smem:$0x3FAC]  }
0x39: {  	_ = 	snop;
	(pc) =	sbr.ind lr, $3  }
0x3a: {  	_ = 	snop  }
0x3b: {  	_ = 	snop  }
0x3c: {  	p2 =	seq.s32 s10, $0x1;
	s10 =	sld [smem:$0x3FAB]  }
0x3d: {  	_ =	shalt  }
0x3e: {  	_ =	shalt  }
0x3f: {  	_ =	shalt  }
0x40: {  	_ =	shalt  }
0x41: {  	_ =	shalt  }
0x42: {  	_ =	shalt  }
0x43: {  	_ =	shalt  }
0x44: {  	_ =	shalt  }
0x45: {  	_ =	shalt  }
0x46: {  	_ =	shalt  }
0x47: {  	_ =	shalt  }
0x48: {  	_ =	shalt  }
0x49: {  	_ =	shalt  }
0x4a: {  	_ =	shalt  }
0x4b: {  	_ =	shalt  }
0x4c: {  	_ =	shalt  }
0x4d: {  	_ =	shalt  }
0x4e: {  	_ =	shalt  }
0x4f: {  	_ =	shalt  }
0x50: {  	_ =	shalt  }
0x51: {  	_ =	shalt  }
0x52: {  	_ =	shalt  }
0x53: {  	_ =	shalt  }
0x54: {  	_ =	shalt  }
0x55: {  	_ =	shalt  }
0x56: {  	_ =	shalt  }
0x57: {  	_ =	shalt  }
0x58: {  	_ =	shalt  }
0x59: {  	_ =	shalt  }
0x5a: {  	_ =	shalt  }
0x5b: {  	_ =	shalt  }
0x5c: {  	_ =	shalt  }
0x5d: {  	_ =	shalt  }
0x5e: {  	_ =	shalt  }
0x5f: {  	_ =	shalt  }
0x60: {  	_ =	shalt  }
0x61: {  	_ =	shalt  }
0x62: {  	_ =	shalt  }
0x63: {  	_ =	shalt  }
0x64: {  	_ =	shalt  }
0x65: {  	_ =	shalt  }
0x66: {  	_ =	shalt  }
0x67: {  	_ =	shalt  }
0x68: {  	_ =	shalt  }
0x69: {  	_ =	shalt  }
0x6a: {  	_ =	shalt  }
0x6b: {  	_ =	shalt  }
0x6c: {  	_ =	shalt  }
0x6d: {  	_ =	shalt  }
0x6e: {  	_ =	shalt  }
0x6f: {  	_ =	shalt  }
0x70: {  	_ =	shalt  }
0x71: {  	_ =	shalt  }
0x72: {  	_ =	shalt  }
0x73: {  	_ =	shalt  }
0x74: {  	_ =	shalt  }
0x75: {  	_ =	shalt  }
0x76: {  	_ =	shalt  }
0x77: {  	_ =	shalt  }
0x78: {  	_ =	shalt  }
0x79: {  	_ =	shalt  }
0x7a: {  	_ =	shalt  }
0x7b: {  	_ =	shalt  }
0x7c: {  	_ =	shalt  }
0x7d: {  	_ =	shalt  }
0x7e: {  	_ =	shalt  }
0x7f: {  	_ =	shalt  }
0x80: {  	_ =	shalt  }
0x81: {  	_ =	shalt  }
0x82: {  	_ =	shalt  }
0x83: {  	_ =	shalt  }
0x84: {  	_ =	shalt  }
0x85: {  	_ =	shalt  }
0x86: {  	_ =	shalt  }
0x87: {  	_ =	shalt  }
.Lfunc_end0:
.L_simem_size_0:
called_computation.2_lowered:
.L_overlay_start_0:
0x88: {  	s2 =	sld [smem:$0x3FD9]  }
0x89: {  	s3 =	sld [smem:$0x3FFE];
	_ =	sdelay $0x1  }
0x8a: {  	s1 =	srdreg.scid  }
0x8b: {  	s0 =	sand.u32 $0x1, s1  }
0x8c: {  	s17 =	sshll.u32 s0, $0xA;
	s2 =	sadd.s32 s3, s2  }
0x8d: {  	s2 =	sadd.s32 s2, s17  }
0x8e: {  	[smem:$0x3FB7] =	sst s2  }
0x8f: {  	_ = 	snop  }
0x90: {  	s2 =	sld [smem:$0x3FD0];
	(tm) =	ssettm $0x1  }
0x91: {  	s18 =	sld [smem:$0x3FFB];
	_ =	sdelay $0x3  }
0x92: {  	_ =	strace s18  }
0x93: {  	s3 =	sld [smem:$0x3FFC];
	_ =	sdelay $0x3  }
0x94: {  	_ =	strace s3  }
0x95: {  	s3 =	sld [smem:$0x3FFD];
	_ =	sdelay $0x3  }
0x96: {  	_ =	strace s3  }
0x97: {  	_ =	strace $0x8FFFFFFF  }
0x98: {  	s19 =	sld [smem:$0x3FDB];
	_ =	sdelay $0x1  }
0x99: {  	s4 =	simm.s32 $_scs_section_size  }
0x9a: {  	s5 =	simm.s32 $_size__tile_overlayer_lowered;
	s6 =	simm.s32 $_tile_overlayer_lowered  }
0x9b: {  	s22 =	simm.s32 $0x1BFF;
	s21 =	sshll.u32 s6, $0x1;
	s3 =	sadd.s32 s4, s19  }
0x9c: {  	s7 =	simm.s32 $0x0;
	s20 =	sshll.u32 s5, $0x1;
	s5 =	sadd.s32 s21, s3  }
0x9d: {  	[timem:s7], [sflag:s22] =	dma.local [hbm:s5], s20  }
0x9e: {  	_ =	swait.ge [sflag:s22], s20  }
0x9f: {  	s4 =	ssub.s32 $0x0, s20;
	[sflag:s22] =	ssyncset.done $0x0  }
0xa0: {  	[sflag:s22] =	ssyncadd.s32 s4;
	_ =	sdelay $0x1  }
0xa1: {  	s23 =	simm.s32 $0x1B8B  }
0xa2: {  	_ =	swait.ge [sflag:s23], $0x1  }
0xa3: {  	[sflag:s23] =	ssyncset.done $0x0  }
0xa4: {  	s25 =	simm.s32 $0x1B8E;
	s24 =	sld [smem:$0x3FFE];
	[sflag:s23] =	ssyncadd.s32 $0xFFFFFFFF  }
0xa5: {  	s26 =	simm.s32 $execute0_lowered;
	[smem:$0x3FD2] =	sst s25  }
0xa6: {  	s5 =	sshll.u32 s26, $0x1;
	_ =	strace $0x8000004C;
	[dreg:$0x1] =	wrdreg $0xFFFFFFFF  }
0xa7: {  	s28 =	simm.s32 $_size_execute0_lowered;
	s3 =	sadd.s32 s3, s5;
	[dreg:$0x0] =	wrdreg $0x0  }
0xa8: {  	s5 =	sshll.u32 s28, $0x1;
	[dreg:$0x2] =	wrdreg s3  }
0xa9: {  	[dreg:$0x3] =	wrdreg s5  }
0xaa: {  	[dreg:$0x4] =	wrdreg $0xC0  }
0xab: {  	_ =	task [dreg:s7], $0x5FFFF  }
0xac: {  	[dreg:$0x1] =	wrdreg $0xFFFFFFFF  }
0xad: {  	[dreg:$0x0] =	wrdreg $0x60  }
0xae: {  	[dreg:$0x2] =	wrdreg s24  }
0xaf: {  	[dreg:$0x3] =	wrdreg s2  }
0xb0: {  	[dreg:$0x4] =	wrdreg $0xA8000  }
0xb1: {  	[dreg:$0x5] =	wrdreg $0x9  }
0xb2: {  	_ =	task.clear_ibuf [dreg:s7], $0x6FFFF;
	_ =	strace $0x9000004C  }
0xb3: {  	s29 =	simm.s32 $0x9;
	_ =	strace $0x8000004E  }
0xb4: {  	_ =	swait.ge [sflag:s29], $0x1  }
0xb5: {  	[sflag:s29] =	ssyncadd.s32 $0xFFFFFFFF  }
0xb6: {  	_ =	strace $0x9000004E  }
0xb7: {  	_ =	sfence  }
0xb8: {  	s30 =	sld [smem:$0x0];
	_ =	sdelay $0x2  }
0xb9: {  	s31 =	sshll.u32 s1, $0xD;
	s1 =	sshrl.u32 s1, $0x2  }
0xba: {  	s3 =	sand.u32 $0x4000, s31;
	s1 =	sadd.s32 s1, s30  }
0xbb: {  	s0 =	sor.u32 s3, s0;
	s1 =	sshll.u32 s1, $0x11  }
0xbc: {  	s0 =	sor.u32 s1, s0  }
0xbd: {  	s0 =	sadd.s32 $0x8F2B, s0  }
0xbe: {  	[sflag:s0] =	ssyncadd.remote.s32 $0x1  }
0xbf: {  	_ =	sfence.sel $0xFFFF  }
0xc0: {  	[dreg:$0x0] =	wrdreg $0xFFFFFFFF;
	(pc) =	sbr.abs _section_cstart, $3  }
0xc1: {  	[dreg:$0x1] =	wrdreg $0xFFFFFFFF  }
0xc2: {  	_ =	task.clear_ibuf [dreg:s7], $0x2FFFF;
	_ =	strace $0x9FFFFFFF  }
0xc3: {  	(tm) =	ssettm $0x7FFFFFFF  }
tec
execute0_lowered:
.L_overlay_start_1:
0x0: {  	(tag) =	ssettag $0x1  }
0x1: {  	s9 =	rddreg [dreg:$0x0]  }
0x2: {  	s1 =	rddreg [dreg:$0x1]  }
0x3: {  	s2 =	rddreg [dreg:$0x2]  }
0x4: {  	s4 =	simm.s32 $0x0;
	s3 =	srdreg.scid;
	s17 =	simm.s32 $0x2800  }
0x5: {  	s18 =	simm.s32 $0x3;
	s19 =	simm.s32 $0x1400;
	s20 =	simm.s32 $0x80  }
0x6: {  	s21 =	simm.s32 $0x6800;
	s22 =	simm.s32 $0x1;
	s23 =	simm.s32 $0x2  }
0x7: {  	s24 =	simm.s32 $0x2700;
	s26 =	simm.s32 $0x2780;
	s28 =	simm.s32 $0x0  }
0x8: {  	[smem:$0x7FF] =	sst s4;
	s11 =	sand.u32 $0x1, s3;
	s3 =	stileid.u32  }
0x9: {  	s5 =	sadd.s32 $0x55400, s9;
	s6 =	sadd.s32 $0x7C600, s9;
	s8 =	smul.u32 $0x140000, s11  }
0xa: {  	s7 =	sadd.s32 $0x19400, s9;
	_ =	strace $0x8000004D;
	s10 =	smul.u32 $0x14000, s3  }
0xb: {  	s12 =	ssub.s32 $0x2, s11;
	s13 =	smul.u32 $0x50000, s3;
	s25 =	sshll.u32 s3, $0x6  }
0xc: {  	p0 =	seq.s32 s11, $0x1;
	s14 =	sshrl.u32 s12, $0x1;
	s25 =	sor.u32 $0x1C03, s25  }
.Ltmp0:
0xd: {  	s10 =	sadd.s32 s10, s8;
	s8 =	sadd.s32 $0x5400, s9;
	(pc) =	sbr.rel .LBB2_1-.Ltmp0, $4  }
0xe: {  	s12 =	ssub.s32 s12, s14;
	s31 =	sshrl.u32 s13, $0x2;
	s10 =	sshrl.u32 s10, $0x3  }
0xf: {  	s12 =	smax.u32 s12, $0x1;
	s15 =	sadd.s32 s10, s9;
	s9 =	sadd.s32 s31, s2  }
0x10: {  	s10 =	smul.u32 $0xA0, s3;
	s11 =	sadd.s32 $0xA3800, s15;
	s13 =	sadd.s32 $0x4000, s9  }
0x11: {  	s14 =	sadd.s32 $0x8000, s9;
	s15 =	sadd.s32 $0xC000, s9;
	s16 =	sadd.s32 $0x10000, s9  }
.LBB2_8:
0x12: {  	s28 =	sadd.s32 $0x1, s28  }
0x13: {  	p1 =	sne.s32 s28, s12  }
.Ltmp1:
0x14: {  	[bflag:$0x0] =	sbarrier.arrive $0xFFFF;
	s0 =	sshrl.u32 s9, $0x3;
	(pc) =	sbr.rel @!p1 .LBB2_9-.Ltmp1, $4  }
0x15: {  	[hbm:s11], [sflag:s25] =	dma.local [spmem:s0], $0x2800  }
0x16: {  	_ =	swait.ge [sflag:s18], $0x2800  }
0x17: {  	[sflag:s18] =	ssyncset.done $0x0  }
0x18: {  	[sflag:s18] =	ssyncadd.s32 $0xFFFFD800  }
.LBB2_1:
0x19: {  	[tilespmem:s17], [sflag:$0x3] =	stream.linear.gather [hbm4b:s1+s4], $0x4000, $0x38;
	[tilespmem:$0x1E800] =	vst v63  }
0x1a: {  	_ =	swait.ge [sflag:s18], $0x4000  }
0x1b: {  	[sflag:s18] =	ssyncset.done $0x0  }
0x1c: {  	[sflag:s18] =	ssyncadd.s32 $0xFFFFC000  }
0x1d: {  	[spmem:s9] =	stream.linear.scatter [tilespmem:s17], [sflag:$0x3], $0x4000, $0x38;
	[tilespmem:$0x1E800] =	vst v63  }
0x1e: {  	_ =	swait.ge [sflag:s18], $0x4000  }
0x1f: {  	[sflag:s18] =	ssyncset.done $0x0  }
0x20: {  	[sflag:s18] =	ssyncadd.s32 $0xFFFFC000  }
0x21: {  	[spmem:s13] =	stream.linear.scatter [tilespmem:s17], [sflag:$0x3], $0x4000, $0x38;
	[tilespmem:$0x1E800] =	vst v63  }
0x22: {  	_ =	swait.ge [sflag:s18], $0x4000  }
0x23: {  	[sflag:s18] =	ssyncset.done $0x0  }
0x24: {  	[sflag:s18] =	ssyncadd.s32 $0xFFFFC000  }
0x25: {  	[spmem:s14] =	stream.linear.scatter [tilespmem:s17], [sflag:$0x3], $0x4000, $0x38;
	[tilespmem:$0x1E800] =	vst v63  }
0x26: {  	_ =	swait.ge [sflag:s18], $0x4000  }
0x27: {  	[sflag:s18] =	ssyncset.done $0x0  }
0x28: {  	[sflag:s18] =	ssyncadd.s32 $0xFFFFC000  }
0x29: {  	[spmem:s15] =	stream.linear.scatter [tilespmem:s17], [sflag:$0x3], $0x4000, $0x38;
	[tilespmem:$0x1E800] =	vst v63  }
0x2a: {  	_ =	swait.ge [sflag:s18], $0x4000  }
0x2b: {  	[sflag:s18] =	ssyncset.done $0x0  }
0x2c: {  	[sflag:s18] =	ssyncadd.s32 $0xFFFFC000  }
0x2d: {  	[spmem:s16] =	stream.linear.scatter [tilespmem:s17], [sflag:$0x3], $0x4000, $0x38;
	[tilespmem:$0x1E800] =	vst v63  }
.Ltmp2:
0x2e: {  	_ =	swait.ge [sflag:s18], $0x4000;
	(pc) =	sbr.rel @!p0 .LBB2_2-.Ltmp2, $4  }
0x2f: {  	[sflag:s18] =	ssyncset.done $0x0  }
0x30: {  	[sflag:s18] =	ssyncadd.s32 $0xFFFFC000  }
0x31: {  	[bflag:$0x0] =	sbarrier.arrive $0xFFFF  }
0x32: {  	s29 =	simm.s32 $0x0;
	s30 =	simm.s32 $0x0  }
.LBB2_5:
0x33: {  	s0 =	smul.u32 $0x28, s30;
	_ =	sdelay $0x1  }
0x34: {  	s0 =	sadd.s32 s10, s0  }
0x35: {  	s0 =	sshll.u32 s0, $0x4  }
0x36: {  	s0 =	sadd.s32 $0xA000, s0  }
0x37: {  	s31 =	simm.s32 $0x0;
	s29 =	sadd.s32 s7, s0  }
0x38: {  	[tilespmem:s31], [sflag:$0x3] =	stream.linear.gather [hbm4b:s29+s31], $0x1400, $0x38;
	[tilespmem:$0x1E800] =	vst v63  }
0x39: {  	_ =	swait.ge [sflag:s18], $0x1400  }
0x3a: {  	[sflag:s18] =	ssyncset.done $0x0  }
0x3b: {  	s0 =	sadd.s32 s8, s0;
	[sflag:s18] =	ssyncadd.s32 $0xFFFFEC00  }
0x3c: {  	[tilespmem:s19], [sflag:$0x3] =	stream.linear.gather [hbm4b:s0+s31], $0x1400, $0x38;
	[tilespmem:$0x1E800] =	vst v63  }
0x3d: {  	_ =	swait.ge [sflag:s18], $0x1400  }
0x3e: {  	[sflag:s18] =	ssyncset.done $0x0  }
0x3f: {  	[sflag:s18] =	ssyncadd.s32 $0xFFFFEC00  }
0x40: {  	[tilespmem:s17], [sflag:$0x1] =	stream.indirect.gather [hbm4b:s6+s20], $0x80, s31, s20, $0xb8;
	[tilespmem:$0x1E800] =	vst v63  }
0x41: {  	_ = 	snop  }
0x42: {  	[tilespmem:s21], [sflag:$0x2] =	stream.indirect.gather [hbm4b:s6+s20], $0x80, s20, s20, $0xb8;
	[tilespmem:$0x1E800] =	vst v63  }
0x43: {  	_ =	swait.ge [sflag:s22], $0x4000  }
0x44: {  	[sflag:s22] =	ssyncset.done $0x0  }
0x45: {  	s0 =	simm.s32 $0x1400;
	[sflag:s22] =	ssyncadd.s32 $0xFFFFC000  }
0x46: {  	[spmem:s2] =	stream.indirect.scatter.add.f32 [tilespmem:s17], [sflag:$0x3], $0x80, s0, s20, $0xb8;
	[tilespmem:$0x1E800] =	vst v63  }
0x47: {  	_ =	swait.ge [sflag:s18], $0x4000  }
0x48: {  	[sflag:s18] =	ssyncset.done $0x0  }
0x49: {  	s0 =	simm.s32 $0x100;
	[sflag:s18] =	ssyncadd.s32 $0xFFFFC000  }
0x4a: {  	[tilespmem:s17], [sflag:$0x1] =	stream.indirect.gather [hbm4b:s6+s20], $0x80, s0, s20, $0xb8;
	[tilespmem:$0x1E800] =	vst v63  }
0x4b: {  	_ =	swait.ge [sflag:s23], $0x4000  }
0x4c: {  	[sflag:s23] =	ssyncset.done $0x0  }
0x4d: {  	s0 =	simm.s32 $0x1480;
	[sflag:s23] =	ssyncadd.s32 $0xFFFFC000  }
0x4e: {  	[spmem:s2] =	stream.indirect.scatter.add.f32 [tilespmem:s21], [sflag:$0x3], $0x80, s0, s20, $0xb8;
	[tilespmem:$0x1E800] =	vst v63  }
0x4f: {  	_ =	swait.ge [sflag:s18], $0x4000  }
0x50: {  	[sflag:s18] =	ssyncset.done $0x0  }
0x51: {  	s29 =	simm.s32 $0x400;
	s31 =	simm.s32 $0x180;
	[sflag:s18] =	ssyncadd.s32 $0xFFFFC000  }
.LBB2_6:
0x52: {  	[tilespmem:s21], [sflag:$0x2] =	stream.indirect.gather [hbm4b:s6+s20], $0x80, s31, s20, $0xb8;
	[tilespmem:$0x1E800] =	vst v63  }
0x53: {  	s0 =	smov.u32 s29  }
0x54: {  	p1 =	sne.s32 s29, $0x4800;
	s29 =	sadd.s32 $0x400, s29;
	_ =	swait.ge [sflag:s22], $0x4000  }
0x55: {  	s0 =	sshra.s32 s0, $0x2;
	[sflag:s22] =	ssyncset.done $0x0  }
0x56: {  	s31 =	sadd.s32 $0x1400, s0;
	[sflag:s22] =	ssyncadd.s32 $0xFFFFC000  }
0x57: {  	[spmem:s2] =	stream.indirect.scatter.add.f32 [tilespmem:s17], [sflag:$0x3], $0x80, s31, s20, $0xb8;
	[tilespmem:$0x1E800] =	vst v63  }
0x58: {  	_ =	swait.ge [sflag:s18], $0x4000  }
0x59: {  	[sflag:s18] =	ssyncset.done $0x0  }
0x5a: {  	s31 =	sadd.s32 $0x100, s0;
	[sflag:s18] =	ssyncadd.s32 $0xFFFFC000  }
0x5b: {  	[tilespmem:s17], [sflag:$0x1] =	stream.indirect.gather [hbm4b:s6+s20], $0x80, s31, s20, $0xb8;
	[tilespmem:$0x1E800] =	vst v63  }
0x5c: {  	_ =	swait.ge [sflag:s23], $0x4000  }
0x5d: {  	[sflag:s23] =	ssyncset.done $0x0  }
.Ltmp3:
0x5e: {  	s31 =	sadd.s32 $0x1480, s0;
	[sflag:s23] =	ssyncadd.s32 $0xFFFFC000;
	(pc) =	sbr.rel @p1 .LBB2_6-.Ltmp3, $4  }
0x5f: {  	[spmem:s2] =	stream.indirect.scatter.add.f32 [tilespmem:s21], [sflag:$0x3], $0x80, s31, s20, $0xb8;
	[tilespmem:$0x1E800] =	vst v63  }
0x60: {  	_ =	swait.ge [sflag:s18], $0x4000  }
0x61: {  	[sflag:s18] =	ssyncset.done $0x0  }
0x62: {  	s31 =	sadd.s32 $0x180, s0;
	[sflag:s18] =	ssyncadd.s32 $0xFFFFC000  }
0x63: {  	[tilespmem:s21], [sflag:$0x2] =	stream.indirect.gather [hbm4b:s6+s20], $0x80, s31, s20, $0xb8;
	[tilespmem:$0x1E800] =	vst v63  }
0x64: {  	_ =	swait.ge [sflag:s22], $0x4000  }
0x65: {  	[sflag:s22] =	ssyncset.done $0x0  }
0x66: {  	[sflag:s22] =	ssyncadd.s32 $0xFFFFC000  }
0x67: {  	[spmem:s2] =	stream.indirect.scatter.add.f32 [tilespmem:s17], [sflag:$0x3], $0x80, s24, s20, $0xb8;
	[tilespmem:$0x1E800] =	vst v63  }
0x68: {  	_ =	swait.ge [sflag:s18], $0x4000  }
0x69: {  	[sflag:s18] =	ssyncset.done $0x0  }
0x6a: {  	[sflag:s18] =	ssyncadd.s32 $0xFFFFC000  }
0x6b: {  	_ =	swait.ge [sflag:s23], $0x4000  }
0x6c: {  	s30 =	sadd.s32 $0x1, s30;
	[sflag:s23] =	ssyncset.done $0x0  }
0x6d: {  	p1 =	sne.s32 s30, $0x4;
	[sflag:s23] =	ssyncadd.s32 $0xFFFFC000  }
0x6e: {  	[spmem:s2] =	stream.indirect.scatter.add.f32 [tilespmem:s21], [sflag:$0x3], $0x80, s26, s20, $0xb8;
	[tilespmem:$0x1E800] =	vst v63  }
.Ltmp4:
0x6f: {  	_ = 	snop;
	(pc) =	sbr.rel @p1 .LBB2_5-.Ltmp4, $4  }
.Ltmp5:
0x70: {  	_ = 	snop;
	(pc) =	sbr.rel @!p1 .LBB2_8-.Ltmp5, $4  }
0x71: {  	_ =	swait.ge [sflag:s18], $0x4000  }
0x72: {  	[sflag:s18] =	ssyncset.done $0x0  }
0x73: {  	[sflag:s18] =	ssyncadd.s32 $0xFFFFC000  }
0x74: {  	_ = 	snop  }
.LBB2_2:
0x75: {  	s30 =	smul.u32 $0x28, s29;
	_ =	sdelay $0x1  }
0x76: {  	s30 =	sadd.s32 s10, s30  }
0x77: {  	s30 =	sshll.u32 s30, $0x4  }
0x78: {  	s0 =	simm.s32 $0x0;
	s31 =	sadd.s32 s7, s30  }
0x79: {  	[tilespmem:s0], [sflag:$0x3] =	stream.linear.gather [hbm4b:s31+s0], $0x1400, $0x38;
	[tilespmem:$0x1E800] =	vst v63  }
0x7a: {  	_ =	swait.ge [sflag:s18], $0x1400  }
0x7b: {  	[sflag:s18] =	ssyncset.done $0x0  }
0x7c: {  	s30 =	sadd.s32 s8, s30;
	[sflag:s18] =	ssyncadd.s32 $0xFFFFEC00  }
0x7d: {  	[tilespmem:s19], [sflag:$0x3] =	stream.linear.gather [hbm4b:s30+s0], $0x1400, $0x38;
	[tilespmem:$0x1E800] =	vst v63  }
0x7e: {  	_ =	swait.ge [sflag:s18], $0x1400  }
0x7f: {  	[sflag:s18] =	ssyncset.done $0x0  }
0x80: {  	[sflag:s18] =	ssyncadd.s32 $0xFFFFEC00  }
0x81: {  	[tilespmem:s17], [sflag:$0x1] =	stream.indirect.gather [hbm4b:s5+s20], $0x80, s0, s20, $0xb8;
	[tilespmem:$0x1E800] =	vst v63  }
0x82: {  	_ = 	snop  }
0x83: {  	[tilespmem:s21], [sflag:$0x2] =	stream.indirect.gather [hbm4b:s5+s20], $0x80, s20, s20, $0xb8;
	[tilespmem:$0x1E800] =	vst v63  }
0x84: {  	_ =	swait.ge [sflag:s22], $0x4000  }
0x85: {  	[sflag:s22] =	ssyncset.done $0x0  }
0x86: {  	s0 =	simm.s32 $0x1400;
	[sflag:s22] =	ssyncadd.s32 $0xFFFFC000  }
0x87: {  	[spmem:s2] =	stream.indirect.scatter.add.f32 [tilespmem:s17], [sflag:$0x3], $0x80, s0, s20, $0xb8;
	[tilespmem:$0x1E800] =	vst v63  }
0x88: {  	_ =	swait.ge [sflag:s18], $0x4000  }
0x89: {  	[sflag:s18] =	ssyncset.done $0x0  }
0x8a: {  	s0 =	simm.s32 $0x100;
	[sflag:s18] =	ssyncadd.s32 $0xFFFFC000  }
0x8b: {  	[tilespmem:s17], [sflag:$0x1] =	stream.indirect.gather [hbm4b:s5+s20], $0x80, s0, s20, $0xb8;
	[tilespmem:$0x1E800] =	vst v63  }
0x8c: {  	_ =	swait.ge [sflag:s23], $0x4000  }
0x8d: {  	[sflag:s23] =	ssyncset.done $0x0  }
0x8e: {  	s0 =	simm.s32 $0x1480;
	[sflag:s23] =	ssyncadd.s32 $0xFFFFC000  }
0x8f: {  	[spmem:s2] =	stream.indirect.scatter.add.f32 [tilespmem:s21], [sflag:$0x3], $0x80, s0, s20, $0xb8;
	[tilespmem:$0x1E800] =	vst v63  }
0x90: {  	_ =	swait.ge [sflag:s18], $0x4000  }
0x91: {  	[sflag:s18] =	ssyncset.done $0x0  }
0x92: {  	s31 =	simm.s32 $0x180;
	s30 =	simm.s32 $0x400;
	[sflag:s18] =	ssyncadd.s32 $0xFFFFC000  }
.LBB2_3:
0x93: {  	[tilespmem:s21], [sflag:$0x2] =	stream.indirect.gather [hbm4b:s5+s20], $0x80, s31, s20, $0xb8;
	[tilespmem:$0x1E800] =	vst v63  }
0x94: {  	s0 =	smov.u32 s30  }
0x95: {  	p1 =	sne.s32 s30, $0x4800;
	s30 =	sadd.s32 $0x400, s30;
	_ =	swait.ge [sflag:s22], $0x4000  }
0x96: {  	s0 =	sshra.s32 s0, $0x2;
	[sflag:s22] =	ssyncset.done $0x0  }
0x97: {  	s31 =	sadd.s32 $0x1400, s0;
	[sflag:s22] =	ssyncadd.s32 $0xFFFFC000  }
0x98: {  	[spmem:s2] =	stream.indirect.scatter.add.f32 [tilespmem:s17], [sflag:$0x3], $0x80, s31, s20, $0xb8;
	[tilespmem:$0x1E800] =	vst v63  }
0x99: {  	_ =	swait.ge [sflag:s18], $0x4000  }
0x9a: {  	[sflag:s18] =	ssyncset.done $0x0  }
0x9b: {  	s31 =	sadd.s32 $0x100, s0;
	[sflag:s18] =	ssyncadd.s32 $0xFFFFC000  }
0x9c: {  	[tilespmem:s17], [sflag:$0x1] =	stream.indirect.gather [hbm4b:s5+s20], $0x80, s31, s20, $0xb8;
	[tilespmem:$0x1E800] =	vst v63  }
0x9d: {  	_ =	swait.ge [sflag:s23], $0x4000  }
0x9e: {  	[sflag:s23] =	ssyncset.done $0x0  }
.Ltmp6:
0x9f: {  	s31 =	sadd.s32 $0x1480, s0;
	[sflag:s23] =	ssyncadd.s32 $0xFFFFC000;
	(pc) =	sbr.rel @p1 .LBB2_3-.Ltmp6, $4  }
0xa0: {  	[spmem:s2] =	stream.indirect.scatter.add.f32 [tilespmem:s21], [sflag:$0x3], $0x80, s31, s20, $0xb8;
	[tilespmem:$0x1E800] =	vst v63  }
0xa1: {  	_ =	swait.ge [sflag:s18], $0x4000  }
0xa2: {  	[sflag:s18] =	ssyncset.done $0x0  }
0xa3: {  	s31 =	sadd.s32 $0x180, s0;
	[sflag:s18] =	ssyncadd.s32 $0xFFFFC000  }
0xa4: {  	[tilespmem:s21], [sflag:$0x2] =	stream.indirect.gather [hbm4b:s5+s20], $0x80, s31, s20, $0xb8;
	[tilespmem:$0x1E800] =	vst v63  }
0xa5: {  	_ =	swait.ge [sflag:s22], $0x4000  }
0xa6: {  	[sflag:s22] =	ssyncset.done $0x0  }
0xa7: {  	[sflag:s22] =	ssyncadd.s32 $0xFFFFC000  }
0xa8: {  	[spmem:s2] =	stream.indirect.scatter.add.f32 [tilespmem:s17], [sflag:$0x3], $0x80, s24, s20, $0xb8;
	[tilespmem:$0x1E800] =	vst v63  }
0xa9: {  	_ =	swait.ge [sflag:s18], $0x4000  }
0xaa: {  	[sflag:s18] =	ssyncset.done $0x0  }
0xab: {  	[sflag:s18] =	ssyncadd.s32 $0xFFFFC000  }
0xac: {  	_ =	swait.ge [sflag:s23], $0x4000  }
0xad: {  	s29 =	sadd.s32 $0x1, s29;
	[sflag:s23] =	ssyncset.done $0x0  }
0xae: {  	p1 =	seq.s32 s29, $0x4;
	[sflag:s23] =	ssyncadd.s32 $0xFFFFC000  }
0xaf: {  	[spmem:s2] =	stream.indirect.scatter.add.f32 [tilespmem:s21], [sflag:$0x3], $0x80, s26, s20, $0xb8;
	[tilespmem:$0x1E800] =	vst v63  }
.Ltmp7:
0xb0: {  	_ = 	snop;
	(pc) =	sbr.rel @!p1 .LBB2_2-.Ltmp7, $4  }
.Ltmp8:
0xb1: {  	_ = 	snop;
	(pc) =	sbr.rel @p1 .LBB2_8-.Ltmp8, $4  }
0xb2: {  	_ =	swait.ge [sflag:s18], $0x4000  }
0xb3: {  	[sflag:s18] =	ssyncset.done $0x0  }
0xb4: {  	[sflag:s18] =	ssyncadd.s32 $0xFFFFC000  }
0xb5: {  	_ = 	snop  }
.LBB2_9:
0xb6: {  	_ =	sfence.sel $0x180000  }
0xb7: {  	[bflag:$0x0] =	sbarrier.arrive $0xFFFF  }
0xb8: {  	_ =	strace $0x9000004D  }
0xb9: {  	[bflag:$0x2] =	sbarrier.arrive $0xFFFF  }
0xba: {  	p0 =	sne.s32 s3, $0x0;
	s0 =	rddreg [dreg:$0x3]  }
0xbb: {  	s0 =	sadd.s32 @!p0 $0x100000, s0  }
0xbc: {  	[sflag:s0] =	ssyncadd.tile.s32 @!p0 $0x1;
	_ =	shalt  }
.Lfunc_end2:
_tile_overlayer_lowered:
.L_overlay_start_2:
0xbd: {  	(tag) =	ssettag $0x2  }
0xbe: {  	s0 =	rddreg [dreg:$0x0];
	s2 =	stileid.u32  }
0xbf: {  	s1 =	rddreg [dreg:$0x1];
	p0 =	sne.s32 s2, $0x0  }
0xc0: {  	s3 =	rddreg [dreg:$0x2];
	[bflag:$0x3] =	sbarrier.arrive $0xFFFF;
	s2 =	simm.s32 @!p0 $0x1C03  }
0xc1: {  	[timem:s3], [sflag:s2] =	dma.local @!p0 [hbm:s0], s1  }
0xc2: {  	s0 =	simm.s32 @!p0 $0x3  }
0xc3: {  	_ =	swait.ge @!p0 [sflag:s0], s1  }
0xc4: {  	s1 =	ssub.s32 @!p0 $0x0, s1;
	[sflag:s0] =	ssyncset.done @!p0 $0x0  }
0xc5: {  	[sflag:s0] =	ssyncadd.s32 @!p0 s1  }
0xc6: {  	[bflag:$0x3] =	sbarrier.arrive $0xFFFF  }
0xc7: {  	_ =	shalt  }

// kernel: kernel.20.cloned.1.call-start
scs
__scs_entry_jumppad:
0x0: {  	(pc) =	sbr.rel $0x88, $3  }
0x1: {  	(tag) =	ssettag $0x0;
	lr =	simm.s32 $0x1  }
0x2: {  	[smem:$0x3F90] =	sst lr;
	_ =	strace $0xD0000000  }
0x3: {  	_ = 	snop  }
0x4: {  	_ = 	snop  }
0x5: {  	_ = 	snop  }
0x6: {  	_ = 	snop  }
0x7: {  	_ = 	snop  }
__scs_overlays_trampoline_lowered:
0x8: {  	[smem:$0x3F9F] =	sst s0  }
0x9: {  	[smem:$0x3FA0] =	sst s1  }
0xa: {  	[smem:$0x3FA1] =	sst s2  }
0xb: {  	[smem:$0x3FA2] =	sst s3  }
0xc: {  	[smem:$0x3FA3] =	sst s4  }
0xd: {  	[smem:$0x3FA4] =	sst s5  }
0xe: {  	[smem:$0x3FA5] =	sst s6  }
0xf: {  	[smem:$0x3FA6] =	sst s7  }
0x10: {  	[smem:$0x3FA7] =	sst s8  }
0x11: {  	[smem:$0x3FA8] =	sst s9;
	s0 =	simm.s32 @!p0 $0x0  }
0x12: {  	s1 =	sld [smem:$0x3F8E];
	s0 =	simm.s32 @p0 $0x1  }
0x13: {  	[smem:$0x3FA9] =	sst s0;
	s0 =	simm.s32 @!p1 $0x0  }
0x14: {  	s2 =	sld [smem:$0x3F8D];
	s0 =	simm.s32 @p1 $0x1  }
0x15: {  	[smem:$0x3FAA] =	sst s0;
	s0 =	simm.s32 @!p2 $0x0  }
0x16: {  	s3 =	sld [smem:$0x3FDB];
	s0 =	simm.s32 @p2 $0x1  }
0x17: {  	s4 =	simm.s32 $0x1BF5;
	[smem:$0x3FAC] =	sst s0  }
0x18: {  	s0 =	sld [smem:$0x3F8F];
	_ =	swait.ge [sflag:s4], $0x0  }
0x19: {  	s7 =	sld [smem:$0x3F90]  }
0x1a: {  	s8 =	sadd.s32 $0xFFFFE003, lr  }
0x1b: {  	s9 =	sadd.s32 $0xFFFFFEF7, lr;
	s5 =	simm.s32 $0xFFFFFFFF;
	p2 =	slt.u32 s8, $0xFFFFF086  }
0x1c: {  	p1 =	slt.u32 s9, $0xF7A;
	s5 =	simm.s32 @!p2 $0x0  }
0x1d: {  	s5 =	simm.s32 @p1 $0x1;
	p0 =	seq.s32 s7, s2  }
0x1e: {  	s7 =	smul.u32 @!p0 $0xF7A, s2;
	p2 =	seq.s32 @!p0 s5, $0x0  }
0x1f: {  	s9 =	smul.u32 $0xF7A, s1;
	s8 =	simm.s32 @!p0 $0x1BF5;
	p2 =	por !p2, p0  }
0x20: {  	[sflag:s8] =	ssyncset.s32 @!p0 $0xFFFFF086;
	s6 =	sadd.s32 @!p0 s3, s7;
	s7 =	simm.s32 @!p0 $0x108  }
0x21: {  	s3 =	sadd.s32 s3, s9;
	s6 =	sadd.s32 @!p0 $0x88, s6;
	s7 =	simm.s32 @p2 $0x1082  }
0x22: {  	[simem:s7], [sflag:s8] =	dma.local @!p0 [hbm:s6], $0xF7A  }
0x23: {  	s9 =	sor.u32 $0xD0000000, s2;
	s6 =	simm.s32 $0x108;
	_ =	swait.ge @!p0 [sflag:s8], $0x0  }
0x24: {  	s3 =	sadd.s32 $0x88, s3;
	s6 =	simm.s32 @!p1 $0x1082;
	[sflag:s4] =	ssyncset.s32 $0xFFFFF086  }
0x25: {  	[simem:s6], [sflag:s4] =	dma.local [hbm:s3], $0xF7A  }
0x26: {  	[smem:$0x3F90] =	sst s1;
	(tag) =	ssettag s2;
	_ =	strace s9  }
0x27: {  	s1 =	sld [smem:$0x3FA0]  }
0x28: {  	s2 =	sld [smem:$0x3FA1]  }
0x29: {  	s4 =	sld [smem:$0x3FA3]  }
0x2a: {  	p0 =	seq.s32 s5, $0x0;
	s5 =	sld [smem:$0x3FA4]  }
0x2b: {  	s6 =	sld [smem:$0x3FA5]  }
0x2c: {  	s7 =	sld [smem:$0x3FA6]  }
0x2d: {  	s3 =	simm.s32 $0x108;
	s8 =	sld [smem:$0x3FA7]  }
0x2e: {  	s3 =	simm.s32 @!p0 $0x1082;
	s9 =	sld [smem:$0x3FA8]  }
0x2f: {  	lr =	sadd.s32 s0, s3;
	s0 =	sld [smem:$0x3F9F]  }
0x30: {  	s3 =	sld [smem:$0x3FA2]  }
0x31: {  	[smem:$0x3FAB] =	sst s10  }
0x32: {  	s10 =	sld [smem:$0x3FA9];
	_ =	sdelay $0x3  }
0x33: {  	p0 =	seq.s32 s10, $0x1;
	s10 =	sld [smem:$0x3FAB];
	_ =	sdelay $0x3  }
0x34: {  	[smem:$0x3FAB] =	sst s10  }
0x35: {  	s10 =	sld [smem:$0x3FAA];
	_ =	sdelay $0x3  }
0x36: {  	p1 =	seq.s32 s10, $0x1;
	s10 =	sld [smem:$0x3FAB];
	_ =	sdelay $0x3  }
0x37: {  	[smem:$0x3FAB] =	sst s10  }
0x38: {  	s10 =	sld [smem:$0x3FAC]  }
0x39: {  	_ = 	snop;
	(pc) =	sbr.ind lr, $3  }
0x3a: {  	_ = 	snop  }
0x3b: {  	_ = 	snop  }
0x3c: {  	p2 =	seq.s32 s10, $0x1;
	s10 =	sld [smem:$0x3FAB]  }
0x3d: {  	_ =	shalt  }
0x3e: {  	_ =	shalt  }
0x3f: {  	_ =	shalt  }
0x40: {  	_ =	shalt  }
0x41: {  	_ =	shalt  }
0x42: {  	_ =	shalt  }
0x43: {  	_ =	shalt  }
0x44: {  	_ =	shalt  }
0x45: {  	_ =	shalt  }
0x46: {  	_ =	shalt  }
0x47: {  	_ =	shalt  }
0x48: {  	_ =	shalt  }
0x49: {  	_ =	shalt  }
0x4a: {  	_ =	shalt  }
0x4b: {  	_ =	shalt  }
0x4c: {  	_ =	shalt  }
0x4d: {  	_ =	shalt  }
0x4e: {  	_ =	shalt  }
0x4f: {  	_ =	shalt  }
0x50: {  	_ =	shalt  }
0x51: {  	_ =	shalt  }
0x52: {  	_ =	shalt  }
0x53: {  	_ =	shalt  }
0x54: {  	_ =	shalt  }
0x55: {  	_ =	shalt  }
0x56: {  	_ =	shalt  }
0x57: {  	_ =	shalt  }
0x58: {  	_ =	shalt  }
0x59: {  	_ =	shalt  }
0x5a: {  	_ =	shalt  }
0x5b: {  	_ =	shalt  }
0x5c: {  	_ =	shalt  }
0x5d: {  	_ =	shalt  }
0x5e: {  	_ =	shalt  }
0x5f: {  	_ =	shalt  }
0x60: {  	_ =	shalt  }
0x61: {  	_ =	shalt  }
0x62: {  	_ =	shalt  }
0x63: {  	_ =	shalt  }
0x64: {  	_ =	shalt  }
0x65: {  	_ =	shalt  }
0x66: {  	_ =	shalt  }
0x67: {  	_ =	shalt  }
0x68: {  	_ =	shalt  }
0x69: {  	_ =	shalt  }
0x6a: {  	_ =	shalt  }
0x6b: {  	_ =	shalt  }
0x6c: {  	_ =	shalt  }
0x6d: {  	_ =	shalt  }
0x6e: {  	_ =	shalt  }
0x6f: {  	_ =	shalt  }
0x70: {  	_ =	shalt  }
0x71: {  	_ =	shalt  }
0x72: {  	_ =	shalt  }
0x73: {  	_ =	shalt  }
0x74: {  	_ =	shalt  }
0x75: {  	_ =	shalt  }
0x76: {  	_ =	shalt  }
0x77: {  	_ =	shalt  }
0x78: {  	_ =	shalt  }
0x79: {  	_ =	shalt  }
0x7a: {  	_ =	shalt  }
0x7b: {  	_ =	shalt  }
0x7c: {  	_ =	shalt  }
0x7d: {  	_ =	shalt  }
0x7e: {  	_ =	shalt  }
0x7f: {  	_ =	shalt  }
0x80: {  	_ =	shalt  }
0x81: {  	_ =	shalt  }
0x82: {  	_ =	shalt  }
0x83: {  	_ =	shalt  }
0x84: {  	_ =	shalt  }
0x85: {  	_ =	shalt  }
0x86: {  	_ =	shalt  }
0x87: {  	_ =	shalt  }
.Lfunc_end0:
.L_simem_size_0:
called_computation.3_lowered:
.L_overlay_start_0:
0x88: {  	s2 =	sld [smem:$0x3FD9]  }
0x89: {  	s3 =	sld [smem:$0x3FFE];
	_ =	sdelay $0x1  }
0x8a: {  	s1 =	srdreg.scid  }
0x8b: {  	s0 =	sand.u32 $0x1, s1  }
0x8c: {  	s16 =	sshll.u32 s0, $0xA;
	s2 =	sadd.s32 s3, s2  }
0x8d: {  	s2 =	sadd.s32 s2, s16  }
0x8e: {  	[smem:$0x3FB7] =	sst s2  }
0x8f: {  	_ = 	snop  }
0x90: {  	(tm) =	ssettm $0x1  }
0x91: {  	s17 =	sld [smem:$0x3FFB];
	_ =	sdelay $0x3  }
0x92: {  	_ =	strace s17  }
0x93: {  	s2 =	sld [smem:$0x3FFC];
	_ =	sdelay $0x3  }
0x94: {  	_ =	strace s2  }
0x95: {  	s2 =	sld [smem:$0x3FFD];
	_ =	sdelay $0x3  }
0x96: {  	_ =	strace s2  }
0x97: {  	_ =	strace $0x8FFFFFFF  }
0x98: {  	s18 =	sld [smem:$0x3FDB];
	_ =	sdelay $0x1  }
0x99: {  	s19 =	simm.s32 $_scs_section_size  }
0x9a: {  	s4 =	simm.s32 $_size__tile_overlayer_lowered;
	s5 =	simm.s32 $_tile_overlayer_lowered  }
0x9b: {  	s22 =	simm.s32 $0x1BFF;
	s21 =	sshll.u32 s5, $0x1;
	s2 =	sadd.s32 s19, s18  }
0x9c: {  	s6 =	simm.s32 $0x0;
	s20 =	sshll.u32 s4, $0x1;
	s4 =	sadd.s32 s21, s2  }
0x9d: {  	[timem:s6], [sflag:s22] =	dma.local [hbm:s4], s20  }
0x9e: {  	_ =	swait.ge [sflag:s22], s20  }
0x9f: {  	s3 =	ssub.s32 $0x0, s20;
	[sflag:s22] =	ssyncset.done $0x0  }
0xa0: {  	[sflag:s22] =	ssyncadd.s32 s3;
	_ =	sdelay $0x1  }
0xa1: {  	s23 =	simm.s32 $0x1B8B  }
0xa2: {  	_ =	swait.ge [sflag:s23], $0x1  }
0xa3: {  	[sflag:s23] =	ssyncset.done $0x0  }
0xa4: {  	s25 =	simm.s32 $0x1B8E;
	s24 =	sld [smem:$0x3FFE];
	[sflag:s23] =	ssyncadd.s32 $0xFFFFFFFF  }
0xa5: {  	s26 =	simm.s32 $execute0_lowered;
	[smem:$0x3FD2] =	sst s25  }
0xa6: {  	s4 =	sshll.u32 s26, $0x1;
	_ =	strace $0x8000004F;
	[dreg:$0x1] =	wrdreg $0xFFFFFFFF  }
0xa7: {  	s28 =	simm.s32 $_size_execute0_lowered;
	s2 =	sadd.s32 s2, s4;
	[dreg:$0x0] =	wrdreg $0x0  }
0xa8: {  	s4 =	sshll.u32 s28, $0x1;
	[dreg:$0x2] =	wrdreg s2  }
0xa9: {  	[dreg:$0x3] =	wrdreg s4  }
0xaa: {  	[dreg:$0x4] =	wrdreg $0xC0  }
0xab: {  	_ =	task [dreg:s6], $0x5FFFF  }
0xac: {  	[dreg:$0x1] =	wrdreg $0xFFFFFFFF  }
0xad: {  	[dreg:$0x0] =	wrdreg $0x60  }
0xae: {  	[dreg:$0x2] =	wrdreg s24  }
0xaf: {  	[dreg:$0x3] =	wrdreg $0x9  }
0xb0: {  	_ =	task.clear_ibuf [dreg:s6], $0x4FFFF;
	_ =	strace $0x9000004F  }
0xb1: {  	s29 =	simm.s32 $0x9;
	_ =	strace $0x80000051  }
0xb2: {  	_ =	swait.ge [sflag:s29], $0x1  }
0xb3: {  	[sflag:s29] =	ssyncadd.s32 $0xFFFFFFFF  }
0xb4: {  	_ =	strace $0x90000051  }
0xb5: {  	_ =	sfence  }
0xb6: {  	s30 =	sld [smem:$0x0];
	_ =	sdelay $0x2  }
0xb7: {  	s31 =	sshll.u32 s1, $0xD;
	s1 =	sshrl.u32 s1, $0x2  }
0xb8: {  	s3 =	sand.u32 $0x4000, s31;
	s1 =	sadd.s32 s1, s30  }
0xb9: {  	s0 =	sor.u32 s3, s0;
	s1 =	sshll.u32 s1, $0x11  }
0xba: {  	s0 =	sor.u32 s1, s0  }
0xbb: {  	s0 =	sadd.s32 $0x8F2B, s0  }
0xbc: {  	[sflag:s0] =	ssyncadd.remote.s32 $0x1  }
0xbd: {  	_ =	sfence.sel $0xFFFF  }
0xbe: {  	[dreg:$0x0] =	wrdreg $0xFFFFFFFF;
	(pc) =	sbr.abs _section_cstart, $3  }
0xbf: {  	[dreg:$0x1] =	wrdreg $0xFFFFFFFF  }
0xc0: {  	_ =	task.clear_ibuf [dreg:s6], $0x2FFFF;
	_ =	strace $0x9FFFFFFF  }
0xc1: {  	(tm) =	ssettm $0x7FFFFFFF  }
tec
execute0_lowered:
.L_overlay_start_1:
0x0: {  	(tag) =	ssettag $0x1  }
0x1: {  	s0 =	srdreg.scid  }
0x2: {  	s15 =	stileid.u32;
	s1 =	rddreg [dreg:$0x0]  }
0x3: {  	s2 =	simm.s32 $0x0;
	s17 =	simm.s32 $0xD00;
	s18 =	simm.s32 $0x80  }
0x4: {  	s19 =	simm.s32 $0x1A00;
	s20 =	simm.s32 $0x9A00;
	s21 =	simm.s32 $0x5A00  }
0x5: {  	s23 =	simm.s32 $0xDA00;
	s24 =	simm.s32 $0x1;
	s25 =	simm.s32 $0x3  }
0x6: {  	s28 =	simm.s32 $0x4;
	s29 =	simm.s32 $0x0;
	s11 =	smul.u32 $0xD0000, s15  }
0x7: {  	s0 =	sand.u32 $0x1, s0;
	s3 =	sshll.u32 s15, $0x1;
	s15 =	smul.u32 $0x1A000, s15  }
0x8: {  	[smem:$0x7FF] =	sst s2;
	s4 =	sadd.s32 $0x5400, s1;
	s12 =	smul.u32 $0x68000, s0  }
0x9: {  	s6 =	sor.u32 s0, s3;
	s26 =	ssub.s32 $0x2, s0;
	s0 =	smul.u32 $0xD000, s0  }
0xa: {  	s13 =	sadd.s32 $0xFA000, s1;
	_ =	strace $0x80000050;
	s5 =	smul.u32 $0xD00, s6  }
0xb: {  	s3 =	sadd.s32 $0x2D400, s1;
	s8 =	sshrl.u32 s26, $0x1;
	s9 =	smul.u32 $0x68000, s6  }
0xc: {  	s10 =	smul.u32 $0xD000, s6;
	s16 =	sadd.s32 s15, s13;
	s8 =	ssub.s32 s26, s8  }
0xd: {  	s12 =	sadd.s32 s12, s11;
	s31 =	sadd.s32 s0, s16;
	s16 =	simm.s32 $0x5  }
0xe: {  	s5 =	sshrl.u32 s5, $0x3;
	s9 =	sshrl.u32 s9, $0x3;
	s14 =	sadd.s32 $0xC800, s10  }
0xf: {  	s30 =	sshrl.u32 s12, $0x3;
	s7 =	sadd.s32 s5, s1;
	s1 =	sadd.s32 $0x29A000, s1  }
0x10: {  	s9 =	sadd.s32 $0xC000, s9;
	s5 =	sadd.s32 $0xF6C00, s7;
	s6 =	sadd.s32 $0xF3800, s7  }
0x11: {  	s7 =	smax.u32 s8, $0x1;
	s8 =	sadd.s32 s13, s9;
	s9 =	sadd.s32 s1, s9  }
0x12: {  	s11 =	sadd.s32 s1, s14;
	s12 =	sadd.s32 s30, s1;
	s1 =	sadd.s32 s15, s1  }
0x13: {  	s26 =	simm.s32 $0x2;
	s10 =	sadd.s32 s13, s14;
	s0 =	sadd.s32 s0, s1  }
0x14: {  	s13 =	sadd.s32 s30, s13;
	s14 =	sadd.s32 $0x800, s31;
	s15 =	sadd.s32 $0x800, s0  }
.LBB2_1:
0x15: {  	[tilespmem:s2], [sflag:$0x5] =	stream.linear.gather [hbm4b:s5+s2], $0xD00, $0x38;
	[tilespmem:$0x11A00] =	vst v63  }
0x16: {  	_ =	swait.ge [sflag:s16], $0xD00  }
0x17: {  	[sflag:s16] =	ssyncset.done $0x0  }
0x18: {  	[sflag:s16] =	ssyncadd.s32 $0xFFFFF300  }
0x19: {  	[tilespmem:s17], [sflag:$0x5] =	stream.linear.gather [hbm4b:s6+s2], $0xD00, $0x38;
	[tilespmem:$0x11A00] =	vst v63  }
0x1a: {  	_ =	swait.ge [sflag:s16], $0xD00  }
0x1b: {  	[sflag:s16] =	ssyncset.done $0x0  }
0x1c: {  	[sflag:s16] =	ssyncadd.s32 $0xFFFFF300  }
0x1d: {  	[tilespmem:s19], [sflag:$0x1] =	stream.indirect.gather [hbm4b:s3+s18], $0x80, s2, s18, $0xb8;
	[tilespmem:$0x11A00] =	vst v63  }
0x1e: {  	_ = 	snop  }
0x1f: {  	[tilespmem:s20], [sflag:$0x3] =	stream.indirect.gather [hbm4b:s4+s18], $0x80, s17, s18, $0xb8;
	[tilespmem:$0x11A00] =	vst v63  }
0x20: {  	_ = 	snop  }
0x21: {  	[tilespmem:s21], [sflag:$0x2] =	stream.indirect.gather [hbm4b:s3+s18], $0x80, s18, s18, $0xb8;
	[tilespmem:$0x11A00] =	vst v63  }
0x22: {  	s0 =	simm.s32 $0xD80  }
0x23: {  	[tilespmem:s23], [sflag:$0x4] =	stream.indirect.gather [hbm4b:s4+s18], $0x80, s0, s18, $0xb8;
	[tilespmem:$0x11A00] =	vst v63  }
0x24: {  	_ =	swait.ge [sflag:s24], $0x4000  }
0x25: {  	[sflag:s24] =	ssyncset.done $0x0  }
0x26: {  	[sflag:s24] =	ssyncadd.s32 $0xFFFFC000  }
0x27: {  	_ =	swait.ge [sflag:s25], $0x4000  }
0x28: {  	[sflag:s25] =	ssyncset.done $0x0  }
0x29: {  	s22 =	sadd.s32 $0x0, s13;
	[sflag:s25] =	ssyncadd.s32 $0xFFFFC000  }
0x2a: {  	[hbm4b:s22+s2] =	stream.linear.scatter [tilespmem:s19], [sflag:$0x5], $0x4000, $0x38;
	[tilespmem:$0x11A00] =	vst v63  }
0x2b: {  	_ =	swait.ge [sflag:s16], $0x4000  }
0x2c: {  	[sflag:s16] =	ssyncset.done $0x0  }
0x2d: {  	s1 =	sadd.s32 $0x0, s12;
	[sflag:s16] =	ssyncadd.s32 $0xFFFFC000  }
0x2e: {  	[hbm4b:s1+s2] =	stream.linear.scatter [tilespmem:s20], [sflag:$0x5], $0x4000, $0x38;
	[tilespmem:$0x11A00] =	vst v63  }
0x2f: {  	_ =	swait.ge [sflag:s16], $0x4000  }
0x30: {  	[sflag:s16] =	ssyncset.done $0x0  }
0x31: {  	s22 =	simm.s32 $0x100;
	[sflag:s16] =	ssyncadd.s32 $0xFFFFC000  }
0x32: {  	[tilespmem:s19], [sflag:$0x1] =	stream.indirect.gather [hbm4b:s3+s18], $0x80, s22, s18, $0xb8;
	[tilespmem:$0x11A00] =	vst v63  }
0x33: {  	s1 =	simm.s32 $0xE00  }
0x34: {  	[tilespmem:s20], [sflag:$0x3] =	stream.indirect.gather [hbm4b:s4+s18], $0x80, s1, s18, $0xb8;
	[tilespmem:$0x11A00] =	vst v63  }
0x35: {  	_ =	swait.ge [sflag:s26], $0x4000  }
0x36: {  	[sflag:s26] =	ssyncset.done $0x0  }
0x37: {  	[sflag:s26] =	ssyncadd.s32 $0xFFFFC000  }
0x38: {  	_ =	swait.ge [sflag:s28], $0x4000  }
0x39: {  	[sflag:s28] =	ssyncset.done $0x0  }
0x3a: {  	s22 =	sadd.s32 $0x0, s14;
	[sflag:s28] =	ssyncadd.s32 $0xFFFFC000  }
0x3b: {  	[hbm4b:s22+s2] =	stream.linear.scatter [tilespmem:s21], [sflag:$0x5], $0x4000, $0x38;
	[tilespmem:$0x11A00] =	vst v63  }
0x3c: {  	_ =	swait.ge [sflag:s16], $0x4000  }
0x3d: {  	[sflag:s16] =	ssyncset.done $0x0  }
0x3e: {  	s1 =	sadd.s32 $0x0, s15;
	[sflag:s16] =	ssyncadd.s32 $0xFFFFC000  }
0x3f: {  	[hbm4b:s1+s2] =	stream.linear.scatter [tilespmem:s23], [sflag:$0x5], $0x4000, $0x38;
	[tilespmem:$0x11A00] =	vst v63  }
0x40: {  	s30 =	simm.s32 $0x1000;
	_ =	swait.ge [sflag:s16], $0x4000  }
0x41: {  	s31 =	simm.s32 $0xF00;
	s0 =	simm.s32 $0xE80;
	[sflag:s16] =	ssyncset.done $0x0  }
0x42: {  	s22 =	simm.s32 $0x180;
	s1 =	simm.s32 $0x200;
	[sflag:s16] =	ssyncadd.s32 $0xFFFFC000  }
0x43: {  	[tilespmem:s21], [sflag:$0x2] =	stream.indirect.gather [hbm4b:s3+s18], $0x80, s22, s18, $0xb8;
	[tilespmem:$0x11A00] =	vst v63  }
.LBB2_2:
0x44: {  	[tilespmem:s23], [sflag:$0x4] =	stream.indirect.gather [hbm4b:s4+s18], $0x80, s0, s18, $0xb8;
	[tilespmem:$0x11A00] =	vst v63  }
0x45: {  	s0 =	smov.u32 s30  }
0x46: {  	p0 =	sne.s32 s30, $0xB000;
	s30 =	sadd.s32 $0x1000, s30;
	_ =	swait.ge [sflag:s24], $0x4000  }
0x47: {  	[sflag:s24] =	ssyncset.done $0x0  }
0x48: {  	[sflag:s24] =	ssyncadd.s32 $0xFFFFC000  }
0x49: {  	_ =	swait.ge [sflag:s25], $0x4000  }
0x4a: {  	[sflag:s25] =	ssyncset.done $0x0  }
0x4b: {  	s22 =	sadd.s32 s0, s13;
	[sflag:s25] =	ssyncadd.s32 $0xFFFFC000  }
0x4c: {  	[hbm4b:s22+s2] =	stream.linear.scatter [tilespmem:s19], [sflag:$0x5], $0x4000, $0x38;
	[tilespmem:$0x11A00] =	vst v63  }
0x4d: {  	_ =	swait.ge [sflag:s16], $0x4000  }
0x4e: {  	[sflag:s16] =	ssyncset.done $0x0  }
0x4f: {  	s22 =	sadd.s32 s0, s12;
	[sflag:s16] =	ssyncadd.s32 $0xFFFFC000  }
0x50: {  	[hbm4b:s22+s2] =	stream.linear.scatter [tilespmem:s20], [sflag:$0x5], $0x4000, $0x38;
	[tilespmem:$0x11A00] =	vst v63  }
0x51: {  	_ =	swait.ge [sflag:s16], $0x4000  }
0x52: {  	[sflag:s16] =	ssyncset.done $0x0  }
0x53: {  	[sflag:s16] =	ssyncadd.s32 $0xFFFFC000  }
0x54: {  	[tilespmem:s19], [sflag:$0x1] =	stream.indirect.gather [hbm4b:s3+s18], $0x80, s1, s18, $0xb8;
	[tilespmem:$0x11A00] =	vst v63  }
0x55: {  	_ = 	snop  }
0x56: {  	[tilespmem:s20], [sflag:$0x3] =	stream.indirect.gather [hbm4b:s4+s18], $0x80, s31, s18, $0xb8;
	[tilespmem:$0x11A00] =	vst v63  }
0x57: {  	_ =	swait.ge [sflag:s26], $0x4000  }
0x58: {  	[sflag:s26] =	ssyncset.done $0x0  }
0x59: {  	[sflag:s26] =	ssyncadd.s32 $0xFFFFC000  }
0x5a: {  	_ =	swait.ge [sflag:s28], $0x4000  }
0x5b: {  	[sflag:s28] =	ssyncset.done $0x0  }
0x5c: {  	s22 =	sadd.s32 s0, s14;
	[sflag:s28] =	ssyncadd.s32 $0xFFFFC000  }
0x5d: {  	[hbm4b:s22+s2] =	stream.linear.scatter [tilespmem:s21], [sflag:$0x5], $0x4000, $0x38;
	[tilespmem:$0x11A00] =	vst v63  }
0x5e: {  	_ =	swait.ge [sflag:s16], $0x4000  }
0x5f: {  	[sflag:s16] =	ssyncset.done $0x0  }
0x60: {  	s0 =	sadd.s32 s0, s15;
	[sflag:s16] =	ssyncadd.s32 $0xFFFFC000  }
0x61: {  	[hbm4b:s0+s2] =	stream.linear.scatter [tilespmem:s23], [sflag:$0x5], $0x4000, $0x38;
	[tilespmem:$0x11A00] =	vst v63  }
.Ltmp0:
0x62: {  	_ =	swait.ge [sflag:s16], $0x4000;
	(pc) =	sbr.rel @p0 .LBB2_2-.Ltmp0, $4  }
0x63: {  	[sflag:s16] =	ssyncset.done $0x0  }
0x64: {  	s0 =	sadd.s32 $0x80, s1;
	[sflag:s16] =	ssyncadd.s32 $0xFFFFC000  }
0x65: {  	[tilespmem:s21], [sflag:$0x2] =	stream.indirect.gather [hbm4b:s3+s18], $0x80, s0, s18, $0xb8;
	[tilespmem:$0x11A00] =	vst v63  }
0x66: {  	s1 =	sadd.s32 $0x100, s1;
	s0 =	sadd.s32 $0x80, s31;
	s31 =	sadd.s32 $0x100, s31  }
0x67: {  	[tilespmem:s23], [sflag:$0x4] =	stream.indirect.gather [hbm4b:s4+s18], $0x80, s0, s18, $0xb8;
	[tilespmem:$0x11A00] =	vst v63  }
0x68: {  	_ =	swait.ge [sflag:s24], $0x4000  }
0x69: {  	[sflag:s24] =	ssyncset.done $0x0  }
0x6a: {  	[sflag:s24] =	ssyncadd.s32 $0xFFFFC000  }
0x6b: {  	_ =	swait.ge [sflag:s25], $0x4000  }
0x6c: {  	[sflag:s25] =	ssyncset.done $0x0  }
0x6d: {  	[sflag:s25] =	ssyncadd.s32 $0xFFFFC000  }
0x6e: {  	[hbm4b:s8+s2] =	stream.linear.scatter [tilespmem:s19], [sflag:$0x5], $0x4000, $0x38;
	[tilespmem:$0x11A00] =	vst v63  }
0x6f: {  	_ =	swait.ge [sflag:s16], $0x4000  }
0x70: {  	[sflag:s16] =	ssyncset.done $0x0  }
0x71: {  	[sflag:s16] =	ssyncadd.s32 $0xFFFFC000  }
0x72: {  	[hbm4b:s9+s2] =	stream.linear.scatter [tilespmem:s20], [sflag:$0x5], $0x4000, $0x38;
	[tilespmem:$0x11A00] =	vst v63  }
0x73: {  	_ =	swait.ge [sflag:s16], $0x4000  }
0x74: {  	[sflag:s16] =	ssyncset.done $0x0  }
0x75: {  	[sflag:s16] =	ssyncadd.s32 $0xFFFFC000  }
0x76: {  	_ =	swait.ge [sflag:s26], $0x4000  }
0x77: {  	[sflag:s26] =	ssyncset.done $0x0  }
0x78: {  	[sflag:s26] =	ssyncadd.s32 $0xFFFFC000  }
0x79: {  	_ =	swait.ge [sflag:s28], $0x4000  }
0x7a: {  	[sflag:s28] =	ssyncset.done $0x0  }
0x7b: {  	[sflag:s28] =	ssyncadd.s32 $0xFFFFC000  }
0x7c: {  	[hbm4b:s10+s2] =	stream.linear.scatter [tilespmem:s21], [sflag:$0x5], $0x4000, $0x38;
	[tilespmem:$0x11A00] =	vst v63  }
0x7d: {  	s29 =	sadd.s32 $0x1, s29;
	_ =	swait.ge [sflag:s16], $0x4000  }
0x7e: {  	p0 =	sne.s32 s29, s7;
	[sflag:s16] =	ssyncset.done $0x0  }
.Ltmp1:
0x7f: {  	[sflag:s16] =	ssyncadd.s32 $0xFFFFC000;
	(pc) =	sbr.rel @p0 .LBB2_1-.Ltmp1, $4  }
0x80: {  	[hbm4b:s11+s2] =	stream.linear.scatter [tilespmem:s23], [sflag:$0x5], $0x4000, $0x38;
	[tilespmem:$0x11A00] =	vst v63  }
0x81: {  	_ =	swait.ge [sflag:s16], $0x4000  }
0x82: {  	[sflag:s16] =	ssyncset.done $0x0  }
0x83: {  	[sflag:s16] =	ssyncadd.s32 $0xFFFFC000  }
0x84: {  	_ =	sfence.sel $0x180000  }
0x85: {  	[bflag:$0x0] =	sbarrier.arrive $0xFFFF  }
0x86: {  	_ =	strace $0x90000050  }
0x87: {  	s0 =	stileid.u32;
	[bflag:$0x2] =	sbarrier.arrive $0xFFFF  }
0x88: {  	p0 =	sne.s32 s0, $0x0;
	s0 =	rddreg [dreg:$0x1]  }
0x89: {  	s0 =	sadd.s32 @!p0 $0x100000, s0  }
0x8a: {  	[sflag:s0] =	ssyncadd.tile.s32 @!p0 $0x1;
	_ =	shalt  }
.Lfunc_end2:
_tile_overlayer_lowered:
.L_overlay_start_2:
0x8b: {  	(tag) =	ssettag $0x2  }
0x8c: {  	s0 =	rddreg [dreg:$0x0];
	s2 =	stileid.u32  }
0x8d: {  	s1 =	rddreg [dreg:$0x1];
	p0 =	sne.s32 s2, $0x0  }
0x8e: {  	s3 =	rddreg [dreg:$0x2];
	[bflag:$0x3] =	sbarrier.arrive $0xFFFF;
	s2 =	simm.s32 @!p0 $0x1C05  }
0x8f: {  	[timem:s3], [sflag:s2] =	dma.local @!p0 [hbm:s0], s1  }
0x90: {  	s0 =	simm.s32 @!p0 $0x5  }
0x91: {  	_ =	swait.ge @!p0 [sflag:s0], s1  }
0x92: {  	s1 =	ssub.s32 @!p0 $0x0, s1;
	[sflag:s0] =	ssyncset.done @!p0 $0x0  }
0x93: {  	[sflag:s0] =	ssyncadd.s32 @!p0 s1  }
0x94: {  	[bflag:$0x3] =	sbarrier.arrive $0xFFFF  }
0x95: {  	_ =	shalt  }

</sc_bundles>
